<compile_context>
chip_gen: v7x
topology: tpu7x:2x2x1
jax: 0.10.2.dev20260603
libtpu: 0.0.44.dev20260713+nightly
codegen_flags: <defaults>
</compile_context>

<pallas_src>
import functools

import jax
import jax.numpy as jnp
from jax import lax
from jax.experimental import pallas as pl
from jax.experimental.pallas import tpu as pltpu
from jax.experimental.pallas import tpu_sc as plsc

_N = 10000
_E = 320000
_D = 128
_HH = 64
_NPAD = 10112
_NW = 32
_BLK = 128
_NBLK = 80
_EW = _NBLK * _BLK
_EPAD = _NW * _EW
_STRIPE = _NPAD // 16


def _vgather16(v, idx):
    return lax.gather(
        v, idx[:, None],
        lax.GatherDimensionNumbers(
            offset_dims=(), collapsed_slice_dims=(0,), start_index_map=(0,)),
        (1,), mode=lax.GatherScatterMode.PROMISE_IN_BOUNDS)


def _tc1_body(x_ref, w1_ref, asf_ref, adf_ref, ps_ref, pd_ref, h_ref, a16_ref):
    h = jnp.dot(x_ref[...], w1_ref[...], preferred_element_type=jnp.float32)
    h_ref[pl.ds(0, _N), :] = h
    h_ref[pl.ds(_N, _NPAD - _N), :] = jnp.zeros((_NPAD - _N, _HH),
                                                jnp.float32)
    ts = h * asf_ref[...]
    td = h * adf_ref[...]
    a16_ref[pl.ds(0, _N), :] = (
        jnp.dot(ts, ps_ref[...], preferred_element_type=jnp.float32)
        + jnp.dot(td, pd_ref[...], preferred_element_type=jnp.float32))
    a16_ref[pl.ds(_N, _NPAD - _N), :] = jnp.zeros((_NPAD - _N, 16),
                                                  jnp.float32)


def _tc1(x, w1, asf, adf, ps, pd):
    return pl.pallas_call(
        _tc1_body,
        out_shape=[
            jax.ShapeDtypeStruct((_NPAD, _HH), jnp.float32),
            jax.ShapeDtypeStruct((_NPAD, 16), jnp.float32),
        ],
    )(x, w1, asf, adf, ps, pd)


def _sc1_body(a16_hbm, h1_hbm, src_hbm, dst_hbm, num_out, den_out,
              idx_s, idx_d, S0, T0, Hb0, EX0, S1, T1, Hb1, EX1, ZI,
              num_acc, den_acc, sem0, sem1):
    cid = lax.axis_index("c")
    sid = lax.axis_index("s")
    gwid = cid * 16 + sid

    zv = jnp.zeros((16,), jnp.float32)
    iota = lax.iota(jnp.int32, 16)
    base = sid * _STRIPE

    def zb_body(i, _):
        EX0[i, :] = zv
        for jj in range(4):
            Hb0[i, pl.ds(jj * 16, 16)] = zv
        zi = jnp.minimum(base + (i // 8) * 128 + (i % 8) * 16 + iota,
                         base + _STRIPE - 1)
        ZI[i // 8, pl.ds((i % 8) * 16, 16)] = zi
        return 0
    lax.fori_loop(0, _BLK, zb_body, 0)
    for k in range(5):
        pltpu.sync_copy(EX0, den_acc.at[ZI.at[k]])
        pltpu.sync_copy(Hb0, num_acc.at[ZI.at[k]])
    plsc.subcore_barrier()

    pltpu.sync_copy(src_hbm.at[gwid], idx_s)
    pltpu.sync_copy(dst_hbm.at[gwid], idx_d)

    idx_hi = (iota & 7) + 8
    idx_b = [(iota >> 3) + 2 * j for j in range(4)]

    def issue(k, S, T, Hb, sem):
        svi = idx_s.at[k]
        pltpu.async_copy(a16_hbm.at[svi], S, sem)
        pltpu.async_copy(a16_hbm.at[idx_d.at[k]], T, sem)
        pltpu.async_copy(h1_hbm.at[svi], Hb, sem)

    def drain(S, T, Hb, sem):
        pltpu.make_async_copy(a16_hbm.at[pl.ds(0, _BLK)], S, sem).wait()
        pltpu.make_async_copy(a16_hbm.at[pl.ds(0, _BLK)], T, sem).wait()
        pltpu.make_async_copy(h1_hbm.at[pl.ds(0, _BLK)], Hb, sem).wait()

    def phase(k, S, T, Hb, EX, sem, So, To, Hbo, semo):
        @pl.when(k + 1 < _NBLK)
        def _():
            issue(k + 1, So, To, Hbo, semo)
        drain(S, T, Hb, sem)

        @plsc.parallel_loop(0, _BLK, unroll=4)
        def e_body(e):
            sv = S[e, :]
            tv = T[e, :]
            al = sv + _vgather16(tv, idx_hi)
            al = jnp.maximum(al, 0.2 * al)
            ex = jnp.exp(al)
            EX[e, :] = ex
            for jj in range(4):
                b = _vgather16(ex, idx_b[jj])
                Hb[e, pl.ds(jj * 16, 16)] = Hb[e, pl.ds(jj * 16, 16)] * b

        dvi = idx_d.at[k]
        pltpu.sync_copy(EX, den_acc.at[dvi], add=True)
        pltpu.sync_copy(Hb, num_acc.at[dvi], add=True)

    issue(0, S0, T0, Hb0, sem0)

    def pair_body(j, _):
        k = 2 * j
        phase(k, S0, T0, Hb0, EX0, sem0, S1, T1, Hb1, sem1)
        phase(k + 1, S1, T1, Hb1, EX1, sem1, S0, T0, Hb0, sem0)
        return 0
    lax.fori_loop(0, _NBLK // 2, pair_body, 0)

    plsc.subcore_barrier()
    pltpu.sync_copy(num_acc.at[pl.ds(base, _STRIPE)],
                    num_out.at[cid, pl.ds(base, _STRIPE)])
    pltpu.sync_copy(den_acc.at[pl.ds(base, _STRIPE)],
                    den_out.at[cid, pl.ds(base, _STRIPE)])


def _sc1(a16p, h1p, srcp, dstp):
    mesh = plsc.VectorSubcoreMesh(core_axis_name="c", subcore_axis_name="s")
    f = functools.partial(
        pl.kernel,
        mesh=mesh,
        out_type=[
            jax.ShapeDtypeStruct((2, _NPAD, _HH), jnp.float32),
            jax.ShapeDtypeStruct((2, _NPAD, 16), jnp.float32),
        ],
        scratch_types=[
            pltpu.VMEM((_NBLK, _BLK), jnp.int32),
            pltpu.VMEM((_NBLK, _BLK), jnp.int32),
            pltpu.VMEM((_BLK, 16), jnp.float32),
            pltpu.VMEM((_BLK, 16), jnp.float32),
            pltpu.VMEM((_BLK, _HH), jnp.float32),
            pltpu.VMEM((_BLK, 16), jnp.float32),
            pltpu.VMEM((_BLK, 16), jnp.float32),
            pltpu.VMEM((_BLK, 16), jnp.float32),
            pltpu.VMEM((_BLK, _HH), jnp.float32),
            pltpu.VMEM((_BLK, 16), jnp.float32),
            pltpu.VMEM((5, _BLK), jnp.int32),
            pltpu.VMEM_SHARED((_NPAD, _HH), jnp.float32),
            pltpu.VMEM_SHARED((_NPAD, 16), jnp.float32),
            pltpu.SemaphoreType.DMA,
            pltpu.SemaphoreType.DMA,
        ],
        compiler_params=pltpu.CompilerParams(use_tc_tiling_on_sc=False, needs_layout_passes=False),
    )(_sc1_body)
    return f(a16p, h1p, srcp, dstp)


def _tc2_body(num_ref, den_ref, b1_ref, w2_ref, q_ref, h2_ref):
    num = num_ref[0] + num_ref[1]
    den = den_ref[0] + den_ref[1]
    den64 = jnp.dot(den, q_ref[...], preferred_element_type=jnp.float32)
    out1 = num / (den64 + 1e-16) + b1_ref[...]
    h = jnp.where(out1 > 0, out1, jnp.exp(out1) - 1.0)
    h2_ref[...] = jnp.dot(h, w2_ref[...], preferred_element_type=jnp.float32)


def _tc2(num, den, b1r, w2, q):
    return pl.pallas_call(
        _tc2_body,
        out_shape=jax.ShapeDtypeStruct((_NPAD, 1), jnp.float32),
    )(num, den, b1r, w2, q)


def _sc2_body(h2_hbm, src_hbm, dst_hbm, as2_hbm, ad2_hbm, acc_out,
              h2v, idx_s, idx_d, RB, CV, ZI, acc, sem):
    cid = lax.axis_index("c")
    sid = lax.axis_index("s")
    gwid = cid * 16 + sid

    zv = jnp.zeros((16,), jnp.float32)
    iota = lax.iota(jnp.int32, 16)
    base = sid * _STRIPE

    def rb_body(i, _):
        RB[i, :] = zv
        zi = jnp.minimum(base + (i // 8) * 128 + (i % 8) * 16 + iota,
                         base + _STRIPE - 1)
        ZI[i // 8, pl.ds((i % 8) * 16, 16)] = zi
        return 0
    lax.fori_loop(0, _BLK, rb_body, 0)
    for k in range(5):
        pltpu.sync_copy(RB, acc.at[ZI.at[k]])
    plsc.subcore_barrier()

    pltpu.sync_copy(h2_hbm, h2v)
    pltpu.sync_copy(src_hbm.at[gwid], idx_s)
    pltpu.sync_copy(dst_hbm.at[gwid], idx_d)
    pltpu.sync_copy(as2_hbm, CV.at[0])
    pltpu.sync_copy(ad2_hbm, CV.at[1])
    as2 = CV[0, :]
    ad2 = CV[1, :]

    zero16 = jnp.zeros((16,), jnp.int32)
    one16 = zero16 + 1

    def blk_body(j, _):
        def v_body(k, _):
            sv = idx_s[j, pl.ds(k * 16, 16)]
            dv = idx_d[j, pl.ds(k * 16, 16)]
            hs = plsc.load_gather(h2v, [sv])
            hd = plsc.load_gather(h2v, [dv])
            al = as2 * hs + ad2 * hd
            al = jnp.where(al > 0, al, 0.2 * al)
            ex = jnp.exp(al)
            lanes = iota + k * 16
            plsc.store_scatter(RB, [lanes, zero16], ex * hs)
            plsc.store_scatter(RB, [lanes, one16], ex)
            return 0
        lax.fori_loop(0, 8, v_body, 0)
        pltpu.sync_copy(RB, acc.at[idx_d.at[j]], add=True)
        return 0
    lax.fori_loop(0, _NBLK, blk_body, 0)

    plsc.subcore_barrier()
    pltpu.sync_copy(acc.at[pl.ds(base, _STRIPE)],
                    acc_out.at[cid, pl.ds(base, _STRIPE)])


def _sc2(h2f, srcp, dstp, as2sp, ad2sp):
    mesh = plsc.VectorSubcoreMesh(core_axis_name="c", subcore_axis_name="s")
    f = functools.partial(
        pl.kernel,
        mesh=mesh,
        out_type=jax.ShapeDtypeStruct((2, _NPAD, 16), jnp.float32),
        scratch_types=[
            pltpu.VMEM((_NPAD,), jnp.float32),
            pltpu.VMEM((_NBLK, _BLK), jnp.int32),
            pltpu.VMEM((_NBLK, _BLK), jnp.int32),
            pltpu.VMEM((_BLK, 16), jnp.float32),
            pltpu.VMEM((2, 16), jnp.float32),
            pltpu.VMEM((5, _BLK), jnp.int32),
            pltpu.VMEM_SHARED((_NPAD, 16), jnp.float32),
            pltpu.SemaphoreType.DMA,
        ],
        compiler_params=pltpu.CompilerParams(use_tc_tiling_on_sc=False, needs_layout_passes=False),
    )(_sc2_body)
    return f(h2f, srcp, dstp, as2sp, ad2sp)


def _tc3_body(acc_ref, b2_ref, o_ref):
    a = acc_ref[0] + acc_ref[1]
    out = a[:, 0:1] / (a[:, 1:2] + 1e-16) + b2_ref[...]
    o_ref[...] = jax.nn.sigmoid(out)


def _tc3(acc, b2r):
    return pl.pallas_call(
        _tc3_body,
        out_shape=jax.ShapeDtypeStruct((_NPAD, 1), jnp.float32),
    )(acc, b2r)


def kernel(x, edge_index, W1, att_src1, att_dst1, b1, W2, att_src2,
           att_dst2, b2):
    f32 = jnp.float32
    src = edge_index[0]
    dst = edge_index[1]
    pad = _EPAD - _E
    dummy = _N + (jnp.arange(pad, dtype=jnp.int32) % (_NPAD - _N))
    srcp = jnp.concatenate([src, dummy]).reshape(_NW, _NBLK, _BLK)
    dstp = jnp.concatenate([dst, dummy]).reshape(_NW, _NBLK, _BLK)

    asf = att_src1.reshape(1, _HH)
    adf = att_dst1.reshape(1, _HH)
    rows64 = jnp.arange(_HH) // 8
    ps = (rows64[:, None] == jnp.arange(16)[None, :]).astype(f32)
    pd = ((rows64[:, None] + 8) == jnp.arange(16)[None, :]).astype(f32)
    q = (jnp.arange(16)[:, None] == rows64[None, :]).astype(f32)

    h1p, a16p = _tc1(x, W1, asf, adf, ps, pd)

    num, den = _sc1(a16p, h1p, srcp, dstp)

    h2 = _tc2(num, den, b1.reshape(1, _HH), W2, q)
    h2f = h2.reshape(_NPAD)
    ones16 = jnp.ones((16,), f32)
    as2sp = att_src2.reshape(()) * ones16
    ad2sp = att_dst2.reshape(()) * ones16

    acc2 = _sc2(h2f, srcp, dstp, as2sp, ad2sp)

    out = _tc3(acc2, b2.reshape(1, 1))
    return out[:_N]

# --- scband reference (transcript-rebuilt; emitter-appended) ---
"""Pipeline reference for scband-gat-28724741275648 (READ-ONLY COPY).

The authoritative reference and input builder live on the scoring server;
editing this copy changes nothing except your own understanding.
"""

import jax, jax.numpy as jnp
import numpy as np

N = 10000
E = 320000
D = 128
HID = 8
HEADS = 8


def setup_inputs(seed: int = 0) -> dict:
    key = jax.random.key(seed)
    ks = jax.random.split(key, 10)
    x = jax.random.normal(ks[0], (N, D), dtype=jnp.float32)
    edge_index = jax.random.randint(ks[1], (2, E), 0, N, dtype=jnp.int32)
    W1 = jax.random.normal(ks[2], (D, HEADS * HID), dtype=jnp.float32) * 0.1
    att_src1 = jax.random.normal(ks[3], (1, HEADS, HID), dtype=jnp.float32) * 0.1
    att_dst1 = jax.random.normal(ks[4], (1, HEADS, HID), dtype=jnp.float32) * 0.1
    b1 = jnp.zeros((HEADS * HID,), dtype=jnp.float32)
    W2 = jax.random.normal(ks[5], (HEADS * HID, 1), dtype=jnp.float32) * 0.1
    att_src2 = jax.random.normal(ks[6], (1, 1, 1), dtype=jnp.float32) * 0.1
    att_dst2 = jax.random.normal(ks[7], (1, 1, 1), dtype=jnp.float32) * 0.1
    b2 = jnp.zeros((1,), dtype=jnp.float32)
    return {"x": x, "edge_index": edge_index, "W1": W1, "att_src1": att_src1,
            "att_dst1": att_dst1, "b1": b1, "W2": W2, "att_src2": att_src2,
            "att_dst2": att_dst2, "b2": b2}


def _gat_conv(x, edge_index, W, att_src, att_dst, bias, heads, out_c, concat):
    n = x.shape[0]
    src = edge_index[0]
    dst = edge_index[1]
    h = (x @ W).reshape(n, heads, out_c)
    a_src = jnp.sum(h * att_src, axis=-1)  # [N, H]
    a_dst = jnp.sum(h * att_dst, axis=-1)  # [N, H]
    alpha = a_src[src] + a_dst[dst]        # [E, H]
    alpha = jax.nn.leaky_relu(alpha, negative_slope=0.2)
    amax = jax.ops.segment_max(alpha, dst, num_segments=n)
    amax = jnp.where(jnp.isfinite(amax), amax, 0.0)
    amax = jax.lax.stop_gradient(amax)
    ex = jnp.exp(alpha - amax[dst])
    denom = jax.ops.segment_sum(ex, dst, num_segments=n)
    coef = ex / (denom[dst] + 1e-16)       # softmax over incoming edges per dst
    msg = h[src] * coef[:, :, None]        # [E, H, C]
    out = jax.ops.segment_sum(msg, dst, num_segments=n)
    if concat:
        out = out.reshape(n, heads * out_c)
    else:
        out = out.mean(axis=1)
    return out + bias


def reference(x, edge_index, W1, att_src1, att_dst1, b1, W2, att_src2, att_dst2, b2):
    # dropout p=d1=d2=0.0 (disabled / eval mode), so it is the identity
    h = _gat_conv(x, edge_index, W1, att_src1, att_dst1, b1, HEADS, HID, True)
    h = jax.nn.elu(h)
    out = _gat_conv(h, edge_index, W2, att_src2, att_dst2, b2, 1, 1, False)
    return jax.nn.sigmoid(out)

if __name__ == "__main__":
    import jax
    _d = setup_inputs()
    print(jax.jit(kernel)(*tuple(_d.values())))

</pallas_src>

<mosaic_0001>
#map = affine_map<(d0, d1) -> (0)>
#map1 = affine_map<(d0, d1) -> (0, 0, 0)>
module attributes {stable_mosaic.version = 14 : i64} {
  func.func @_sc2_body(%arg0: i32, %arg1: i32, %arg2: memref<10112xf32, #tpu.memory_space<hbm>>, %arg3: memref<32x80x128xi32, #tpu.memory_space<hbm>>, %arg4: memref<32x80x128xi32, #tpu.memory_space<hbm>>, %arg5: memref<16xf32, #tpu.memory_space<hbm>>, %arg6: memref<16xf32, #tpu.memory_space<hbm>>, %arg7: memref<2x10112x16xf32, #tpu.memory_space<hbm>>, %arg8: memref<10112xf32, #tpu.memory_space<vmem>>, %arg9: memref<80x128xi32, #tpu.memory_space<vmem>>, %arg10: memref<80x128xi32, #tpu.memory_space<vmem>>, %arg11: memref<128x16xf32, #tpu.memory_space<vmem>>, %arg12: memref<2x16xf32, #tpu.memory_space<vmem>>, %arg13: memref<5x128xi32, #tpu.memory_space<vmem>>, %arg14: memref<10112x16xf32, #tpu.memory_space<vmem_shared>>, %arg15: memref<!tpu.dma_semaphore, #tpu.memory_space<semaphore_mem>>) attributes {dimension_semantics = [#tpu.dimension_semantics<core_parallel>, #tpu.dimension_semantics<subcore_parallel>], iteration_bounds = array<i64: 2, 16>, scalar_prefetch = 0 : i64, scratch_operands = 8 : i64, tpu.core_type = #tpu.core_type<sc_vector_subcore>, window_params = [{transform_indices = #map}, {transform_indices = #map1}, {transform_indices = #map1}, {transform_indices = #map}, {transform_indices = #map}, {transform_indices = #map1}]} {
    %mul3A = arith.constant 16 : i32
    %mul3A_0 = arith.muli %arg0, %mul3A : i32
    %add3A = arith.addi %mul3A_0, %arg1 : i32
    %broadcast_in_dim3A = arith.constant 0.000000e+00 : f32
    %broadcast_in_dim3A_1 = vector.broadcast %broadcast_in_dim3A : f32 to vector<16xf32>
    %iota3A = tpu.iota {dimensions = array<i32: 0>} : vector<16xi32>
    %mul3A_2 = arith.constant 632 : i32
    %mul3A_3 = arith.muli %arg1, %mul3A_2 : i32
    %scan3A = arith.constant 0 : i32
    %scan3A_4 = arith.constant 0 : i32
    %scan3A_5 = arith.constant 128 : i32
    %scan3A_6 = arith.addi %scan3A_4, %scan3A_5 : i32
    %scan3A_7 = arith.constant 1 : i32
    %scan3A_8 = scf.for %scan3A_36 = %scan3A_4 to %scan3A_6 step %scan3A_7 iter_args(%scan3A_37 = %scan3A) -> (i32)  : i32 {
      %swap3A = arith.index_cast %scan3A_36 : i32 to index
      %swap3A_38 = arith.constant 0 : index
      %swap3A_39 = tpu.vector_load %arg11[%swap3A, %swap3A_38] {strides = array<i32>} : memref<128x16xf32, #tpu.memory_space<vmem>>, vector<16xf32>,
      tpu.vector_store %arg11[%swap3A, %swap3A_38], %broadcast_in_dim3A_1 {strides = array<i32>} : memref<128x16xf32, #tpu.memory_space<vmem>>, vector<16xf32>,
      %jit3A = arith.constant 8 : i32
      %div3A = arith.divsi %scan3A_36, %jit3A : i32
      %sign3A = arith.constant 0 : i32
      %sign3A_40 = arith.cmpi sgt, %scan3A_36, %sign3A : i32
      %sign3A_41 = arith.extui %sign3A_40 : i1 to i32
      %sign3A_42 = arith.constant 0 : i32
      %sign3A_43 = arith.cmpi slt, %scan3A_36, %sign3A_42 : i32
      %sign3A_44 = arith.extui %sign3A_43 : i1 to i32
      %sign3A_45 = arith.subi %sign3A_41, %sign3A_44 : i32
      %sign3A_46 = arith.constant 0 : i32
      %sign3A_47 = arith.cmpi sgt, %jit3A, %sign3A_46 : i32
      %sign3A_48 = arith.extui %sign3A_47 : i1 to i32
      %sign3A_49 = arith.constant 0 : i32
      %sign3A_50 = arith.cmpi slt, %jit3A, %sign3A_49 : i32
      %sign3A_51 = arith.extui %sign3A_50 : i1 to i32
      %sign3A_52 = arith.subi %sign3A_48, %sign3A_51 : i32
      %ne3A = arith.cmpi ne, %sign3A_45, %sign3A_52 : i32
      %rem3A = arith.remsi %scan3A_36, %jit3A : i32
      %ne3A_53 = arith.constant 0 : i32
      %ne3A_54 = arith.cmpi ne, %rem3A, %ne3A_53 : i32
      %and3A = arith.andi %ne3A, %ne3A_54 : i1
      %sub3A = arith.constant 1 : i32
      %sub3A_55 = arith.subi %div3A, %sub3A : i32
      %select_n3A = arith.select %and3A, %sub3A_55, %div3A : i32
      %mul3A_56 = arith.constant 128 : i32
      %mul3A_57 = arith.muli %select_n3A, %mul3A_56 : i32
      %add3A_58 = arith.addi %mul3A_3, %mul3A_57 : i32
      %jit3A_59 = arith.constant 8 : i32
      %eq3A = arith.constant 0 : i32
      %eq3A_60 = arith.cmpi eq, %jit3A_59, %eq3A : i32
      %jit3A_61 = arith.constant 1 : i32
      %select_n3A_62 = arith.select %eq3A_60, %jit3A_61, %jit3A_59 : i32
      %rem3A_63 = arith.remsi %scan3A_36, %select_n3A_62 : i32
      %ne3A_64 = arith.constant 0 : i32
      %ne3A_65 = arith.cmpi ne, %rem3A_63, %ne3A_64 : i32
      %lt3A = arith.constant 0 : i32
      %lt3A_66 = arith.cmpi slt, %rem3A_63, %lt3A : i32
      %lt3A_67 = arith.constant 0 : i32
      %lt3A_68 = arith.cmpi slt, %select_n3A_62, %lt3A_67 : i32
      %ne3A_69 = arith.xori %lt3A_66, %lt3A_68 : i1
      %and3A_70 = arith.andi %ne3A_69, %ne3A_65 : i1
      %add3A_71 = arith.addi %rem3A_63, %select_n3A_62 : i32
      %select_n3A_72 = arith.select %and3A_70, %add3A_71, %rem3A_63 : i32
      %mul3A_73 = arith.constant 16 : i32
      %mul3A_74 = arith.muli %select_n3A_72, %mul3A_73 : i32
      %add3A_75 = arith.addi %add3A_58, %mul3A_74 : i32
      %add3A_76 = vector.broadcast %add3A_75 : i32 to vector<16xi32>
      %add3A_77 = arith.addi %add3A_76, %iota3A : vector<16xi32>
      %add3A_78 = arith.constant 632 : i32
      %add3A_79 = arith.addi %mul3A_3, %add3A_78 : i32
      %sub3A_80 = arith.constant 1 : i32
      %sub3A_81 = arith.subi %add3A_79, %sub3A_80 : i32
      %min3A = vector.broadcast %sub3A_81 : i32 to vector<16xi32>
      %min3A_82 = arith.minsi %add3A_77, %min3A : vector<16xi32>
      %jit3A_83 = arith.constant 8 : i32
      %div3A_84 = arith.divsi %scan3A_36, %jit3A_83 : i32
      %sign3A_85 = arith.constant 0 : i32
      %sign3A_86 = arith.cmpi sgt, %scan3A_36, %sign3A_85 : i32
      %sign3A_87 = arith.extui %sign3A_86 : i1 to i32
      %sign3A_88 = arith.constant 0 : i32
      %sign3A_89 = arith.cmpi slt, %scan3A_36, %sign3A_88 : i32
      %sign3A_90 = arith.extui %sign3A_89 : i1 to i32
      %sign3A_91 = arith.subi %sign3A_87, %sign3A_90 : i32
      %sign3A_92 = arith.constant 0 : i32
      %sign3A_93 = arith.cmpi sgt, %jit3A_83, %sign3A_92 : i32
      %sign3A_94 = arith.extui %sign3A_93 : i1 to i32
      %sign3A_95 = arith.constant 0 : i32
      %sign3A_96 = arith.cmpi slt, %jit3A_83, %sign3A_95 : i32
      %sign3A_97 = arith.extui %sign3A_96 : i1 to i32
      %sign3A_98 = arith.subi %sign3A_94, %sign3A_97 : i32
      %ne3A_99 = arith.cmpi ne, %sign3A_91, %sign3A_98 : i32
      %rem3A_100 = arith.remsi %scan3A_36, %jit3A_83 : i32
      %ne3A_101 = arith.constant 0 : i32
      %ne3A_102 = arith.cmpi ne, %rem3A_100, %ne3A_101 : i32
      %and3A_103 = arith.andi %ne3A_99, %ne3A_102 : i1
      %sub3A_104 = arith.constant 1 : i32
      %sub3A_105 = arith.subi %div3A_84, %sub3A_104 : i32
      %select_n3A_106 = arith.select %and3A_103, %sub3A_105, %div3A_84 : i32
      %jit3A_107 = arith.constant 8 : i32
      %eq3A_108 = arith.constant 0 : i32
      %eq3A_109 = arith.cmpi eq, %jit3A_107, %eq3A_108 : i32
      %jit3A_110 = arith.constant 1 : i32
      %select_n3A_111 = arith.select %eq3A_109, %jit3A_110, %jit3A_107 : i32
      %rem3A_112 = arith.remsi %scan3A_36, %select_n3A_111 : i32
      %ne3A_113 = arith.constant 0 : i32
      %ne3A_114 = arith.cmpi ne, %rem3A_112, %ne3A_113 : i32
      %lt3A_115 = arith.constant 0 : i32
      %lt3A_116 = arith.cmpi slt, %rem3A_112, %lt3A_115 : i32
      %lt3A_117 = arith.constant 0 : i32
      %lt3A_118 = arith.cmpi slt, %select_n3A_111, %lt3A_117 : i32
      %ne3A_119 = arith.xori %lt3A_116, %lt3A_118 : i1
      %and3A_120 = arith.andi %ne3A_119, %ne3A_114 : i1
      %add3A_121 = arith.addi %rem3A_112, %select_n3A_111 : i32
      %select_n3A_122 = arith.select %and3A_120, %add3A_121, %rem3A_112 : i32
      %mul3A_123 = arith.constant 16 : i32
      %mul3A_124 = arith.muli %select_n3A_122, %mul3A_123 : i32
      %swap3A_125 = arith.index_cast %select_n3A_106 : i32 to index
      %swap3A_126 = arith.index_cast %mul3A_124 : i32 to index
      %swap3A_127 = tpu.vector_load %arg13[%swap3A_125, %swap3A_126] {strides = array<i32>} : memref<5x128xi32, #tpu.memory_space<vmem>>, vector<16xi32>,
      tpu.vector_store %arg13[%swap3A_125, %swap3A_126], %min3A_82 {strides = array<i32>} : memref<5x128xi32, #tpu.memory_space<vmem>>, vector<16xi32>,
      %scan3A_128 = arith.constant 0 : i32
      scf.yield %scan3A_128 : i32
    }
    %scan3A_9 = arith.constant 128 : i32
    %run_scoped3A = arith.constant 0 : i32
    "tpu.region"() ({
      %run_scoped3A_36 = tpu.sem_alloc : memref<!tpu.dma_semaphore, #tpu.memory_space<semaphore_mem>>
      %dma_start3A = arith.constant 0 : i32
      %dma_start3A_37 = tpu.memref_slice %arg13[%run_scoped3A, %dma_start3A] : memref<5x128xi32, #tpu.memory_space<vmem>> -> memref<1x128xi32, #tpu.memory_space<vmem>>
      %dma_start3A_38 = tpu.memref_squeeze %dma_start3A_37 : memref<1x128xi32, #tpu.memory_space<vmem>> -> memref<128xi32, #tpu.memory_space<vmem>>
      %dma_start3A_39 = arith.constant 0 : i32
      %dma_start3A_40 = arith.constant 0 : i32
      %dma_start3A_41 = tpu.memref_slice %arg14[%dma_start3A_39, %dma_start3A_40] : memref<10112x16xf32, #tpu.memory_space<vmem_shared>> -> memref<10112x16xf32, #tpu.memory_space<vmem_shared>>
      tpu.enqueue_indirect_dma source(%arg11 : memref<128x16xf32, #tpu.memory_space<vmem>>) target(%dma_start3A_41 : memref<10112x16xf32, #tpu.memory_space<vmem_shared>>) offsets(%dma_start3A_38 : memref<128xi32, #tpu.memory_space<vmem>>) semaphore(%run_scoped3A_36 : memref<!tpu.dma_semaphore, #tpu.memory_space<semaphore_mem>>)
      %dma_wait3A = arith.constant 0 : i32
      %dma_wait3A_42 = tpu.memref_slice %arg13[%run_scoped3A, %dma_wait3A] : memref<5x128xi32, #tpu.memory_space<vmem>> -> memref<1x128xi32, #tpu.memory_space<vmem>>
      %dma_wait3A_43 = tpu.memref_squeeze %dma_wait3A_42 : memref<1x128xi32, #tpu.memory_space<vmem>> -> memref<128xi32, #tpu.memory_space<vmem>>
      %dma_wait3A_44 = arith.constant 0 : i32
      %dma_wait3A_45 = arith.constant 0 : i32
      %dma_wait3A_46 = tpu.memref_slice %arg14[%dma_wait3A_44, %dma_wait3A_45] : memref<10112x16xf32, #tpu.memory_space<vmem_shared>> -> memref<10112x16xf32, #tpu.memory_space<vmem_shared>>
      tpu.wait_indirect_dma semaphore(%run_scoped3A_36 : memref<!tpu.dma_semaphore, #tpu.memory_space<semaphore_mem>>) src(%arg11 : memref<128x16xf32, #tpu.memory_space<vmem>>) dst(%dma_wait3A_46 : memref<10112x16xf32, #tpu.memory_space<vmem_shared>>)
      tpu.yield
    }) : () -> ()
    %run_scoped3A_10 = arith.constant 1 : i32
    "tpu.region"() ({
      %run_scoped3A_36 = tpu.sem_alloc : memref<!tpu.dma_semaphore, #tpu.memory_space<semaphore_mem>>
      %dma_start3A = arith.constant 0 : i32
      %dma_start3A_37 = tpu.memref_slice %arg13[%run_scoped3A_10, %dma_start3A] : memref<5x128xi32, #tpu.memory_space<vmem>> -> memref<1x128xi32, #tpu.memory_space<vmem>>
      %dma_start3A_38 = tpu.memref_squeeze %dma_start3A_37 : memref<1x128xi32, #tpu.memory_space<vmem>> -> memref<128xi32, #tpu.memory_space<vmem>>
      %dma_start3A_39 = arith.constant 0 : i32
      %dma_start3A_40 = arith.constant 0 : i32
      %dma_start3A_41 = tpu.memref_slice %arg14[%dma_start3A_39, %dma_start3A_40] : memref<10112x16xf32, #tpu.memory_space<vmem_shared>> -> memref<10112x16xf32, #tpu.memory_space<vmem_shared>>
      tpu.enqueue_indirect_dma source(%arg11 : memref<128x16xf32, #tpu.memory_space<vmem>>) target(%dma_start3A_41 : memref<10112x16xf32, #tpu.memory_space<vmem_shared>>) offsets(%dma_start3A_38 : memref<128xi32, #tpu.memory_space<vmem>>) semaphore(%run_scoped3A_36 : memref<!tpu.dma_semaphore, #tpu.memory_space<semaphore_mem>>)
      %dma_wait3A = arith.constant 0 : i32
      %dma_wait3A_42 = tpu.memref_slice %arg13[%run_scoped3A_10, %dma_wait3A] : memref<5x128xi32, #tpu.memory_space<vmem>> -> memref<1x128xi32, #tpu.memory_space<vmem>>
      %dma_wait3A_43 = tpu.memref_squeeze %dma_wait3A_42 : memref<1x128xi32, #tpu.memory_space<vmem>> -> memref<128xi32, #tpu.memory_space<vmem>>
      %dma_wait3A_44 = arith.constant 0 : i32
      %dma_wait3A_45 = arith.constant 0 : i32
      %dma_wait3A_46 = tpu.memref_slice %arg14[%dma_wait3A_44, %dma_wait3A_45] : memref<10112x16xf32, #tpu.memory_space<vmem_shared>> -> memref<10112x16xf32, #tpu.memory_space<vmem_shared>>
      tpu.wait_indirect_dma semaphore(%run_scoped3A_36 : memref<!tpu.dma_semaphore, #tpu.memory_space<semaphore_mem>>) src(%arg11 : memref<128x16xf32, #tpu.memory_space<vmem>>) dst(%dma_wait3A_46 : memref<10112x16xf32, #tpu.memory_space<vmem_shared>>)
      tpu.yield
    }) : () -> ()
    %run_scoped3A_11 = arith.constant 2 : i32
    "tpu.region"() ({
      %run_scoped3A_36 = tpu.sem_alloc : memref<!tpu.dma_semaphore, #tpu.memory_space<semaphore_mem>>
      %dma_start3A = arith.constant 0 : i32
      %dma_start3A_37 = tpu.memref_slice %arg13[%run_scoped3A_11, %dma_start3A] : memref<5x128xi32, #tpu.memory_space<vmem>> -> memref<1x128xi32, #tpu.memory_space<vmem>>
      %dma_start3A_38 = tpu.memref_squeeze %dma_start3A_37 : memref<1x128xi32, #tpu.memory_space<vmem>> -> memref<128xi32, #tpu.memory_space<vmem>>
      %dma_start3A_39 = arith.constant 0 : i32
      %dma_start3A_40 = arith.constant 0 : i32
      %dma_start3A_41 = tpu.memref_slice %arg14[%dma_start3A_39, %dma_start3A_40] : memref<10112x16xf32, #tpu.memory_space<vmem_shared>> -> memref<10112x16xf32, #tpu.memory_space<vmem_shared>>
      tpu.enqueue_indirect_dma source(%arg11 : memref<128x16xf32, #tpu.memory_space<vmem>>) target(%dma_start3A_41 : memref<10112x16xf32, #tpu.memory_space<vmem_shared>>) offsets(%dma_start3A_38 : memref<128xi32, #tpu.memory_space<vmem>>) semaphore(%run_scoped3A_36 : memref<!tpu.dma_semaphore, #tpu.memory_space<semaphore_mem>>)
      %dma_wait3A = arith.constant 0 : i32
      %dma_wait3A_42 = tpu.memref_slice %arg13[%run_scoped3A_11, %dma_wait3A] : memref<5x128xi32, #tpu.memory_space<vmem>> -> memref<1x128xi32, #tpu.memory_space<vmem>>
      %dma_wait3A_43 = tpu.memref_squeeze %dma_wait3A_42 : memref<1x128xi32, #tpu.memory_space<vmem>> -> memref<128xi32, #tpu.memory_space<vmem>>
      %dma_wait3A_44 = arith.constant 0 : i32
      %dma_wait3A_45 = arith.constant 0 : i32
      %dma_wait3A_46 = tpu.memref_slice %arg14[%dma_wait3A_44, %dma_wait3A_45] : memref<10112x16xf32, #tpu.memory_space<vmem_shared>> -> memref<10112x16xf32, #tpu.memory_space<vmem_shared>>
      tpu.wait_indirect_dma semaphore(%run_scoped3A_36 : memref<!tpu.dma_semaphore, #tpu.memory_space<semaphore_mem>>) src(%arg11 : memref<128x16xf32, #tpu.memory_space<vmem>>) dst(%dma_wait3A_46 : memref<10112x16xf32, #tpu.memory_space<vmem_shared>>)
      tpu.yield
    }) : () -> ()
    %run_scoped3A_12 = arith.constant 3 : i32
    "tpu.region"() ({
      %run_scoped3A_36 = tpu.sem_alloc : memref<!tpu.dma_semaphore, #tpu.memory_space<semaphore_mem>>
      %dma_start3A = arith.constant 0 : i32
      %dma_start3A_37 = tpu.memref_slice %arg13[%run_scoped3A_12, %dma_start3A] : memref<5x128xi32, #tpu.memory_space<vmem>> -> memref<1x128xi32, #tpu.memory_space<vmem>>
      %dma_start3A_38 = tpu.memref_squeeze %dma_start3A_37 : memref<1x128xi32, #tpu.memory_space<vmem>> -> memref<128xi32, #tpu.memory_space<vmem>>
      %dma_start3A_39 = arith.constant 0 : i32
      %dma_start3A_40 = arith.constant 0 : i32
      %dma_start3A_41 = tpu.memref_slice %arg14[%dma_start3A_39, %dma_start3A_40] : memref<10112x16xf32, #tpu.memory_space<vmem_shared>> -> memref<10112x16xf32, #tpu.memory_space<vmem_shared>>
      tpu.enqueue_indirect_dma source(%arg11 : memref<128x16xf32, #tpu.memory_space<vmem>>) target(%dma_start3A_41 : memref<10112x16xf32, #tpu.memory_space<vmem_shared>>) offsets(%dma_start3A_38 : memref<128xi32, #tpu.memory_space<vmem>>) semaphore(%run_scoped3A_36 : memref<!tpu.dma_semaphore, #tpu.memory_space<semaphore_mem>>)
      %dma_wait3A = arith.constant 0 : i32
      %dma_wait3A_42 = tpu.memref_slice %arg13[%run_scoped3A_12, %dma_wait3A] : memref<5x128xi32, #tpu.memory_space<vmem>> -> memref<1x128xi32, #tpu.memory_space<vmem>>
      %dma_wait3A_43 = tpu.memref_squeeze %dma_wait3A_42 : memref<1x128xi32, #tpu.memory_space<vmem>> -> memref<128xi32, #tpu.memory_space<vmem>>
      %dma_wait3A_44 = arith.constant 0 : i32
      %dma_wait3A_45 = arith.constant 0 : i32
      %dma_wait3A_46 = tpu.memref_slice %arg14[%dma_wait3A_44, %dma_wait3A_45] : memref<10112x16xf32, #tpu.memory_space<vmem_shared>> -> memref<10112x16xf32, #tpu.memory_space<vmem_shared>>
      tpu.wait_indirect_dma semaphore(%run_scoped3A_36 : memref<!tpu.dma_semaphore, #tpu.memory_space<semaphore_mem>>) src(%arg11 : memref<128x16xf32, #tpu.memory_space<vmem>>) dst(%dma_wait3A_46 : memref<10112x16xf32, #tpu.memory_space<vmem_shared>>)
      tpu.yield
    }) : () -> ()
    %run_scoped3A_13 = arith.constant 4 : i32
    "tpu.region"() ({
      %run_scoped3A_36 = tpu.sem_alloc : memref<!tpu.dma_semaphore, #tpu.memory_space<semaphore_mem>>
      %dma_start3A = arith.constant 0 : i32
      %dma_start3A_37 = tpu.memref_slice %arg13[%run_scoped3A_13, %dma_start3A] : memref<5x128xi32, #tpu.memory_space<vmem>> -> memref<1x128xi32, #tpu.memory_space<vmem>>
      %dma_start3A_38 = tpu.memref_squeeze %dma_start3A_37 : memref<1x128xi32, #tpu.memory_space<vmem>> -> memref<128xi32, #tpu.memory_space<vmem>>
      %dma_start3A_39 = arith.constant 0 : i32
      %dma_start3A_40 = arith.constant 0 : i32
      %dma_start3A_41 = tpu.memref_slice %arg14[%dma_start3A_39, %dma_start3A_40] : memref<10112x16xf32, #tpu.memory_space<vmem_shared>> -> memref<10112x16xf32, #tpu.memory_space<vmem_shared>>
      tpu.enqueue_indirect_dma source(%arg11 : memref<128x16xf32, #tpu.memory_space<vmem>>) target(%dma_start3A_41 : memref<10112x16xf32, #tpu.memory_space<vmem_shared>>) offsets(%dma_start3A_38 : memref<128xi32, #tpu.memory_space<vmem>>) semaphore(%run_scoped3A_36 : memref<!tpu.dma_semaphore, #tpu.memory_space<semaphore_mem>>)
      %dma_wait3A = arith.constant 0 : i32
      %dma_wait3A_42 = tpu.memref_slice %arg13[%run_scoped3A_13, %dma_wait3A] : memref<5x128xi32, #tpu.memory_space<vmem>> -> memref<1x128xi32, #tpu.memory_space<vmem>>
      %dma_wait3A_43 = tpu.memref_squeeze %dma_wait3A_42 : memref<1x128xi32, #tpu.memory_space<vmem>> -> memref<128xi32, #tpu.memory_space<vmem>>
      %dma_wait3A_44 = arith.constant 0 : i32
      %dma_wait3A_45 = arith.constant 0 : i32
      %dma_wait3A_46 = tpu.memref_slice %arg14[%dma_wait3A_44, %dma_wait3A_45] : memref<10112x16xf32, #tpu.memory_space<vmem_shared>> -> memref<10112x16xf32, #tpu.memory_space<vmem_shared>>
      tpu.wait_indirect_dma semaphore(%run_scoped3A_36 : memref<!tpu.dma_semaphore, #tpu.memory_space<semaphore_mem>>) src(%arg11 : memref<128x16xf32, #tpu.memory_space<vmem>>) dst(%dma_wait3A_46 : memref<10112x16xf32, #tpu.memory_space<vmem_shared>>)
      tpu.yield
    }) : () -> ()
    %barrier3A = arith.constant 0 : index
    tpu.barrier barrier_id(%barrier3A)
    "tpu.region"() ({
      %run_scoped3A_36 = tpu.sem_alloc : memref<!tpu.dma_semaphore, #tpu.memory_space<semaphore_mem>>
      tpu.enqueue_dma source(%arg2 : memref<10112xf32, #tpu.memory_space<hbm>>) target(%arg8 : memref<10112xf32, #tpu.memory_space<vmem>>) target_semaphore(%run_scoped3A_36 : memref<!tpu.dma_semaphore, #tpu.memory_space<semaphore_mem>>)
      tpu.wait_dma2 semaphore(%run_scoped3A_36 : memref<!tpu.dma_semaphore, #tpu.memory_space<semaphore_mem>>) src(%arg2 : memref<10112xf32, #tpu.memory_space<hbm>>) dst(%arg8 : memref<10112xf32, #tpu.memory_space<vmem>>)
      tpu.yield
    }) : () -> ()
    "tpu.region"() ({
      %run_scoped3A_36 = tpu.sem_alloc : memref<!tpu.dma_semaphore, #tpu.memory_space<semaphore_mem>>
      %dma_start3A = arith.constant 0 : i32
      %dma_start3A_37 = arith.constant 0 : i32
      %dma_start3A_38 = tpu.memref_slice %arg3[%add3A, %dma_start3A, %dma_start3A_37] : memref<32x80x128xi32, #tpu.memory_space<hbm>> -> memref<1x80x128xi32, #tpu.memory_space<hbm>>
      %dma_start3A_39 = tpu.memref_squeeze %dma_start3A_38 : memref<1x80x128xi32, #tpu.memory_space<hbm>> -> memref<80x128xi32, #tpu.memory_space<hbm>>
      %dma_start3A_40 = arith.constant 0 : i32
      %dma_start3A_41 = arith.constant 0 : i32
      %dma_start3A_42 = tpu.memref_slice %arg3[%add3A, %dma_start3A_40, %dma_start3A_41] : memref<32x80x128xi32, #tpu.memory_space<hbm>> -> memref<1x80x128xi32, #tpu.memory_space<hbm>>
      %dma_start3A_43 = tpu.memref_squeeze %dma_start3A_42 : memref<1x80x128xi32, #tpu.memory_space<hbm>> -> memref<80x128xi32, #tpu.memory_space<hbm>>
      tpu.enqueue_dma source(%dma_start3A_43 : memref<80x128xi32, #tpu.memory_space<hbm>>) target(%arg9 : memref<80x128xi32, #tpu.memory_space<vmem>>) target_semaphore(%run_scoped3A_36 : memref<!tpu.dma_semaphore, #tpu.memory_space<semaphore_mem>>)
      %dma_wait3A = arith.constant 0 : i32
      %dma_wait3A_44 = arith.constant 0 : i32
      %dma_wait3A_45 = tpu.memref_slice %arg3[%add3A, %dma_wait3A, %dma_wait3A_44] : memref<32x80x128xi32, #tpu.memory_space<hbm>> -> memref<1x80x128xi32, #tpu.memory_space<hbm>>
      %dma_wait3A_46 = tpu.memref_squeeze %dma_wait3A_45 : memref<1x80x128xi32, #tpu.memory_space<hbm>> -> memref<80x128xi32, #tpu.memory_space<hbm>>
      %dma_wait3A_47 = arith.constant 0 : i32
      %dma_wait3A_48 = arith.constant 0 : i32
      %dma_wait3A_49 = tpu.memref_slice %arg3[%add3A, %dma_wait3A_47, %dma_wait3A_48] : memref<32x80x128xi32, #tpu.memory_space<hbm>> -> memref<1x80x128xi32, #tpu.memory_space<hbm>>
      %dma_wait3A_50 = tpu.memref_squeeze %dma_wait3A_49 : memref<1x80x128xi32, #tpu.memory_space<hbm>> -> memref<80x128xi32, #tpu.memory_space<hbm>>
      tpu.wait_dma2 semaphore(%run_scoped3A_36 : memref<!tpu.dma_semaphore, #tpu.memory_space<semaphore_mem>>) src(%dma_wait3A_50 : memref<80x128xi32, #tpu.memory_space<hbm>>) dst(%arg9 : memref<80x128xi32, #tpu.memory_space<vmem>>)
      tpu.yield
    }) : () -> ()
    "tpu.region"() ({
      %run_scoped3A_36 = tpu.sem_alloc : memref<!tpu.dma_semaphore, #tpu.memory_space<semaphore_mem>>
      %dma_start3A = arith.constant 0 : i32
      %dma_start3A_37 = arith.constant 0 : i32
      %dma_start3A_38 = tpu.memref_slice %arg4[%add3A, %dma_start3A, %dma_start3A_37] : memref<32x80x128xi32, #tpu.memory_space<hbm>> -> memref<1x80x128xi32, #tpu.memory_space<hbm>>
      %dma_start3A_39 = tpu.memref_squeeze %dma_start3A_38 : memref<1x80x128xi32, #tpu.memory_space<hbm>> -> memref<80x128xi32, #tpu.memory_space<hbm>>
      %dma_start3A_40 = arith.constant 0 : i32
      %dma_start3A_41 = arith.constant 0 : i32
      %dma_start3A_42 = tpu.memref_slice %arg4[%add3A, %dma_start3A_40, %dma_start3A_41] : memref<32x80x128xi32, #tpu.memory_space<hbm>> -> memref<1x80x128xi32, #tpu.memory_space<hbm>>
      %dma_start3A_43 = tpu.memref_squeeze %dma_start3A_42 : memref<1x80x128xi32, #tpu.memory_space<hbm>> -> memref<80x128xi32, #tpu.memory_space<hbm>>
      tpu.enqueue_dma source(%dma_start3A_43 : memref<80x128xi32, #tpu.memory_space<hbm>>) target(%arg10 : memref<80x128xi32, #tpu.memory_space<vmem>>) target_semaphore(%run_scoped3A_36 : memref<!tpu.dma_semaphore, #tpu.memory_space<semaphore_mem>>)
      %dma_wait3A = arith.constant 0 : i32
      %dma_wait3A_44 = arith.constant 0 : i32
      %dma_wait3A_45 = tpu.memref_slice %arg4[%add3A, %dma_wait3A, %dma_wait3A_44] : memref<32x80x128xi32, #tpu.memory_space<hbm>> -> memref<1x80x128xi32, #tpu.memory_space<hbm>>
      %dma_wait3A_46 = tpu.memref_squeeze %dma_wait3A_45 : memref<1x80x128xi32, #tpu.memory_space<hbm>> -> memref<80x128xi32, #tpu.memory_space<hbm>>
      %dma_wait3A_47 = arith.constant 0 : i32
      %dma_wait3A_48 = arith.constant 0 : i32
      %dma_wait3A_49 = tpu.memref_slice %arg4[%add3A, %dma_wait3A_47, %dma_wait3A_48] : memref<32x80x128xi32, #tpu.memory_space<hbm>> -> memref<1x80x128xi32, #tpu.memory_space<hbm>>
      %dma_wait3A_50 = tpu.memref_squeeze %dma_wait3A_49 : memref<1x80x128xi32, #tpu.memory_space<hbm>> -> memref<80x128xi32, #tpu.memory_space<hbm>>
      tpu.wait_dma2 semaphore(%run_scoped3A_36 : memref<!tpu.dma_semaphore, #tpu.memory_space<semaphore_mem>>) src(%dma_wait3A_50 : memref<80x128xi32, #tpu.memory_space<hbm>>) dst(%arg10 : memref<80x128xi32, #tpu.memory_space<vmem>>)
      tpu.yield
    }) : () -> ()
    %run_scoped3A_14 = arith.constant 0 : i32
    "tpu.region"() ({
      %run_scoped3A_36 = tpu.sem_alloc : memref<!tpu.dma_semaphore, #tpu.memory_space<semaphore_mem>>
      %dma_start3A = arith.constant 0 : i32
      %dma_start3A_37 = tpu.memref_slice %arg12[%run_scoped3A_14, %dma_start3A] : memref<2x16xf32, #tpu.memory_space<vmem>> -> memref<1x16xf32, #tpu.memory_space<vmem>>
      %dma_start3A_38 = tpu.memref_squeeze %dma_start3A_37 : memref<1x16xf32, #tpu.memory_space<vmem>> -> memref<16xf32, #tpu.memory_space<vmem>>
      %dma_start3A_39 = arith.constant 0 : i32
      %dma_start3A_40 = tpu.memref_slice %arg12[%run_scoped3A_14, %dma_start3A_39] : memref<2x16xf32, #tpu.memory_space<vmem>> -> memref<1x16xf32, #tpu.memory_space<vmem>>
      %dma_start3A_41 = tpu.memref_squeeze %dma_start3A_40 : memref<1x16xf32, #tpu.memory_space<vmem>> -> memref<16xf32, #tpu.memory_space<vmem>>
      tpu.enqueue_dma source(%arg5 : memref<16xf32, #tpu.memory_space<hbm>>) target(%dma_start3A_41 : memref<16xf32, #tpu.memory_space<vmem>>) target_semaphore(%run_scoped3A_36 : memref<!tpu.dma_semaphore, #tpu.memory_space<semaphore_mem>>)
      %dma_wait3A = arith.constant 0 : i32
      %dma_wait3A_42 = tpu.memref_slice %arg12[%run_scoped3A_14, %dma_wait3A] : memref<2x16xf32, #tpu.memory_space<vmem>> -> memref<1x16xf32, #tpu.memory_space<vmem>>
      %dma_wait3A_43 = tpu.memref_squeeze %dma_wait3A_42 : memref<1x16xf32, #tpu.memory_space<vmem>> -> memref<16xf32, #tpu.memory_space<vmem>>
      %dma_wait3A_44 = arith.constant 0 : i32
      %dma_wait3A_45 = tpu.memref_slice %arg12[%run_scoped3A_14, %dma_wait3A_44] : memref<2x16xf32, #tpu.memory_space<vmem>> -> memref<1x16xf32, #tpu.memory_space<vmem>>
      %dma_wait3A_46 = tpu.memref_squeeze %dma_wait3A_45 : memref<1x16xf32, #tpu.memory_space<vmem>> -> memref<16xf32, #tpu.memory_space<vmem>>
      tpu.wait_dma2 semaphore(%run_scoped3A_36 : memref<!tpu.dma_semaphore, #tpu.memory_space<semaphore_mem>>) src(%arg5 : memref<16xf32, #tpu.memory_space<hbm>>) dst(%dma_wait3A_46 : memref<16xf32, #tpu.memory_space<vmem>>)
      tpu.yield
    }) : () -> ()
    %run_scoped3A_15 = arith.constant 1 : i32
    "tpu.region"() ({
      %run_scoped3A_36 = tpu.sem_alloc : memref<!tpu.dma_semaphore, #tpu.memory_space<semaphore_mem>>
      %dma_start3A = arith.constant 0 : i32
      %dma_start3A_37 = tpu.memref_slice %arg12[%run_scoped3A_15, %dma_start3A] : memref<2x16xf32, #tpu.memory_space<vmem>> -> memref<1x16xf32, #tpu.memory_space<vmem>>
      %dma_start3A_38 = tpu.memref_squeeze %dma_start3A_37 : memref<1x16xf32, #tpu.memory_space<vmem>> -> memref<16xf32, #tpu.memory_space<vmem>>
      %dma_start3A_39 = arith.constant 0 : i32
      %dma_start3A_40 = tpu.memref_slice %arg12[%run_scoped3A_15, %dma_start3A_39] : memref<2x16xf32, #tpu.memory_space<vmem>> -> memref<1x16xf32, #tpu.memory_space<vmem>>
      %dma_start3A_41 = tpu.memref_squeeze %dma_start3A_40 : memref<1x16xf32, #tpu.memory_space<vmem>> -> memref<16xf32, #tpu.memory_space<vmem>>
      tpu.enqueue_dma source(%arg6 : memref<16xf32, #tpu.memory_space<hbm>>) target(%dma_start3A_41 : memref<16xf32, #tpu.memory_space<vmem>>) target_semaphore(%run_scoped3A_36 : memref<!tpu.dma_semaphore, #tpu.memory_space<semaphore_mem>>)
      %dma_wait3A = arith.constant 0 : i32
      %dma_wait3A_42 = tpu.memref_slice %arg12[%run_scoped3A_15, %dma_wait3A] : memref<2x16xf32, #tpu.memory_space<vmem>> -> memref<1x16xf32, #tpu.memory_space<vmem>>
      %dma_wait3A_43 = tpu.memref_squeeze %dma_wait3A_42 : memref<1x16xf32, #tpu.memory_space<vmem>> -> memref<16xf32, #tpu.memory_space<vmem>>
      %dma_wait3A_44 = arith.constant 0 : i32
      %dma_wait3A_45 = tpu.memref_slice %arg12[%run_scoped3A_15, %dma_wait3A_44] : memref<2x16xf32, #tpu.memory_space<vmem>> -> memref<1x16xf32, #tpu.memory_space<vmem>>
      %dma_wait3A_46 = tpu.memref_squeeze %dma_wait3A_45 : memref<1x16xf32, #tpu.memory_space<vmem>> -> memref<16xf32, #tpu.memory_space<vmem>>
      tpu.wait_dma2 semaphore(%run_scoped3A_36 : memref<!tpu.dma_semaphore, #tpu.memory_space<semaphore_mem>>) src(%arg6 : memref<16xf32, #tpu.memory_space<hbm>>) dst(%dma_wait3A_46 : memref<16xf32, #tpu.memory_space<vmem>>)
      tpu.yield
    }) : () -> ()
    %get3A = arith.constant 0 : i32
    %get3A_16 = arith.index_cast %get3A : i32 to index
    %get3A_17 = arith.constant 0 : index
    %get3A_18 = tpu.vector_load %arg12[%get3A_16, %get3A_17] {strides = array<i32>} : memref<2x16xf32, #tpu.memory_space<vmem>>, vector<16xf32>,
    %get3A_19 = arith.constant 1 : i32
    %get3A_20 = arith.index_cast %get3A_19 : i32 to index
    %get3A_21 = arith.constant 0 : index
    %get3A_22 = tpu.vector_load %arg12[%get3A_20, %get3A_21] {strides = array<i32>} : memref<2x16xf32, #tpu.memory_space<vmem>>, vector<16xf32>,
    %broadcast_in_dim3A_23 = arith.constant 0 : i32
    %broadcast_in_dim3A_24 = vector.broadcast %broadcast_in_dim3A_23 : i32 to vector<16xi32>
    %add3A_25 = arith.constant 1 : i32
    %add3A_26 = vector.broadcast %add3A_25 : i32 to vector<16xi32>
    %add3A_27 = arith.addi %broadcast_in_dim3A_24, %add3A_26 : vector<16xi32>
    %scan3A_28 = arith.constant 0 : i32
    %scan3A_29 = arith.constant 0 : i32
    %scan3A_30 = arith.constant 80 : i32
    %scan3A_31 = arith.addi %scan3A_29, %scan3A_30 : i32
    %scan3A_32 = arith.constant 1 : i32
    %scan3A_33 = scf.for %scan3A_36 = %scan3A_29 to %scan3A_31 step %scan3A_32 iter_args(%scan3A_37 = %scan3A_28) -> (i32)  : i32 {
      %scan3A_38 = arith.constant 0 : i32
      %scan3A_39 = arith.constant 0 : i32
      %scan3A_40 = arith.constant 8 : i32
      %scan3A_41 = arith.addi %scan3A_39, %scan3A_40 : i32
      %scan3A_42 = arith.constant 1 : i32
      %scan3A_43 = scf.for %scan3A_46 = %scan3A_39 to %scan3A_41 step %scan3A_42 iter_args(%scan3A_47 = %scan3A_38) -> (i32)  : i32 {
        %mul3A_48 = arith.constant 16 : i32
        %mul3A_49 = arith.muli %scan3A_46, %mul3A_48 : i32
        %get3A_50 = arith.index_cast %scan3A_36 : i32 to index
        %get3A_51 = arith.index_cast %mul3A_49 : i32 to index
        %get3A_52 = tpu.vector_load %arg9[%get3A_50, %get3A_51] {strides = array<i32>} : memref<80x128xi32, #tpu.memory_space<vmem>>, vector<16xi32>,
        %mul3A_53 = arith.constant 16 : i32
        %mul3A_54 = arith.muli %scan3A_46, %mul3A_53 : i32
        %get3A_55 = arith.index_cast %scan3A_36 : i32 to index
        %get3A_56 = arith.index_cast %mul3A_54 : i32 to index
        %get3A_57 = tpu.vector_load %arg10[%get3A_55, %get3A_56] {strides = array<i32>} : memref<80x128xi32, #tpu.memory_space<vmem>>, vector<16xi32>,
        %gather3A = tpu.vector_load_idx %arg8[%get3A_52] : memref<10112xf32, #tpu.memory_space<vmem>>[vector<16xi32>], vector<16xf32>,
        %gather3A_58 = tpu.vector_load_idx %arg8[%get3A_57] : memref<10112xf32, #tpu.memory_space<vmem>>[vector<16xi32>], vector<16xf32>,
        %mul3A_59 = arith.mulf %get3A_18, %gather3A : vector<16xf32>
        %mul3A_60 = arith.mulf %get3A_22, %gather3A_58 : vector<16xf32>
        %add3A_61 = arith.addf %mul3A_59, %mul3A_60 : vector<16xf32>
        %gt3A = arith.constant 0.000000e+00 : f32
        %gt3A_62 = vector.broadcast %gt3A : f32 to vector<16xf32>
        %gt3A_63 = arith.cmpf ogt, %add3A_61, %gt3A_62 : vector<16xf32>
        %mul3A_64 = arith.constant 2.000000e-01 : f32
        %mul3A_65 = vector.broadcast %mul3A_64 : f32 to vector<16xf32>
        %mul3A_66 = arith.mulf %mul3A_65, %add3A_61 : vector<16xf32>
        %select_n3A = arith.select %gt3A_63, %add3A_61, %mul3A_66 : vector<16xi1>, vector<16xf32>
        %exp3A = math.exp %select_n3A : vector<16xf32>
        %mul3A_67 = arith.constant 16 : i32
        %mul3A_68 = arith.muli %scan3A_46, %mul3A_67 : i32
        %add3A_69 = vector.broadcast %mul3A_68 : i32 to vector<16xi32>
        %add3A_70 = arith.addi %iota3A, %add3A_69 : vector<16xi32>
        %mul3A_71 = arith.mulf %exp3A, %gather3A : vector<16xf32>
        tpu.vector_store_idx %arg11[%add3A_70, %broadcast_in_dim3A_24], %mul3A_71 : memref<128x16xf32, #tpu.memory_space<vmem>>[vector<16xi32>, vector<16xi32>], vector<16xf32>,
        tpu.vector_store_idx %arg11[%add3A_70, %add3A_27], %exp3A : memref<128x16xf32, #tpu.memory_space<vmem>>[vector<16xi32>, vector<16xi32>], vector<16xf32>,
        %scan3A_72 = arith.constant 0 : i32
        scf.yield %scan3A_72 : i32
      }
      %scan3A_44 = arith.constant 8 : i32
      "tpu.region"() ({
        %run_scoped3A_46 = tpu.sem_alloc : memref<!tpu.dma_semaphore, #tpu.memory_space<semaphore_mem>>
        %dma_start3A = arith.constant 0 : i32
        %dma_start3A_47 = tpu.memref_slice %arg10[%scan3A_36, %dma_start3A] : memref<80x128xi32, #tpu.memory_space<vmem>> -> memref<1x128xi32, #tpu.memory_space<vmem>>
        %dma_start3A_48 = tpu.memref_squeeze %dma_start3A_47 : memref<1x128xi32, #tpu.memory_space<vmem>> -> memref<128xi32, #tpu.memory_space<vmem>>
        %dma_start3A_49 = arith.constant 0 : i32
        %dma_start3A_50 = arith.constant 0 : i32
        %dma_start3A_51 = tpu.memref_slice %arg14[%dma_start3A_49, %dma_start3A_50] : memref<10112x16xf32, #tpu.memory_space<vmem_shared>> -> memref<10112x16xf32, #tpu.memory_space<vmem_shared>>
        tpu.enqueue_indirect_dma source(%arg11 : memref<128x16xf32, #tpu.memory_space<vmem>>) target(%dma_start3A_51 : memref<10112x16xf32, #tpu.memory_space<vmem_shared>>) offsets(%dma_start3A_48 : memref<128xi32, #tpu.memory_space<vmem>>) semaphore(%run_scoped3A_46 : memref<!tpu.dma_semaphore, #tpu.memory_space<semaphore_mem>>) {add = true}
        %dma_wait3A = arith.constant 0 : i32
        %dma_wait3A_52 = tpu.memref_slice %arg10[%scan3A_36, %dma_wait3A] : memref<80x128xi32, #tpu.memory_space<vmem>> -> memref<1x128xi32, #tpu.memory_space<vmem>>
        %dma_wait3A_53 = tpu.memref_squeeze %dma_wait3A_52 : memref<1x128xi32, #tpu.memory_space<vmem>> -> memref<128xi32, #tpu.memory_space<vmem>>
        %dma_wait3A_54 = arith.constant 0 : i32
        %dma_wait3A_55 = arith.constant 0 : i32
        %dma_wait3A_56 = tpu.memref_slice %arg14[%dma_wait3A_54, %dma_wait3A_55] : memref<10112x16xf32, #tpu.memory_space<vmem_shared>> -> memref<10112x16xf32, #tpu.memory_space<vmem_shared>>
        tpu.wait_indirect_dma semaphore(%run_scoped3A_46 : memref<!tpu.dma_semaphore, #tpu.memory_space<semaphore_mem>>) src(%arg11 : memref<128x16xf32, #tpu.memory_space<vmem>>) dst(%dma_wait3A_56 : memref<10112x16xf32, #tpu.memory_space<vmem_shared>>)
        tpu.yield
      }) : () -> ()
      %scan3A_45 = arith.constant 0 : i32
      scf.yield %scan3A_45 : i32
    }
    %scan3A_34 = arith.constant 80 : i32
    %barrier3A_35 = arith.constant 0 : index
    tpu.barrier barrier_id(%barrier3A_35)
    "tpu.region"() ({
      %run_scoped3A_36 = tpu.sem_alloc : memref<!tpu.dma_semaphore, #tpu.memory_space<semaphore_mem>>
      %dma_start3A = arith.constant 0 : i32
      %dma_start3A_37 = tpu.memref_slice %arg7[%arg0, %mul3A_3, %dma_start3A] : memref<2x10112x16xf32, #tpu.memory_space<hbm>> -> memref<1x632x16xf32, #tpu.memory_space<hbm>>
      %dma_start3A_38 = tpu.memref_squeeze %dma_start3A_37 : memref<1x632x16xf32, #tpu.memory_space<hbm>> -> memref<632x16xf32, #tpu.memory_space<hbm>>
      %dma_start3A_39 = arith.constant 0 : i32
      %dma_start3A_40 = tpu.memref_slice %arg14[%mul3A_3, %dma_start3A_39] : memref<10112x16xf32, #tpu.memory_space<vmem_shared>> -> memref<632x16xf32, #tpu.memory_space<vmem_shared>>
      tpu.enqueue_dma source(%dma_start3A_40 : memref<632x16xf32, #tpu.memory_space<vmem_shared>>) target(%dma_start3A_38 : memref<632x16xf32, #tpu.memory_space<hbm>>) target_semaphore(%run_scoped3A_36 : memref<!tpu.dma_semaphore, #tpu.memory_space<semaphore_mem>>)
      %dma_wait3A = arith.constant 0 : i32
      %dma_wait3A_41 = tpu.memref_slice %arg7[%arg0, %mul3A_3, %dma_wait3A] : memref<2x10112x16xf32, #tpu.memory_space<hbm>> -> memref<1x632x16xf32, #tpu.memory_space<hbm>>
      %dma_wait3A_42 = tpu.memref_squeeze %dma_wait3A_41 : memref<1x632x16xf32, #tpu.memory_space<hbm>> -> memref<632x16xf32, #tpu.memory_space<hbm>>
      %dma_wait3A_43 = arith.constant 0 : i32
      %dma_wait3A_44 = tpu.memref_slice %arg14[%mul3A_3, %dma_wait3A_43] : memref<10112x16xf32, #tpu.memory_space<vmem_shared>> -> memref<632x16xf32, #tpu.memory_space<vmem_shared>>
      tpu.wait_dma2 semaphore(%run_scoped3A_36 : memref<!tpu.dma_semaphore, #tpu.memory_space<semaphore_mem>>) src(%dma_wait3A_44 : memref<632x16xf32, #tpu.memory_space<vmem_shared>>) dst(%dma_wait3A_42 : memref<632x16xf32, #tpu.memory_space<hbm>>)
      tpu.yield
    }) : () -> ()
    return
  }
}

#map = affine_map<(d0, d1) -> (0, 0)>
#map1 = affine_map<(d0, d1) -> (0, 0, 0)>
module attributes {stable_mosaic.version = 14 : i64} {
  func.func @_sc1_body(%arg0: i32, %arg1: i32, %arg2: memref<10112x16xf32, #tpu.memory_space<hbm>>, %arg3: memref<10112x64xf32, #tpu.memory_space<hbm>>, %arg4: memref<32x80x128xi32, #tpu.memory_space<hbm>>, %arg5: memref<32x80x128xi32, #tpu.memory_space<hbm>>, %arg6: memref<2x10112x64xf32, #tpu.memory_space<hbm>>, %arg7: memref<2x10112x16xf32, #tpu.memory_space<hbm>>, %arg8: memref<80x128xi32, #tpu.memory_space<vmem>>, %arg9: memref<80x128xi32, #tpu.memory_space<vmem>>, %arg10: memref<128x16xf32, #tpu.memory_space<vmem>>, %arg11: memref<128x16xf32, #tpu.memory_space<vmem>>, %arg12: memref<128x64xf32, #tpu.memory_space<vmem>>, %arg13: memref<128x16xf32, #tpu.memory_space<vmem>>, %arg14: memref<128x16xf32, #tpu.memory_space<vmem>>, %arg15: memref<128x16xf32, #tpu.memory_space<vmem>>, %arg16: memref<128x64xf32, #tpu.memory_space<vmem>>, %arg17: memref<128x16xf32, #tpu.memory_space<vmem>>, %arg18: memref<5x128xi32, #tpu.memory_space<vmem>>, %arg19: memref<10112x64xf32, #tpu.memory_space<vmem_shared>>, %arg20: memref<10112x16xf32, #tpu.memory_space<vmem_shared>>, %arg21: memref<!tpu.dma_semaphore, #tpu.memory_space<semaphore_mem>>, %arg22: memref<!tpu.dma_semaphore, #tpu.memory_space<semaphore_mem>>) attributes {dimension_semantics = [#tpu.dimension_semantics<core_parallel>, #tpu.dimension_semantics<subcore_parallel>], iteration_bounds = array<i64: 2, 16>, scalar_prefetch = 0 : i64, scratch_operands = 15 : i64, tpu.core_type = #tpu.core_type<sc_vector_subcore>, window_params = [{transform_indices = #map}, {transform_indices = #map}, {transform_indices = #map1}, {transform_indices = #map1}, {transform_indices = #map1}, {transform_indices = #map1}]} {
    %mul3A = arith.constant 16 : i32
    %mul3A_0 = arith.muli %arg0, %mul3A : i32
    %add3A = arith.addi %mul3A_0, %arg1 : i32
    %broadcast_in_dim3A = arith.constant 0.000000e+00 : f32
    %broadcast_in_dim3A_1 = vector.broadcast %broadcast_in_dim3A : f32 to vector<16xf32>
    %iota3A = tpu.iota {dimensions = array<i32: 0>} : vector<16xi32>
    %mul3A_2 = arith.constant 632 : i32
    %mul3A_3 = arith.muli %arg1, %mul3A_2 : i32
    %scan3A = arith.constant 0 : i32
    %scan3A_4 = arith.constant 0 : i32
    %scan3A_5 = arith.constant 128 : i32
    %scan3A_6 = arith.addi %scan3A_4, %scan3A_5 : i32
    %scan3A_7 = arith.constant 1 : i32
    %scan3A_8 = scf.for %scan3A_75 = %scan3A_4 to %scan3A_6 step %scan3A_7 iter_args(%scan3A_76 = %scan3A) -> (i32)  : i32 {
      %swap3A = arith.index_cast %scan3A_75 : i32 to index
      %swap3A_77 = arith.constant 0 : index
      %swap3A_78 = tpu.vector_load %arg13[%swap3A, %swap3A_77] {strides = array<i32>} : memref<128x16xf32, #tpu.memory_space<vmem>>, vector<16xf32>,
      tpu.vector_store %arg13[%swap3A, %swap3A_77], %broadcast_in_dim3A_1 {strides = array<i32>} : memref<128x16xf32, #tpu.memory_space<vmem>>, vector<16xf32>,
      %swap3A_79 = arith.index_cast %scan3A_75 : i32 to index
      %swap3A_80 = arith.constant 0 : index
      %swap3A_81 = tpu.vector_load %arg12[%swap3A_79, %swap3A_80] {strides = array<i32>} : memref<128x64xf32, #tpu.memory_space<vmem>>, vector<16xf32>,
      tpu.vector_store %arg12[%swap3A_79, %swap3A_80], %broadcast_in_dim3A_1 {strides = array<i32>} : memref<128x64xf32, #tpu.memory_space<vmem>>, vector<16xf32>,
      %swap3A_82 = arith.index_cast %scan3A_75 : i32 to index
      %swap3A_83 = arith.constant 16 : index
      %swap3A_84 = tpu.vector_load %arg12[%swap3A_82, %swap3A_83] {strides = array<i32>} : memref<128x64xf32, #tpu.memory_space<vmem>>, vector<16xf32>,
      tpu.vector_store %arg12[%swap3A_82, %swap3A_83], %broadcast_in_dim3A_1 {strides = array<i32>} : memref<128x64xf32, #tpu.memory_space<vmem>>, vector<16xf32>,
      %swap3A_85 = arith.index_cast %scan3A_75 : i32 to index
      %swap3A_86 = arith.constant 32 : index
      %swap3A_87 = tpu.vector_load %arg12[%swap3A_85, %swap3A_86] {strides = array<i32>} : memref<128x64xf32, #tpu.memory_space<vmem>>, vector<16xf32>,
      tpu.vector_store %arg12[%swap3A_85, %swap3A_86], %broadcast_in_dim3A_1 {strides = array<i32>} : memref<128x64xf32, #tpu.memory_space<vmem>>, vector<16xf32>,
      %swap3A_88 = arith.index_cast %scan3A_75 : i32 to index
      %swap3A_89 = arith.constant 48 : index
      %swap3A_90 = tpu.vector_load %arg12[%swap3A_88, %swap3A_89] {strides = array<i32>} : memref<128x64xf32, #tpu.memory_space<vmem>>, vector<16xf32>,
      tpu.vector_store %arg12[%swap3A_88, %swap3A_89], %broadcast_in_dim3A_1 {strides = array<i32>} : memref<128x64xf32, #tpu.memory_space<vmem>>, vector<16xf32>,
      %jit3A = arith.constant 8 : i32
      %div3A = arith.divsi %scan3A_75, %jit3A : i32
      %sign3A = arith.constant 0 : i32
      %sign3A_91 = arith.cmpi sgt, %scan3A_75, %sign3A : i32
      %sign3A_92 = arith.extui %sign3A_91 : i1 to i32
      %sign3A_93 = arith.constant 0 : i32
      %sign3A_94 = arith.cmpi slt, %scan3A_75, %sign3A_93 : i32
      %sign3A_95 = arith.extui %sign3A_94 : i1 to i32
      %sign3A_96 = arith.subi %sign3A_92, %sign3A_95 : i32
      %sign3A_97 = arith.constant 0 : i32
      %sign3A_98 = arith.cmpi sgt, %jit3A, %sign3A_97 : i32
      %sign3A_99 = arith.extui %sign3A_98 : i1 to i32
      %sign3A_100 = arith.constant 0 : i32
      %sign3A_101 = arith.cmpi slt, %jit3A, %sign3A_100 : i32
      %sign3A_102 = arith.extui %sign3A_101 : i1 to i32
      %sign3A_103 = arith.subi %sign3A_99, %sign3A_102 : i32
      %ne3A = arith.cmpi ne, %sign3A_96, %sign3A_103 : i32
      %rem3A = arith.remsi %scan3A_75, %jit3A : i32
      %ne3A_104 = arith.constant 0 : i32
      %ne3A_105 = arith.cmpi ne, %rem3A, %ne3A_104 : i32
      %and3A_106 = arith.andi %ne3A, %ne3A_105 : i1
      %sub3A = arith.constant 1 : i32
      %sub3A_107 = arith.subi %div3A, %sub3A : i32
      %select_n3A = arith.select %and3A_106, %sub3A_107, %div3A : i32
      %mul3A_108 = arith.constant 128 : i32
      %mul3A_109 = arith.muli %select_n3A, %mul3A_108 : i32
      %add3A_110 = arith.addi %mul3A_3, %mul3A_109 : i32
      %jit3A_111 = arith.constant 8 : i32
      %eq3A = arith.constant 0 : i32
      %eq3A_112 = arith.cmpi eq, %jit3A_111, %eq3A : i32
      %jit3A_113 = arith.constant 1 : i32
      %select_n3A_114 = arith.select %eq3A_112, %jit3A_113, %jit3A_111 : i32
      %rem3A_115 = arith.remsi %scan3A_75, %select_n3A_114 : i32
      %ne3A_116 = arith.constant 0 : i32
      %ne3A_117 = arith.cmpi ne, %rem3A_115, %ne3A_116 : i32
      %lt3A = arith.constant 0 : i32
      %lt3A_118 = arith.cmpi slt, %rem3A_115, %lt3A : i32
      %lt3A_119 = arith.constant 0 : i32
      %lt3A_120 = arith.cmpi slt, %select_n3A_114, %lt3A_119 : i32
      %ne3A_121 = arith.xori %lt3A_118, %lt3A_120 : i1
      %and3A_122 = arith.andi %ne3A_121, %ne3A_117 : i1
      %add3A_123 = arith.addi %rem3A_115, %select_n3A_114 : i32
      %select_n3A_124 = arith.select %and3A_122, %add3A_123, %rem3A_115 : i32
      %mul3A_125 = arith.constant 16 : i32
      %mul3A_126 = arith.muli %select_n3A_124, %mul3A_125 : i32
      %add3A_127 = arith.addi %add3A_110, %mul3A_126 : i32
      %add3A_128 = vector.broadcast %add3A_127 : i32 to vector<16xi32>
      %add3A_129 = arith.addi %add3A_128, %iota3A : vector<16xi32>
      %add3A_130 = arith.constant 632 : i32
      %add3A_131 = arith.addi %mul3A_3, %add3A_130 : i32
      %sub3A_132 = arith.constant 1 : i32
      %sub3A_133 = arith.subi %add3A_131, %sub3A_132 : i32
      %min3A = vector.broadcast %sub3A_133 : i32 to vector<16xi32>
      %min3A_134 = arith.minsi %add3A_129, %min3A : vector<16xi32>
      %jit3A_135 = arith.constant 8 : i32
      %div3A_136 = arith.divsi %scan3A_75, %jit3A_135 : i32
      %sign3A_137 = arith.constant 0 : i32
      %sign3A_138 = arith.cmpi sgt, %scan3A_75, %sign3A_137 : i32
      %sign3A_139 = arith.extui %sign3A_138 : i1 to i32
      %sign3A_140 = arith.constant 0 : i32
      %sign3A_141 = arith.cmpi slt, %scan3A_75, %sign3A_140 : i32
      %sign3A_142 = arith.extui %sign3A_141 : i1 to i32
      %sign3A_143 = arith.subi %sign3A_139, %sign3A_142 : i32
      %sign3A_144 = arith.constant 0 : i32
      %sign3A_145 = arith.cmpi sgt, %jit3A_135, %sign3A_144 : i32
      %sign3A_146 = arith.extui %sign3A_145 : i1 to i32
      %sign3A_147 = arith.constant 0 : i32
      %sign3A_148 = arith.cmpi slt, %jit3A_135, %sign3A_147 : i32
      %sign3A_149 = arith.extui %sign3A_148 : i1 to i32
      %sign3A_150 = arith.subi %sign3A_146, %sign3A_149 : i32
      %ne3A_151 = arith.cmpi ne, %sign3A_143, %sign3A_150 : i32
      %rem3A_152 = arith.remsi %scan3A_75, %jit3A_135 : i32
      %ne3A_153 = arith.constant 0 : i32
      %ne3A_154 = arith.cmpi ne, %rem3A_152, %ne3A_153 : i32
      %and3A_155 = arith.andi %ne3A_151, %ne3A_154 : i1
      %sub3A_156 = arith.constant 1 : i32
      %sub3A_157 = arith.subi %div3A_136, %sub3A_156 : i32
      %select_n3A_158 = arith.select %and3A_155, %sub3A_157, %div3A_136 : i32
      %jit3A_159 = arith.constant 8 : i32
      %eq3A_160 = arith.constant 0 : i32
      %eq3A_161 = arith.cmpi eq, %jit3A_159, %eq3A_160 : i32
      %jit3A_162 = arith.constant 1 : i32
      %select_n3A_163 = arith.select %eq3A_161, %jit3A_162, %jit3A_159 : i32
      %rem3A_164 = arith.remsi %scan3A_75, %select_n3A_163 : i32
      %ne3A_165 = arith.constant 0 : i32
      %ne3A_166 = arith.cmpi ne, %rem3A_164, %ne3A_165 : i32
      %lt3A_167 = arith.constant 0 : i32
      %lt3A_168 = arith.cmpi slt, %rem3A_164, %lt3A_167 : i32
      %lt3A_169 = arith.constant 0 : i32
      %lt3A_170 = arith.cmpi slt, %select_n3A_163, %lt3A_169 : i32
      %ne3A_171 = arith.xori %lt3A_168, %lt3A_170 : i1
      %and3A_172 = arith.andi %ne3A_171, %ne3A_166 : i1
      %add3A_173 = arith.addi %rem3A_164, %select_n3A_163 : i32
      %select_n3A_174 = arith.select %and3A_172, %add3A_173, %rem3A_164 : i32
      %mul3A_175 = arith.constant 16 : i32
      %mul3A_176 = arith.muli %select_n3A_174, %mul3A_175 : i32
      %swap3A_177 = arith.index_cast %select_n3A_158 : i32 to index
      %swap3A_178 = arith.index_cast %mul3A_176 : i32 to index
      %swap3A_179 = tpu.vector_load %arg18[%swap3A_177, %swap3A_178] {strides = array<i32>} : memref<5x128xi32, #tpu.memory_space<vmem>>, vector<16xi32>,
      tpu.vector_store %arg18[%swap3A_177, %swap3A_178], %min3A_134 {strides = array<i32>} : memref<5x128xi32, #tpu.memory_space<vmem>>, vector<16xi32>,
      %scan3A_180 = arith.constant 0 : i32
      scf.yield %scan3A_180 : i32
    }
    %scan3A_9 = arith.constant 128 : i32
    %run_scoped3A = arith.constant 0 : i32
    "tpu.region"() ({
      %run_scoped3A_75 = tpu.sem_alloc : memref<!tpu.dma_semaphore, #tpu.memory_space<semaphore_mem>>
      %dma_start3A_76 = arith.constant 0 : i32
      %dma_start3A_77 = tpu.memref_slice %arg18[%run_scoped3A, %dma_start3A_76] : memref<5x128xi32, #tpu.memory_space<vmem>> -> memref<1x128xi32, #tpu.memory_space<vmem>>
      %dma_start3A_78 = tpu.memref_squeeze %dma_start3A_77 : memref<1x128xi32, #tpu.memory_space<vmem>> -> memref<128xi32, #tpu.memory_space<vmem>>
      %dma_start3A_79 = arith.constant 0 : i32
      %dma_start3A_80 = arith.constant 0 : i32
      %dma_start3A_81 = tpu.memref_slice %arg20[%dma_start3A_79, %dma_start3A_80] : memref<10112x16xf32, #tpu.memory_space<vmem_shared>> -> memref<10112x16xf32, #tpu.memory_space<vmem_shared>>
      tpu.enqueue_indirect_dma source(%arg13 : memref<128x16xf32, #tpu.memory_space<vmem>>) target(%dma_start3A_81 : memref<10112x16xf32, #tpu.memory_space<vmem_shared>>) offsets(%dma_start3A_78 : memref<128xi32, #tpu.memory_space<vmem>>) semaphore(%run_scoped3A_75 : memref<!tpu.dma_semaphore, #tpu.memory_space<semaphore_mem>>)
      %dma_wait3A = arith.constant 0 : i32
      %dma_wait3A_82 = tpu.memref_slice %arg18[%run_scoped3A, %dma_wait3A] : memref<5x128xi32, #tpu.memory_space<vmem>> -> memref<1x128xi32, #tpu.memory_space<vmem>>
      %dma_wait3A_83 = tpu.memref_squeeze %dma_wait3A_82 : memref<1x128xi32, #tpu.memory_space<vmem>> -> memref<128xi32, #tpu.memory_space<vmem>>
      %dma_wait3A_84 = arith.constant 0 : i32
      %dma_wait3A_85 = arith.constant 0 : i32
      %dma_wait3A_86 = tpu.memref_slice %arg20[%dma_wait3A_84, %dma_wait3A_85] : memref<10112x16xf32, #tpu.memory_space<vmem_shared>> -> memref<10112x16xf32, #tpu.memory_space<vmem_shared>>
      tpu.wait_indirect_dma semaphore(%run_scoped3A_75 : memref<!tpu.dma_semaphore, #tpu.memory_space<semaphore_mem>>) src(%arg13 : memref<128x16xf32, #tpu.memory_space<vmem>>) dst(%dma_wait3A_86 : memref<10112x16xf32, #tpu.memory_space<vmem_shared>>)
      tpu.yield
    }) : () -> ()
    %run_scoped3A_10 = arith.constant 0 : i32
    "tpu.region"() ({
      %run_scoped3A_75 = tpu.sem_alloc : memref<!tpu.dma_semaphore, #tpu.memory_space<semaphore_mem>>
      %dma_start3A_76 = arith.constant 0 : i32
      %dma_start3A_77 = tpu.memref_slice %arg18[%run_scoped3A_10, %dma_start3A_76] : memref<5x128xi32, #tpu.memory_space<vmem>> -> memref<1x128xi32, #tpu.memory_space<vmem>>
      %dma_start3A_78 = tpu.memref_squeeze %dma_start3A_77 : memref<1x128xi32, #tpu.memory_space<vmem>> -> memref<128xi32, #tpu.memory_space<vmem>>
      %dma_start3A_79 = arith.constant 0 : i32
      %dma_start3A_80 = arith.constant 0 : i32
      %dma_start3A_81 = tpu.memref_slice %arg19[%dma_start3A_79, %dma_start3A_80] : memref<10112x64xf32, #tpu.memory_space<vmem_shared>> -> memref<10112x64xf32, #tpu.memory_space<vmem_shared>>
      tpu.enqueue_indirect_dma source(%arg12 : memref<128x64xf32, #tpu.memory_space<vmem>>) target(%dma_start3A_81 : memref<10112x64xf32, #tpu.memory_space<vmem_shared>>) offsets(%dma_start3A_78 : memref<128xi32, #tpu.memory_space<vmem>>) semaphore(%run_scoped3A_75 : memref<!tpu.dma_semaphore, #tpu.memory_space<semaphore_mem>>)
      %dma_wait3A = arith.constant 0 : i32
      %dma_wait3A_82 = tpu.memref_slice %arg18[%run_scoped3A_10, %dma_wait3A] : memref<5x128xi32, #tpu.memory_space<vmem>> -> memref<1x128xi32, #tpu.memory_space<vmem>>
      %dma_wait3A_83 = tpu.memref_squeeze %dma_wait3A_82 : memref<1x128xi32, #tpu.memory_space<vmem>> -> memref<128xi32, #tpu.memory_space<vmem>>
      %dma_wait3A_84 = arith.constant 0 : i32
      %dma_wait3A_85 = arith.constant 0 : i32
      %dma_wait3A_86 = tpu.memref_slice %arg19[%dma_wait3A_84, %dma_wait3A_85] : memref<10112x64xf32, #tpu.memory_space<vmem_shared>> -> memref<10112x64xf32, #tpu.memory_space<vmem_shared>>
      tpu.wait_indirect_dma semaphore(%run_scoped3A_75 : memref<!tpu.dma_semaphore, #tpu.memory_space<semaphore_mem>>) src(%arg12 : memref<128x64xf32, #tpu.memory_space<vmem>>) dst(%dma_wait3A_86 : memref<10112x64xf32, #tpu.memory_space<vmem_shared>>)
      tpu.yield
    }) : () -> ()
    %run_scoped3A_11 = arith.constant 1 : i32
    "tpu.region"() ({
      %run_scoped3A_75 = tpu.sem_alloc : memref<!tpu.dma_semaphore, #tpu.memory_space<semaphore_mem>>
      %dma_start3A_76 = arith.constant 0 : i32
      %dma_start3A_77 = tpu.memref_slice %arg18[%run_scoped3A_11, %dma_start3A_76] : memref<5x128xi32, #tpu.memory_space<vmem>> -> memref<1x128xi32, #tpu.memory_space<vmem>>
      %dma_start3A_78 = tpu.memref_squeeze %dma_start3A_77 : memref<1x128xi32, #tpu.memory_space<vmem>> -> memref<128xi32, #tpu.memory_space<vmem>>
      %dma_start3A_79 = arith.constant 0 : i32
      %dma_start3A_80 = arith.constant 0 : i32
      %dma_start3A_81 = tpu.memref_slice %arg20[%dma_start3A_79, %dma_start3A_80] : memref<10112x16xf32, #tpu.memory_space<vmem_shared>> -> memref<10112x16xf32, #tpu.memory_space<vmem_shared>>
      tpu.enqueue_indirect_dma source(%arg13 : memref<128x16xf32, #tpu.memory_space<vmem>>) target(%dma_start3A_81 : memref<10112x16xf32, #tpu.memory_space<vmem_shared>>) offsets(%dma_start3A_78 : memref<128xi32, #tpu.memory_space<vmem>>) semaphore(%run_scoped3A_75 : memref<!tpu.dma_semaphore, #tpu.memory_space<semaphore_mem>>)
      %dma_wait3A = arith.constant 0 : i32
      %dma_wait3A_82 = tpu.memref_slice %arg18[%run_scoped3A_11, %dma_wait3A] : memref<5x128xi32, #tpu.memory_space<vmem>> -> memref<1x128xi32, #tpu.memory_space<vmem>>
      %dma_wait3A_83 = tpu.memref_squeeze %dma_wait3A_82 : memref<1x128xi32, #tpu.memory_space<vmem>> -> memref<128xi32, #tpu.memory_space<vmem>>
      %dma_wait3A_84 = arith.constant 0 : i32
      %dma_wait3A_85 = arith.constant 0 : i32
      %dma_wait3A_86 = tpu.memref_slice %arg20[%dma_wait3A_84, %dma_wait3A_85] : memref<10112x16xf32, #tpu.memory_space<vmem_shared>> -> memref<10112x16xf32, #tpu.memory_space<vmem_shared>>
      tpu.wait_indirect_dma semaphore(%run_scoped3A_75 : memref<!tpu.dma_semaphore, #tpu.memory_space<semaphore_mem>>) src(%arg13 : memref<128x16xf32, #tpu.memory_space<vmem>>) dst(%dma_wait3A_86 : memref<10112x16xf32, #tpu.memory_space<vmem_shared>>)
      tpu.yield
    }) : () -> ()
    %run_scoped3A_12 = arith.constant 1 : i32
    "tpu.region"() ({
      %run_scoped3A_75 = tpu.sem_alloc : memref<!tpu.dma_semaphore, #tpu.memory_space<semaphore_mem>>
      %dma_start3A_76 = arith.constant 0 : i32
      %dma_start3A_77 = tpu.memref_slice %arg18[%run_scoped3A_12, %dma_start3A_76] : memref<5x128xi32, #tpu.memory_space<vmem>> -> memref<1x128xi32, #tpu.memory_space<vmem>>
      %dma_start3A_78 = tpu.memref_squeeze %dma_start3A_77 : memref<1x128xi32, #tpu.memory_space<vmem>> -> memref<128xi32, #tpu.memory_space<vmem>>
      %dma_start3A_79 = arith.constant 0 : i32
      %dma_start3A_80 = arith.constant 0 : i32
      %dma_start3A_81 = tpu.memref_slice %arg19[%dma_start3A_79, %dma_start3A_80] : memref<10112x64xf32, #tpu.memory_space<vmem_shared>> -> memref<10112x64xf32, #tpu.memory_space<vmem_shared>>
      tpu.enqueue_indirect_dma source(%arg12 : memref<128x64xf32, #tpu.memory_space<vmem>>) target(%dma_start3A_81 : memref<10112x64xf32, #tpu.memory_space<vmem_shared>>) offsets(%dma_start3A_78 : memref<128xi32, #tpu.memory_space<vmem>>) semaphore(%run_scoped3A_75 : memref<!tpu.dma_semaphore, #tpu.memory_space<semaphore_mem>>)
      %dma_wait3A = arith.constant 0 : i32
      %dma_wait3A_82 = tpu.memref_slice %arg18[%run_scoped3A_12, %dma_wait3A] : memref<5x128xi32, #tpu.memory_space<vmem>> -> memref<1x128xi32, #tpu.memory_space<vmem>>
      %dma_wait3A_83 = tpu.memref_squeeze %dma_wait3A_82 : memref<1x128xi32, #tpu.memory_space<vmem>> -> memref<128xi32, #tpu.memory_space<vmem>>
      %dma_wait3A_84 = arith.constant 0 : i32
      %dma_wait3A_85 = arith.constant 0 : i32
      %dma_wait3A_86 = tpu.memref_slice %arg19[%dma_wait3A_84, %dma_wait3A_85] : memref<10112x64xf32, #tpu.memory_space<vmem_shared>> -> memref<10112x64xf32, #tpu.memory_space<vmem_shared>>
      tpu.wait_indirect_dma semaphore(%run_scoped3A_75 : memref<!tpu.dma_semaphore, #tpu.memory_space<semaphore_mem>>) src(%arg12 : memref<128x64xf32, #tpu.memory_space<vmem>>) dst(%dma_wait3A_86 : memref<10112x64xf32, #tpu.memory_space<vmem_shared>>)
      tpu.yield
    }) : () -> ()
    %run_scoped3A_13 = arith.constant 2 : i32
    "tpu.region"() ({
      %run_scoped3A_75 = tpu.sem_alloc : memref<!tpu.dma_semaphore, #tpu.memory_space<semaphore_mem>>
      %dma_start3A_76 = arith.constant 0 : i32
      %dma_start3A_77 = tpu.memref_slice %arg18[%run_scoped3A_13, %dma_start3A_76] : memref<5x128xi32, #tpu.memory_space<vmem>> -> memref<1x128xi32, #tpu.memory_space<vmem>>
      %dma_start3A_78 = tpu.memref_squeeze %dma_start3A_77 : memref<1x128xi32, #tpu.memory_space<vmem>> -> memref<128xi32, #tpu.memory_space<vmem>>
      %dma_start3A_79 = arith.constant 0 : i32
      %dma_start3A_80 = arith.constant 0 : i32
      %dma_start3A_81 = tpu.memref_slice %arg20[%dma_start3A_79, %dma_start3A_80] : memref<10112x16xf32, #tpu.memory_space<vmem_shared>> -> memref<10112x16xf32, #tpu.memory_space<vmem_shared>>
      tpu.enqueue_indirect_dma source(%arg13 : memref<128x16xf32, #tpu.memory_space<vmem>>) target(%dma_start3A_81 : memref<10112x16xf32, #tpu.memory_space<vmem_shared>>) offsets(%dma_start3A_78 : memref<128xi32, #tpu.memory_space<vmem>>) semaphore(%run_scoped3A_75 : memref<!tpu.dma_semaphore, #tpu.memory_space<semaphore_mem>>)
      %dma_wait3A = arith.constant 0 : i32
      %dma_wait3A_82 = tpu.memref_slice %arg18[%run_scoped3A_13, %dma_wait3A] : memref<5x128xi32, #tpu.memory_space<vmem>> -> memref<1x128xi32, #tpu.memory_space<vmem>>
      %dma_wait3A_83 = tpu.memref_squeeze %dma_wait3A_82 : memref<1x128xi32, #tpu.memory_space<vmem>> -> memref<128xi32, #tpu.memory_space<vmem>>
      %dma_wait3A_84 = arith.constant 0 : i32
      %dma_wait3A_85 = arith.constant 0 : i32
      %dma_wait3A_86 = tpu.memref_slice %arg20[%dma_wait3A_84, %dma_wait3A_85] : memref<10112x16xf32, #tpu.memory_space<vmem_shared>> -> memref<10112x16xf32, #tpu.memory_space<vmem_shared>>
      tpu.wait_indirect_dma semaphore(%run_scoped3A_75 : memref<!tpu.dma_semaphore, #tpu.memory_space<semaphore_mem>>) src(%arg13 : memref<128x16xf32, #tpu.memory_space<vmem>>) dst(%dma_wait3A_86 : memref<10112x16xf32, #tpu.memory_space<vmem_shared>>)
      tpu.yield
    }) : () -> ()
    %run_scoped3A_14 = arith.constant 2 : i32
    "tpu.region"() ({
      %run_scoped3A_75 = tpu.sem_alloc : memref<!tpu.dma_semaphore, #tpu.memory_space<semaphore_mem>>
      %dma_start3A_76 = arith.constant 0 : i32
      %dma_start3A_77 = tpu.memref_slice %arg18[%run_scoped3A_14, %dma_start3A_76] : memref<5x128xi32, #tpu.memory_space<vmem>> -> memref<1x128xi32, #tpu.memory_space<vmem>>
      %dma_start3A_78 = tpu.memref_squeeze %dma_start3A_77 : memref<1x128xi32, #tpu.memory_space<vmem>> -> memref<128xi32, #tpu.memory_space<vmem>>
      %dma_start3A_79 = arith.constant 0 : i32
      %dma_start3A_80 = arith.constant 0 : i32
      %dma_start3A_81 = tpu.memref_slice %arg19[%dma_start3A_79, %dma_start3A_80] : memref<10112x64xf32, #tpu.memory_space<vmem_shared>> -> memref<10112x64xf32, #tpu.memory_space<vmem_shared>>
      tpu.enqueue_indirect_dma source(%arg12 : memref<128x64xf32, #tpu.memory_space<vmem>>) target(%dma_start3A_81 : memref<10112x64xf32, #tpu.memory_space<vmem_shared>>) offsets(%dma_start3A_78 : memref<128xi32, #tpu.memory_space<vmem>>) semaphore(%run_scoped3A_75 : memref<!tpu.dma_semaphore, #tpu.memory_space<semaphore_mem>>)
      %dma_wait3A = arith.constant 0 : i32
      %dma_wait3A_82 = tpu.memref_slice %arg18[%run_scoped3A_14, %dma_wait3A] : memref<5x128xi32, #tpu.memory_space<vmem>> -> memref<1x128xi32, #tpu.memory_space<vmem>>
      %dma_wait3A_83 = tpu.memref_squeeze %dma_wait3A_82 : memref<1x128xi32, #tpu.memory_space<vmem>> -> memref<128xi32, #tpu.memory_space<vmem>>
      %dma_wait3A_84 = arith.constant 0 : i32
      %dma_wait3A_85 = arith.constant 0 : i32
      %dma_wait3A_86 = tpu.memref_slice %arg19[%dma_wait3A_84, %dma_wait3A_85] : memref<10112x64xf32, #tpu.memory_space<vmem_shared>> -> memref<10112x64xf32, #tpu.memory_space<vmem_shared>>
      tpu.wait_indirect_dma semaphore(%run_scoped3A_75 : memref<!tpu.dma_semaphore, #tpu.memory_space<semaphore_mem>>) src(%arg12 : memref<128x64xf32, #tpu.memory_space<vmem>>) dst(%dma_wait3A_86 : memref<10112x64xf32, #tpu.memory_space<vmem_shared>>)
      tpu.yield
    }) : () -> ()
    %run_scoped3A_15 = arith.constant 3 : i32
    "tpu.region"() ({
      %run_scoped3A_75 = tpu.sem_alloc : memref<!tpu.dma_semaphore, #tpu.memory_space<semaphore_mem>>
      %dma_start3A_76 = arith.constant 0 : i32
      %dma_start3A_77 = tpu.memref_slice %arg18[%run_scoped3A_15, %dma_start3A_76] : memref<5x128xi32, #tpu.memory_space<vmem>> -> memref<1x128xi32, #tpu.memory_space<vmem>>
      %dma_start3A_78 = tpu.memref_squeeze %dma_start3A_77 : memref<1x128xi32, #tpu.memory_space<vmem>> -> memref<128xi32, #tpu.memory_space<vmem>>
      %dma_start3A_79 = arith.constant 0 : i32
      %dma_start3A_80 = arith.constant 0 : i32
      %dma_start3A_81 = tpu.memref_slice %arg20[%dma_start3A_79, %dma_start3A_80] : memref<10112x16xf32, #tpu.memory_space<vmem_shared>> -> memref<10112x16xf32, #tpu.memory_space<vmem_shared>>
      tpu.enqueue_indirect_dma source(%arg13 : memref<128x16xf32, #tpu.memory_space<vmem>>) target(%dma_start3A_81 : memref<10112x16xf32, #tpu.memory_space<vmem_shared>>) offsets(%dma_start3A_78 : memref<128xi32, #tpu.memory_space<vmem>>) semaphore(%run_scoped3A_75 : memref<!tpu.dma_semaphore, #tpu.memory_space<semaphore_mem>>)
      %dma_wait3A = arith.constant 0 : i32
      %dma_wait3A_82 = tpu.memref_slice %arg18[%run_scoped3A_15, %dma_wait3A] : memref<5x128xi32, #tpu.memory_space<vmem>> -> memref<1x128xi32, #tpu.memory_space<vmem>>
      %dma_wait3A_83 = tpu.memref_squeeze %dma_wait3A_82 : memref<1x128xi32, #tpu.memory_space<vmem>> -> memref<128xi32, #tpu.memory_space<vmem>>
      %dma_wait3A_84 = arith.constant 0 : i32
      %dma_wait3A_85 = arith.constant 0 : i32
      %dma_wait3A_86 = tpu.memref_slice %arg20[%dma_wait3A_84, %dma_wait3A_85] : memref<10112x16xf32, #tpu.memory_space<vmem_shared>> -> memref<10112x16xf32, #tpu.memory_space<vmem_shared>>
      tpu.wait_indirect_dma semaphore(%run_scoped3A_75 : memref<!tpu.dma_semaphore, #tpu.memory_space<semaphore_mem>>) src(%arg13 : memref<128x16xf32, #tpu.memory_space<vmem>>) dst(%dma_wait3A_86 : memref<10112x16xf32, #tpu.memory_space<vmem_shared>>)
      tpu.yield
    }) : () -> ()
    %run_scoped3A_16 = arith.constant 3 : i32
    "tpu.region"() ({
      %run_scoped3A_75 = tpu.sem_alloc : memref<!tpu.dma_semaphore, #tpu.memory_space<semaphore_mem>>
      %dma_start3A_76 = arith.constant 0 : i32
      %dma_start3A_77 = tpu.memref_slice %arg18[%run_scoped3A_16, %dma_start3A_76] : memref<5x128xi32, #tpu.memory_space<vmem>> -> memref<1x128xi32, #tpu.memory_space<vmem>>
      %dma_start3A_78 = tpu.memref_squeeze %dma_start3A_77 : memref<1x128xi32, #tpu.memory_space<vmem>> -> memref<128xi32, #tpu.memory_space<vmem>>
      %dma_start3A_79 = arith.constant 0 : i32
      %dma_start3A_80 = arith.constant 0 : i32
      %dma_start3A_81 = tpu.memref_slice %arg19[%dma_start3A_79, %dma_start3A_80] : memref<10112x64xf32, #tpu.memory_space<vmem_shared>> -> memref<10112x64xf32, #tpu.memory_space<vmem_shared>>
      tpu.enqueue_indirect_dma source(%arg12 : memref<128x64xf32, #tpu.memory_space<vmem>>) target(%dma_start3A_81 : memref<10112x64xf32, #tpu.memory_space<vmem_shared>>) offsets(%dma_start3A_78 : memref<128xi32, #tpu.memory_space<vmem>>) semaphore(%run_scoped3A_75 : memref<!tpu.dma_semaphore, #tpu.memory_space<semaphore_mem>>)
      %dma_wait3A = arith.constant 0 : i32
      %dma_wait3A_82 = tpu.memref_slice %arg18[%run_scoped3A_16, %dma_wait3A] : memref<5x128xi32, #tpu.memory_space<vmem>> -> memref<1x128xi32, #tpu.memory_space<vmem>>
      %dma_wait3A_83 = tpu.memref_squeeze %dma_wait3A_82 : memref<1x128xi32, #tpu.memory_space<vmem>> -> memref<128xi32, #tpu.memory_space<vmem>>
      %dma_wait3A_84 = arith.constant 0 : i32
      %dma_wait3A_85 = arith.constant 0 : i32
      %dma_wait3A_86 = tpu.memref_slice %arg19[%dma_wait3A_84, %dma_wait3A_85] : memref<10112x64xf32, #tpu.memory_space<vmem_shared>> -> memref<10112x64xf32, #tpu.memory_space<vmem_shared>>
      tpu.wait_indirect_dma semaphore(%run_scoped3A_75 : memref<!tpu.dma_semaphore, #tpu.memory_space<semaphore_mem>>) src(%arg12 : memref<128x64xf32, #tpu.memory_space<vmem>>) dst(%dma_wait3A_86 : memref<10112x64xf32, #tpu.memory_space<vmem_shared>>)
      tpu.yield
    }) : () -> ()
    %run_scoped3A_17 = arith.constant 4 : i32
    "tpu.region"() ({
      %run_scoped3A_75 = tpu.sem_alloc : memref<!tpu.dma_semaphore, #tpu.memory_space<semaphore_mem>>
      %dma_start3A_76 = arith.constant 0 : i32
      %dma_start3A_77 = tpu.memref_slice %arg18[%run_scoped3A_17, %dma_start3A_76] : memref<5x128xi32, #tpu.memory_space<vmem>> -> memref<1x128xi32, #tpu.memory_space<vmem>>
      %dma_start3A_78 = tpu.memref_squeeze %dma_start3A_77 : memref<1x128xi32, #tpu.memory_space<vmem>> -> memref<128xi32, #tpu.memory_space<vmem>>
      %dma_start3A_79 = arith.constant 0 : i32
      %dma_start3A_80 = arith.constant 0 : i32
      %dma_start3A_81 = tpu.memref_slice %arg20[%dma_start3A_79, %dma_start3A_80] : memref<10112x16xf32, #tpu.memory_space<vmem_shared>> -> memref<10112x16xf32, #tpu.memory_space<vmem_shared>>
      tpu.enqueue_indirect_dma source(%arg13 : memref<128x16xf32, #tpu.memory_space<vmem>>) target(%dma_start3A_81 : memref<10112x16xf32, #tpu.memory_space<vmem_shared>>) offsets(%dma_start3A_78 : memref<128xi32, #tpu.memory_space<vmem>>) semaphore(%run_scoped3A_75 : memref<!tpu.dma_semaphore, #tpu.memory_space<semaphore_mem>>)
      %dma_wait3A = arith.constant 0 : i32
      %dma_wait3A_82 = tpu.memref_slice %arg18[%run_scoped3A_17, %dma_wait3A] : memref<5x128xi32, #tpu.memory_space<vmem>> -> memref<1x128xi32, #tpu.memory_space<vmem>>
      %dma_wait3A_83 = tpu.memref_squeeze %dma_wait3A_82 : memref<1x128xi32, #tpu.memory_space<vmem>> -> memref<128xi32, #tpu.memory_space<vmem>>
      %dma_wait3A_84 = arith.constant 0 : i32
      %dma_wait3A_85 = arith.constant 0 : i32
      %dma_wait3A_86 = tpu.memref_slice %arg20[%dma_wait3A_84, %dma_wait3A_85] : memref<10112x16xf32, #tpu.memory_space<vmem_shared>> -> memref<10112x16xf32, #tpu.memory_space<vmem_shared>>
      tpu.wait_indirect_dma semaphore(%run_scoped3A_75 : memref<!tpu.dma_semaphore, #tpu.memory_space<semaphore_mem>>) src(%arg13 : memref<128x16xf32, #tpu.memory_space<vmem>>) dst(%dma_wait3A_86 : memref<10112x16xf32, #tpu.memory_space<vmem_shared>>)
      tpu.yield
    }) : () -> ()
    %run_scoped3A_18 = arith.constant 4 : i32
    "tpu.region"() ({
      %run_scoped3A_75 = tpu.sem_alloc : memref<!tpu.dma_semaphore, #tpu.memory_space<semaphore_mem>>
      %dma_start3A_76 = arith.constant 0 : i32
      %dma_start3A_77 = tpu.memref_slice %arg18[%run_scoped3A_18, %dma_start3A_76] : memref<5x128xi32, #tpu.memory_space<vmem>> -> memref<1x128xi32, #tpu.memory_space<vmem>>
      %dma_start3A_78 = tpu.memref_squeeze %dma_start3A_77 : memref<1x128xi32, #tpu.memory_space<vmem>> -> memref<128xi32, #tpu.memory_space<vmem>>
      %dma_start3A_79 = arith.constant 0 : i32
      %dma_start3A_80 = arith.constant 0 : i32
      %dma_start3A_81 = tpu.memref_slice %arg19[%dma_start3A_79, %dma_start3A_80] : memref<10112x64xf32, #tpu.memory_space<vmem_shared>> -> memref<10112x64xf32, #tpu.memory_space<vmem_shared>>
      tpu.enqueue_indirect_dma source(%arg12 : memref<128x64xf32, #tpu.memory_space<vmem>>) target(%dma_start3A_81 : memref<10112x64xf32, #tpu.memory_space<vmem_shared>>) offsets(%dma_start3A_78 : memref<128xi32, #tpu.memory_space<vmem>>) semaphore(%run_scoped3A_75 : memref<!tpu.dma_semaphore, #tpu.memory_space<semaphore_mem>>)
      %dma_wait3A = arith.constant 0 : i32
      %dma_wait3A_82 = tpu.memref_slice %arg18[%run_scoped3A_18, %dma_wait3A] : memref<5x128xi32, #tpu.memory_space<vmem>> -> memref<1x128xi32, #tpu.memory_space<vmem>>
      %dma_wait3A_83 = tpu.memref_squeeze %dma_wait3A_82 : memref<1x128xi32, #tpu.memory_space<vmem>> -> memref<128xi32, #tpu.memory_space<vmem>>
      %dma_wait3A_84 = arith.constant 0 : i32
      %dma_wait3A_85 = arith.constant 0 : i32
      %dma_wait3A_86 = tpu.memref_slice %arg19[%dma_wait3A_84, %dma_wait3A_85] : memref<10112x64xf32, #tpu.memory_space<vmem_shared>> -> memref<10112x64xf32, #tpu.memory_space<vmem_shared>>
      tpu.wait_indirect_dma semaphore(%run_scoped3A_75 : memref<!tpu.dma_semaphore, #tpu.memory_space<semaphore_mem>>) src(%arg12 : memref<128x64xf32, #tpu.memory_space<vmem>>) dst(%dma_wait3A_86 : memref<10112x64xf32, #tpu.memory_space<vmem_shared>>)
      tpu.yield
    }) : () -> ()
    %barrier3A = arith.constant 0 : index
    tpu.barrier barrier_id(%barrier3A)
    "tpu.region"() ({
      %run_scoped3A_75 = tpu.sem_alloc : memref<!tpu.dma_semaphore, #tpu.memory_space<semaphore_mem>>
      %dma_start3A_76 = arith.constant 0 : i32
      %dma_start3A_77 = arith.constant 0 : i32
      %dma_start3A_78 = tpu.memref_slice %arg4[%add3A, %dma_start3A_76, %dma_start3A_77] : memref<32x80x128xi32, #tpu.memory_space<hbm>> -> memref<1x80x128xi32, #tpu.memory_space<hbm>>
      %dma_start3A_79 = tpu.memref_squeeze %dma_start3A_78 : memref<1x80x128xi32, #tpu.memory_space<hbm>> -> memref<80x128xi32, #tpu.memory_space<hbm>>
      %dma_start3A_80 = arith.constant 0 : i32
      %dma_start3A_81 = arith.constant 0 : i32
      %dma_start3A_82 = tpu.memref_slice %arg4[%add3A, %dma_start3A_80, %dma_start3A_81] : memref<32x80x128xi32, #tpu.memory_space<hbm>> -> memref<1x80x128xi32, #tpu.memory_space<hbm>>
      %dma_start3A_83 = tpu.memref_squeeze %dma_start3A_82 : memref<1x80x128xi32, #tpu.memory_space<hbm>> -> memref<80x128xi32, #tpu.memory_space<hbm>>
      tpu.enqueue_dma source(%dma_start3A_83 : memref<80x128xi32, #tpu.memory_space<hbm>>) target(%arg8 : memref<80x128xi32, #tpu.memory_space<vmem>>) target_semaphore(%run_scoped3A_75 : memref<!tpu.dma_semaphore, #tpu.memory_space<semaphore_mem>>)
      %dma_wait3A = arith.constant 0 : i32
      %dma_wait3A_84 = arith.constant 0 : i32
      %dma_wait3A_85 = tpu.memref_slice %arg4[%add3A, %dma_wait3A, %dma_wait3A_84] : memref<32x80x128xi32, #tpu.memory_space<hbm>> -> memref<1x80x128xi32, #tpu.memory_space<hbm>>
      %dma_wait3A_86 = tpu.memref_squeeze %dma_wait3A_85 : memref<1x80x128xi32, #tpu.memory_space<hbm>> -> memref<80x128xi32, #tpu.memory_space<hbm>>
      %dma_wait3A_87 = arith.constant 0 : i32
      %dma_wait3A_88 = arith.constant 0 : i32
      %dma_wait3A_89 = tpu.memref_slice %arg4[%add3A, %dma_wait3A_87, %dma_wait3A_88] : memref<32x80x128xi32, #tpu.memory_space<hbm>> -> memref<1x80x128xi32, #tpu.memory_space<hbm>>
      %dma_wait3A_90 = tpu.memref_squeeze %dma_wait3A_89 : memref<1x80x128xi32, #tpu.memory_space<hbm>> -> memref<80x128xi32, #tpu.memory_space<hbm>>
      tpu.wait_dma2 semaphore(%run_scoped3A_75 : memref<!tpu.dma_semaphore, #tpu.memory_space<semaphore_mem>>) src(%dma_wait3A_90 : memref<80x128xi32, #tpu.memory_space<hbm>>) dst(%arg8 : memref<80x128xi32, #tpu.memory_space<vmem>>)
      tpu.yield
    }) : () -> ()
    "tpu.region"() ({
      %run_scoped3A_75 = tpu.sem_alloc : memref<!tpu.dma_semaphore, #tpu.memory_space<semaphore_mem>>
      %dma_start3A_76 = arith.constant 0 : i32
      %dma_start3A_77 = arith.constant 0 : i32
      %dma_start3A_78 = tpu.memref_slice %arg5[%add3A, %dma_start3A_76, %dma_start3A_77] : memref<32x80x128xi32, #tpu.memory_space<hbm>> -> memref<1x80x128xi32, #tpu.memory_space<hbm>>
      %dma_start3A_79 = tpu.memref_squeeze %dma_start3A_78 : memref<1x80x128xi32, #tpu.memory_space<hbm>> -> memref<80x128xi32, #tpu.memory_space<hbm>>
      %dma_start3A_80 = arith.constant 0 : i32
      %dma_start3A_81 = arith.constant 0 : i32
      %dma_start3A_82 = tpu.memref_slice %arg5[%add3A, %dma_start3A_80, %dma_start3A_81] : memref<32x80x128xi32, #tpu.memory_space<hbm>> -> memref<1x80x128xi32, #tpu.memory_space<hbm>>
      %dma_start3A_83 = tpu.memref_squeeze %dma_start3A_82 : memref<1x80x128xi32, #tpu.memory_space<hbm>> -> memref<80x128xi32, #tpu.memory_space<hbm>>
      tpu.enqueue_dma source(%dma_start3A_83 : memref<80x128xi32, #tpu.memory_space<hbm>>) target(%arg9 : memref<80x128xi32, #tpu.memory_space<vmem>>) target_semaphore(%run_scoped3A_75 : memref<!tpu.dma_semaphore, #tpu.memory_space<semaphore_mem>>)
      %dma_wait3A = arith.constant 0 : i32
      %dma_wait3A_84 = arith.constant 0 : i32
      %dma_wait3A_85 = tpu.memref_slice %arg5[%add3A, %dma_wait3A, %dma_wait3A_84] : memref<32x80x128xi32, #tpu.memory_space<hbm>> -> memref<1x80x128xi32, #tpu.memory_space<hbm>>
      %dma_wait3A_86 = tpu.memref_squeeze %dma_wait3A_85 : memref<1x80x128xi32, #tpu.memory_space<hbm>> -> memref<80x128xi32, #tpu.memory_space<hbm>>
      %dma_wait3A_87 = arith.constant 0 : i32
      %dma_wait3A_88 = arith.constant 0 : i32
      %dma_wait3A_89 = tpu.memref_slice %arg5[%add3A, %dma_wait3A_87, %dma_wait3A_88] : memref<32x80x128xi32, #tpu.memory_space<hbm>> -> memref<1x80x128xi32, #tpu.memory_space<hbm>>
      %dma_wait3A_90 = tpu.memref_squeeze %dma_wait3A_89 : memref<1x80x128xi32, #tpu.memory_space<hbm>> -> memref<80x128xi32, #tpu.memory_space<hbm>>
      tpu.wait_dma2 semaphore(%run_scoped3A_75 : memref<!tpu.dma_semaphore, #tpu.memory_space<semaphore_mem>>) src(%dma_wait3A_90 : memref<80x128xi32, #tpu.memory_space<hbm>>) dst(%arg9 : memref<80x128xi32, #tpu.memory_space<vmem>>)
      tpu.yield
    }) : () -> ()
    %and3A = arith.constant 7 : i32
    %and3A_19 = vector.broadcast %and3A : i32 to vector<16xi32>
    %and3A_20 = arith.andi %iota3A, %and3A_19 : vector<16xi32>
    %add3A_21 = arith.constant 8 : i32
    %add3A_22 = vector.broadcast %add3A_21 : i32 to vector<16xi32>
    %add3A_23 = arith.addi %and3A_20, %add3A_22 : vector<16xi32>
    %shift_right_arithmetic3A = arith.constant 3 : i32
    %shift_right_arithmetic3A_24 = vector.broadcast %shift_right_arithmetic3A : i32 to vector<16xi32>
    %shift_right_arithmetic3A_25 = arith.shrsi %iota3A, %shift_right_arithmetic3A_24 : vector<16xi32>
    %add3A_26 = arith.constant 0 : i32
    %add3A_27 = vector.broadcast %add3A_26 : i32 to vector<16xi32>
    %add3A_28 = arith.addi %shift_right_arithmetic3A_25, %add3A_27 : vector<16xi32>
    %shift_right_arithmetic3A_29 = arith.constant 3 : i32
    %shift_right_arithmetic3A_30 = vector.broadcast %shift_right_arithmetic3A_29 : i32 to vector<16xi32>
    %shift_right_arithmetic3A_31 = arith.shrsi %iota3A, %shift_right_arithmetic3A_30 : vector<16xi32>
    %add3A_32 = arith.constant 2 : i32
    %add3A_33 = vector.broadcast %add3A_32 : i32 to vector<16xi32>
    %add3A_34 = arith.addi %shift_right_arithmetic3A_31, %add3A_33 : vector<16xi32>
    %shift_right_arithmetic3A_35 = arith.constant 3 : i32
    %shift_right_arithmetic3A_36 = vector.broadcast %shift_right_arithmetic3A_35 : i32 to vector<16xi32>
    %shift_right_arithmetic3A_37 = arith.shrsi %iota3A, %shift_right_arithmetic3A_36 : vector<16xi32>
    %add3A_38 = arith.constant 4 : i32
    %add3A_39 = vector.broadcast %add3A_38 : i32 to vector<16xi32>
    %add3A_40 = arith.addi %shift_right_arithmetic3A_37, %add3A_39 : vector<16xi32>
    %shift_right_arithmetic3A_41 = arith.constant 3 : i32
    %shift_right_arithmetic3A_42 = vector.broadcast %shift_right_arithmetic3A_41 : i32 to vector<16xi32>
    %shift_right_arithmetic3A_43 = arith.shrsi %iota3A, %shift_right_arithmetic3A_42 : vector<16xi32>
    %add3A_44 = arith.constant 6 : i32
    %add3A_45 = vector.broadcast %add3A_44 : i32 to vector<16xi32>
    %add3A_46 = arith.addi %shift_right_arithmetic3A_43, %add3A_45 : vector<16xi32>
    %dma_start3A = arith.constant 0 : i32
    %dma_start3A_47 = arith.constant 0 : i32
    %dma_start3A_48 = tpu.memref_slice %arg8[%dma_start3A, %dma_start3A_47] : memref<80x128xi32, #tpu.memory_space<vmem>> -> memref<1x128xi32, #tpu.memory_space<vmem>>
    %dma_start3A_49 = tpu.memref_squeeze %dma_start3A_48 : memref<1x128xi32, #tpu.memory_space<vmem>> -> memref<128xi32, #tpu.memory_space<vmem>>
    %dma_start3A_50 = arith.constant 0 : i32
    %dma_start3A_51 = arith.constant 0 : i32
    %dma_start3A_52 = tpu.memref_slice %arg2[%dma_start3A_50, %dma_start3A_51] : memref<10112x16xf32, #tpu.memory_space<hbm>> -> memref<10112x16xf32, #tpu.memory_space<hbm>>
    tpu.enqueue_indirect_dma source(%dma_start3A_52 : memref<10112x16xf32, #tpu.memory_space<hbm>>) target(%arg10 : memref<128x16xf32, #tpu.memory_space<vmem>>) offsets(%dma_start3A_49 : memref<128xi32, #tpu.memory_space<vmem>>) semaphore(%arg21 : memref<!tpu.dma_semaphore, #tpu.memory_space<semaphore_mem>>)
    %dma_start3A_53 = arith.constant 0 : i32
    %dma_start3A_54 = arith.constant 0 : i32
    %dma_start3A_55 = tpu.memref_slice %arg9[%dma_start3A_53, %dma_start3A_54] : memref<80x128xi32, #tpu.memory_space<vmem>> -> memref<1x128xi32, #tpu.memory_space<vmem>>
    %dma_start3A_56 = tpu.memref_squeeze %dma_start3A_55 : memref<1x128xi32, #tpu.memory_space<vmem>> -> memref<128xi32, #tpu.memory_space<vmem>>
    %dma_start3A_57 = arith.constant 0 : i32
    %dma_start3A_58 = arith.constant 0 : i32
    %dma_start3A_59 = tpu.memref_slice %arg2[%dma_start3A_57, %dma_start3A_58] : memref<10112x16xf32, #tpu.memory_space<hbm>> -> memref<10112x16xf32, #tpu.memory_space<hbm>>
    tpu.enqueue_indirect_dma source(%dma_start3A_59 : memref<10112x16xf32, #tpu.memory_space<hbm>>) target(%arg11 : memref<128x16xf32, #tpu.memory_space<vmem>>) offsets(%dma_start3A_56 : memref<128xi32, #tpu.memory_space<vmem>>) semaphore(%arg21 : memref<!tpu.dma_semaphore, #tpu.memory_space<semaphore_mem>>)
    %dma_start3A_60 = arith.constant 0 : i32
    %dma_start3A_61 = arith.constant 0 : i32
    %dma_start3A_62 = tpu.memref_slice %arg8[%dma_start3A_60, %dma_start3A_61] : memref<80x128xi32, #tpu.memory_space<vmem>> -> memref<1x128xi32, #tpu.memory_space<vmem>>
    %dma_start3A_63 = tpu.memref_squeeze %dma_start3A_62 : memref<1x128xi32, #tpu.memory_space<vmem>> -> memref<128xi32, #tpu.memory_space<vmem>>
    %dma_start3A_64 = arith.constant 0 : i32
    %dma_start3A_65 = arith.constant 0 : i32
    %dma_start3A_66 = tpu.memref_slice %arg3[%dma_start3A_64, %dma_start3A_65] : memref<10112x64xf32, #tpu.memory_space<hbm>> -> memref<10112x64xf32, #tpu.memory_space<hbm>>
    tpu.enqueue_indirect_dma source(%dma_start3A_66 : memref<10112x64xf32, #tpu.memory_space<hbm>>) target(%arg12 : memref<128x64xf32, #tpu.memory_space<vmem>>) offsets(%dma_start3A_63 : memref<128xi32, #tpu.memory_space<vmem>>) semaphore(%arg21 : memref<!tpu.dma_semaphore, #tpu.memory_space<semaphore_mem>>)
    %scan3A_67 = arith.constant 0 : i32
    %scan3A_68 = arith.constant 0 : i32
    %scan3A_69 = arith.constant 40 : i32
    %scan3A_70 = arith.addi %scan3A_68, %scan3A_69 : i32
    %scan3A_71 = arith.constant 1 : i32
    %scan3A_72 = scf.for %scan3A_75 = %scan3A_68 to %scan3A_70 step %scan3A_71 iter_args(%scan3A_76 = %scan3A_67) -> (i32)  : i32 {
      %mul3A_77 = arith.constant 2 : i32
      %mul3A_78 = arith.muli %mul3A_77, %scan3A_75 : i32
      %add3A_79 = arith.constant 1 : i32
      %add3A_80 = arith.addi %mul3A_78, %add3A_79 : i32
      %lt3A = arith.constant 80 : i32
      %lt3A_81 = arith.cmpi slt, %add3A_80, %lt3A : i32
      %convert_element_type3A = arith.extui %lt3A_81 : i1 to i32
      %cond3A = arith.constant 0 : i32
      %cond3A_82 = arith.cmpi ne, %convert_element_type3A, %cond3A : i32
      scf.if %cond3A_82 {
        %add3A_133 = arith.constant 1 : i32
        %add3A_134 = arith.addi %mul3A_78, %add3A_133 : i32
        %dma_start3A_135 = arith.constant 0 : i32
        %dma_start3A_136 = tpu.memref_slice %arg8[%add3A_134, %dma_start3A_135] : memref<80x128xi32, #tpu.memory_space<vmem>> -> memref<1x128xi32, #tpu.memory_space<vmem>>
        %dma_start3A_137 = tpu.memref_squeeze %dma_start3A_136 : memref<1x128xi32, #tpu.memory_space<vmem>> -> memref<128xi32, #tpu.memory_space<vmem>>
        %dma_start3A_138 = arith.constant 0 : i32
        %dma_start3A_139 = arith.constant 0 : i32
        %dma_start3A_140 = tpu.memref_slice %arg2[%dma_start3A_138, %dma_start3A_139] : memref<10112x16xf32, #tpu.memory_space<hbm>> -> memref<10112x16xf32, #tpu.memory_space<hbm>>
        tpu.enqueue_indirect_dma source(%dma_start3A_140 : memref<10112x16xf32, #tpu.memory_space<hbm>>) target(%arg14 : memref<128x16xf32, #tpu.memory_space<vmem>>) offsets(%dma_start3A_137 : memref<128xi32, #tpu.memory_space<vmem>>) semaphore(%arg22 : memref<!tpu.dma_semaphore, #tpu.memory_space<semaphore_mem>>)
        %dma_start3A_141 = arith.constant 0 : i32
        %dma_start3A_142 = tpu.memref_slice %arg9[%add3A_134, %dma_start3A_141] : memref<80x128xi32, #tpu.memory_space<vmem>> -> memref<1x128xi32, #tpu.memory_space<vmem>>
        %dma_start3A_143 = tpu.memref_squeeze %dma_start3A_142 : memref<1x128xi32, #tpu.memory_space<vmem>> -> memref<128xi32, #tpu.memory_space<vmem>>
        %dma_start3A_144 = arith.constant 0 : i32
        %dma_start3A_145 = arith.constant 0 : i32
        %dma_start3A_146 = tpu.memref_slice %arg2[%dma_start3A_144, %dma_start3A_145] : memref<10112x16xf32, #tpu.memory_space<hbm>> -> memref<10112x16xf32, #tpu.memory_space<hbm>>
        tpu.enqueue_indirect_dma source(%dma_start3A_146 : memref<10112x16xf32, #tpu.memory_space<hbm>>) target(%arg15 : memref<128x16xf32, #tpu.memory_space<vmem>>) offsets(%dma_start3A_143 : memref<128xi32, #tpu.memory_space<vmem>>) semaphore(%arg22 : memref<!tpu.dma_semaphore, #tpu.memory_space<semaphore_mem>>)
        %dma_start3A_147 = arith.constant 0 : i32
        %dma_start3A_148 = tpu.memref_slice %arg8[%add3A_134, %dma_start3A_147] : memref<80x128xi32, #tpu.memory_space<vmem>> -> memref<1x128xi32, #tpu.memory_space<vmem>>
        %dma_start3A_149 = tpu.memref_squeeze %dma_start3A_148 : memref<1x128xi32, #tpu.memory_space<vmem>> -> memref<128xi32, #tpu.memory_space<vmem>>
        %dma_start3A_150 = arith.constant 0 : i32
        %dma_start3A_151 = arith.constant 0 : i32
        %dma_start3A_152 = tpu.memref_slice %arg3[%dma_start3A_150, %dma_start3A_151] : memref<10112x64xf32, #tpu.memory_space<hbm>> -> memref<10112x64xf32, #tpu.memory_space<hbm>>
        tpu.enqueue_indirect_dma source(%dma_start3A_152 : memref<10112x64xf32, #tpu.memory_space<hbm>>) target(%arg16 : memref<128x64xf32, #tpu.memory_space<vmem>>) offsets(%dma_start3A_149 : memref<128xi32, #tpu.memory_space<vmem>>) semaphore(%arg22 : memref<!tpu.dma_semaphore, #tpu.memory_space<semaphore_mem>>)
      } else {
      }
      %dma_wait3A = arith.constant 0 : i32
      %dma_wait3A_83 = arith.constant 0 : i32
      %dma_wait3A_84 = tpu.memref_slice %arg2[%dma_wait3A, %dma_wait3A_83] : memref<10112x16xf32, #tpu.memory_space<hbm>> -> memref<128x16xf32, #tpu.memory_space<hbm>>
      %dma_wait3A_85 = arith.constant 0 : i32
      %dma_wait3A_86 = arith.constant 0 : i32
      %dma_wait3A_87 = tpu.memref_slice %arg2[%dma_wait3A_85, %dma_wait3A_86] : memref<10112x16xf32, #tpu.memory_space<hbm>> -> memref<128x16xf32, #tpu.memory_space<hbm>>
      tpu.wait_dma2 semaphore(%arg21 : memref<!tpu.dma_semaphore, #tpu.memory_space<semaphore_mem>>) src(%dma_wait3A_87 : memref<128x16xf32, #tpu.memory_space<hbm>>) dst(%arg10 : memref<128x16xf32, #tpu.memory_space<vmem>>)
      %dma_wait3A_88 = arith.constant 0 : i32
      %dma_wait3A_89 = arith.constant 0 : i32
      %dma_wait3A_90 = tpu.memref_slice %arg2[%dma_wait3A_88, %dma_wait3A_89] : memref<10112x16xf32, #tpu.memory_space<hbm>> -> memref<128x16xf32, #tpu.memory_space<hbm>>
      %dma_wait3A_91 = arith.constant 0 : i32
      %dma_wait3A_92 = arith.constant 0 : i32
      %dma_wait3A_93 = tpu.memref_slice %arg2[%dma_wait3A_91, %dma_wait3A_92] : memref<10112x16xf32, #tpu.memory_space<hbm>> -> memref<128x16xf32, #tpu.memory_space<hbm>>
      tpu.wait_dma2 semaphore(%arg21 : memref<!tpu.dma_semaphore, #tpu.memory_space<semaphore_mem>>) src(%dma_wait3A_93 : memref<128x16xf32, #tpu.memory_space<hbm>>) dst(%arg11 : memref<128x16xf32, #tpu.memory_space<vmem>>)
      %dma_wait3A_94 = arith.constant 0 : i32
      %dma_wait3A_95 = arith.constant 0 : i32
      %dma_wait3A_96 = tpu.memref_slice %arg3[%dma_wait3A_94, %dma_wait3A_95] : memref<10112x64xf32, #tpu.memory_space<hbm>> -> memref<128x64xf32, #tpu.memory_space<hbm>>
      %dma_wait3A_97 = arith.constant 0 : i32
      %dma_wait3A_98 = arith.constant 0 : i32
      %dma_wait3A_99 = tpu.memref_slice %arg3[%dma_wait3A_97, %dma_wait3A_98] : memref<10112x64xf32, #tpu.memory_space<hbm>> -> memref<128x64xf32, #tpu.memory_space<hbm>>
      tpu.wait_dma2 semaphore(%arg21 : memref<!tpu.dma_semaphore, #tpu.memory_space<semaphore_mem>>) src(%dma_wait3A_99 : memref<128x64xf32, #tpu.memory_space<hbm>>) dst(%arg12 : memref<128x64xf32, #tpu.memory_space<vmem>>)
      %parallel_loop3A = arith.constant 0 : i32
      %parallel_loop3A_100 = arith.constant 128 : i32
      %parallel_loop3A_101 = arith.constant 1 : i32
      scf.for %parallel_loop3A_133 = %parallel_loop3A to %parallel_loop3A_100 step %parallel_loop3A_101  : i32 {
        %parallel_loop3A_134 = arith.index_cast %parallel_loop3A_133 : i32 to index
        %parallel_loop3A_135 = arith.constant 0 : index
        %parallel_loop3A_136 = tpu.vector_load %arg10[%parallel_loop3A_134, %parallel_loop3A_135] {strides = array<i32>} : memref<128x16xf32, #tpu.memory_space<vmem>>, vector<16xf32>,
        %parallel_loop3A_137 = arith.index_cast %parallel_loop3A_133 : i32 to index
        %parallel_loop3A_138 = arith.constant 0 : index
        %parallel_loop3A_139 = tpu.vector_load %arg11[%parallel_loop3A_137, %parallel_loop3A_138] {strides = array<i32>} : memref<128x16xf32, #tpu.memory_space<vmem>>, vector<16xf32>,
        %parallel_loop3A_140 = vector.shape_cast %add3A_23 : vector<16xi32> to vector<16x1xi32>
        %parallel_loop3A_141 = vector.shape_cast %parallel_loop3A_140 : vector<16x1xi32> to vector<16xi32>
        %parallel_loop3A_142 = tpu.dynamic_gather %parallel_loop3A_139[%parallel_loop3A_141] in [0] : vector<16xf32>, vector<16xi32> -> vector<16xf32>
        %parallel_loop3A_143 = arith.addf %parallel_loop3A_136, %parallel_loop3A_142 : vector<16xf32>
        %parallel_loop3A_144 = arith.constant 2.000000e-01 : f32
        %parallel_loop3A_145 = vector.broadcast %parallel_loop3A_144 : f32 to vector<16xf32>
        %parallel_loop3A_146 = arith.mulf %parallel_loop3A_145, %parallel_loop3A_143 : vector<16xf32>
        %parallel_loop3A_147 = arith.maximumf %parallel_loop3A_143, %parallel_loop3A_146 : vector<16xf32>
        %parallel_loop3A_148 = math.exp %parallel_loop3A_147 : vector<16xf32>
        %parallel_loop3A_149 = arith.index_cast %parallel_loop3A_133 : i32 to index
        %parallel_loop3A_150 = arith.constant 0 : index
        %parallel_loop3A_151 = tpu.vector_load %arg13[%parallel_loop3A_149, %parallel_loop3A_150] {strides = array<i32>} : memref<128x16xf32, #tpu.memory_space<vmem>>, vector<16xf32>,
        tpu.vector_store %arg13[%parallel_loop3A_149, %parallel_loop3A_150], %parallel_loop3A_148 {strides = array<i32>} : memref<128x16xf32, #tpu.memory_space<vmem>>, vector<16xf32>,
        %parallel_loop3A_152 = vector.shape_cast %add3A_28 : vector<16xi32> to vector<16x1xi32>
        %parallel_loop3A_153 = vector.shape_cast %parallel_loop3A_152 : vector<16x1xi32> to vector<16xi32>
        %parallel_loop3A_154 = tpu.dynamic_gather %parallel_loop3A_148[%parallel_loop3A_153] in [0] : vector<16xf32>, vector<16xi32> -> vector<16xf32>
        %parallel_loop3A_155 = arith.index_cast %parallel_loop3A_133 : i32 to index
        %parallel_loop3A_156 = arith.constant 0 : index
        %parallel_loop3A_157 = tpu.vector_load %arg12[%parallel_loop3A_155, %parallel_loop3A_156] {strides = array<i32>} : memref<128x64xf32, #tpu.memory_space<vmem>>, vector<16xf32>,
        %parallel_loop3A_158 = arith.mulf %parallel_loop3A_157, %parallel_loop3A_154 : vector<16xf32>
        %parallel_loop3A_159 = arith.index_cast %parallel_loop3A_133 : i32 to index
        %parallel_loop3A_160 = arith.constant 0 : index
        %parallel_loop3A_161 = tpu.vector_load %arg12[%parallel_loop3A_159, %parallel_loop3A_160] {strides = array<i32>} : memref<128x64xf32, #tpu.memory_space<vmem>>, vector<16xf32>,
        tpu.vector_store %arg12[%parallel_loop3A_159, %parallel_loop3A_160], %parallel_loop3A_158 {strides = array<i32>} : memref<128x64xf32, #tpu.memory_space<vmem>>, vector<16xf32>,
        %parallel_loop3A_162 = vector.shape_cast %add3A_34 : vector<16xi32> to vector<16x1xi32>
        %parallel_loop3A_163 = vector.shape_cast %parallel_loop3A_162 : vector<16x1xi32> to vector<16xi32>
        %parallel_loop3A_164 = tpu.dynamic_gather %parallel_loop3A_148[%parallel_loop3A_163] in [0] : vector<16xf32>, vector<16xi32> -> vector<16xf32>
        %parallel_loop3A_165 = arith.index_cast %parallel_loop3A_133 : i32 to index
        %parallel_loop3A_166 = arith.constant 16 : index
        %parallel_loop3A_167 = tpu.vector_load %arg12[%parallel_loop3A_165, %parallel_loop3A_166] {strides = array<i32>} : memref<128x64xf32, #tpu.memory_space<vmem>>, vector<16xf32>,
        %parallel_loop3A_168 = arith.mulf %parallel_loop3A_167, %parallel_loop3A_164 : vector<16xf32>
        %parallel_loop3A_169 = arith.index_cast %parallel_loop3A_133 : i32 to index
        %parallel_loop3A_170 = arith.constant 16 : index
        %parallel_loop3A_171 = tpu.vector_load %arg12[%parallel_loop3A_169, %parallel_loop3A_170] {strides = array<i32>} : memref<128x64xf32, #tpu.memory_space<vmem>>, vector<16xf32>,
        tpu.vector_store %arg12[%parallel_loop3A_169, %parallel_loop3A_170], %parallel_loop3A_168 {strides = array<i32>} : memref<128x64xf32, #tpu.memory_space<vmem>>, vector<16xf32>,
        %parallel_loop3A_172 = vector.shape_cast %add3A_40 : vector<16xi32> to vector<16x1xi32>
        %parallel_loop3A_173 = vector.shape_cast %parallel_loop3A_172 : vector<16x1xi32> to vector<16xi32>
        %parallel_loop3A_174 = tpu.dynamic_gather %parallel_loop3A_148[%parallel_loop3A_173] in [0] : vector<16xf32>, vector<16xi32> -> vector<16xf32>
        %parallel_loop3A_175 = arith.index_cast %parallel_loop3A_133 : i32 to index
        %parallel_loop3A_176 = arith.constant 32 : index
        %parallel_loop3A_177 = tpu.vector_load %arg12[%parallel_loop3A_175, %parallel_loop3A_176] {strides = array<i32>} : memref<128x64xf32, #tpu.memory_space<vmem>>, vector<16xf32>,
        %parallel_loop3A_178 = arith.mulf %parallel_loop3A_177, %parallel_loop3A_174 : vector<16xf32>
        %parallel_loop3A_179 = arith.index_cast %parallel_loop3A_133 : i32 to index
        %parallel_loop3A_180 = arith.constant 32 : index
        %parallel_loop3A_181 = tpu.vector_load %arg12[%parallel_loop3A_179, %parallel_loop3A_180] {strides = array<i32>} : memref<128x64xf32, #tpu.memory_space<vmem>>, vector<16xf32>,
        tpu.vector_store %arg12[%parallel_loop3A_179, %parallel_loop3A_180], %parallel_loop3A_178 {strides = array<i32>} : memref<128x64xf32, #tpu.memory_space<vmem>>, vector<16xf32>,
        %parallel_loop3A_182 = vector.shape_cast %add3A_46 : vector<16xi32> to vector<16x1xi32>
        %parallel_loop3A_183 = vector.shape_cast %parallel_loop3A_182 : vector<16x1xi32> to vector<16xi32>
        %parallel_loop3A_184 = tpu.dynamic_gather %parallel_loop3A_148[%parallel_loop3A_183] in [0] : vector<16xf32>, vector<16xi32> -> vector<16xf32>
        %parallel_loop3A_185 = arith.index_cast %parallel_loop3A_133 : i32 to index
        %parallel_loop3A_186 = arith.constant 48 : index
        %parallel_loop3A_187 = tpu.vector_load %arg12[%parallel_loop3A_185, %parallel_loop3A_186] {strides = array<i32>} : memref<128x64xf32, #tpu.memory_space<vmem>>, vector<16xf32>,
        %parallel_loop3A_188 = arith.mulf %parallel_loop3A_187, %parallel_loop3A_184 : vector<16xf32>
        %parallel_loop3A_189 = arith.index_cast %parallel_loop3A_133 : i32 to index
        %parallel_loop3A_190 = arith.constant 48 : index
        %parallel_loop3A_191 = tpu.vector_load %arg12[%parallel_loop3A_189, %parallel_loop3A_190] {strides = array<i32>} : memref<128x64xf32, #tpu.memory_space<vmem>>, vector<16xf32>,
        tpu.vector_store %arg12[%parallel_loop3A_189, %parallel_loop3A_190], %parallel_loop3A_188 {strides = array<i32>} : memref<128x64xf32, #tpu.memory_space<vmem>>, vector<16xf32>,
      } {sc.loop_unroll_factor = 4 : i64, sc.parallel_access}
      "tpu.region"() ({
        %run_scoped3A_133 = tpu.sem_alloc : memref<!tpu.dma_semaphore, #tpu.memory_space<semaphore_mem>>
        %dma_start3A_134 = arith.constant 0 : i32
        %dma_start3A_135 = tpu.memref_slice %arg9[%mul3A_78, %dma_start3A_134] : memref<80x128xi32, #tpu.memory_space<vmem>> -> memref<1x128xi32, #tpu.memory_space<vmem>>
        %dma_start3A_136 = tpu.memref_squeeze %dma_start3A_135 : memref<1x128xi32, #tpu.memory_space<vmem>> -> memref<128xi32, #tpu.memory_space<vmem>>
        %dma_start3A_137 = arith.constant 0 : i32
        %dma_start3A_138 = arith.constant 0 : i32
        %dma_start3A_139 = tpu.memref_slice %arg20[%dma_start3A_137, %dma_start3A_138] : memref<10112x16xf32, #tpu.memory_space<vmem_shared>> -> memref<10112x16xf32, #tpu.memory_space<vmem_shared>>
        tpu.enqueue_indirect_dma source(%arg13 : memref<128x16xf32, #tpu.memory_space<vmem>>) target(%dma_start3A_139 : memref<10112x16xf32, #tpu.memory_space<vmem_shared>>) offsets(%dma_start3A_136 : memref<128xi32, #tpu.memory_space<vmem>>) semaphore(%run_scoped3A_133 : memref<!tpu.dma_semaphore, #tpu.memory_space<semaphore_mem>>) {add = true}
        %dma_wait3A_140 = arith.constant 0 : i32
        %dma_wait3A_141 = tpu.memref_slice %arg9[%mul3A_78, %dma_wait3A_140] : memref<80x128xi32, #tpu.memory_space<vmem>> -> memref<1x128xi32, #tpu.memory_space<vmem>>
        %dma_wait3A_142 = tpu.memref_squeeze %dma_wait3A_141 : memref<1x128xi32, #tpu.memory_space<vmem>> -> memref<128xi32, #tpu.memory_space<vmem>>
        %dma_wait3A_143 = arith.constant 0 : i32
        %dma_wait3A_144 = arith.constant 0 : i32
        %dma_wait3A_145 = tpu.memref_slice %arg20[%dma_wait3A_143, %dma_wait3A_144] : memref<10112x16xf32, #tpu.memory_space<vmem_shared>> -> memref<10112x16xf32, #tpu.memory_space<vmem_shared>>
        tpu.wait_indirect_dma semaphore(%run_scoped3A_133 : memref<!tpu.dma_semaphore, #tpu.memory_space<semaphore_mem>>) src(%arg13 : memref<128x16xf32, #tpu.memory_space<vmem>>) dst(%dma_wait3A_145 : memref<10112x16xf32, #tpu.memory_space<vmem_shared>>)
        tpu.yield
      }) : () -> ()
      "tpu.region"() ({
        %run_scoped3A_133 = tpu.sem_alloc : memref<!tpu.dma_semaphore, #tpu.memory_space<semaphore_mem>>
        %dma_start3A_134 = arith.constant 0 : i32
        %dma_start3A_135 = tpu.memref_slice %arg9[%mul3A_78, %dma_start3A_134] : memref<80x128xi32, #tpu.memory_space<vmem>> -> memref<1x128xi32, #tpu.memory_space<vmem>>
        %dma_start3A_136 = tpu.memref_squeeze %dma_start3A_135 : memref<1x128xi32, #tpu.memory_space<vmem>> -> memref<128xi32, #tpu.memory_space<vmem>>
        %dma_start3A_137 = arith.constant 0 : i32
        %dma_start3A_138 = arith.constant 0 : i32
        %dma_start3A_139 = tpu.memref_slice %arg19[%dma_start3A_137, %dma_start3A_138] : memref<10112x64xf32, #tpu.memory_space<vmem_shared>> -> memref<10112x64xf32, #tpu.memory_space<vmem_shared>>
        tpu.enqueue_indirect_dma source(%arg12 : memref<128x64xf32, #tpu.memory_space<vmem>>) target(%dma_start3A_139 : memref<10112x64xf32, #tpu.memory_space<vmem_shared>>) offsets(%dma_start3A_136 : memref<128xi32, #tpu.memory_space<vmem>>) semaphore(%run_scoped3A_133 : memref<!tpu.dma_semaphore, #tpu.memory_space<semaphore_mem>>) {add = true}
        %dma_wait3A_140 = arith.constant 0 : i32
        %dma_wait3A_141 = tpu.memref_slice %arg9[%mul3A_78, %dma_wait3A_140] : memref<80x128xi32, #tpu.memory_space<vmem>> -> memref<1x128xi32, #tpu.memory_space<vmem>>
        %dma_wait3A_142 = tpu.memref_squeeze %dma_wait3A_141 : memref<1x128xi32, #tpu.memory_space<vmem>> -> memref<128xi32, #tpu.memory_space<vmem>>
        %dma_wait3A_143 = arith.constant 0 : i32
        %dma_wait3A_144 = arith.constant 0 : i32
        %dma_wait3A_145 = tpu.memref_slice %arg19[%dma_wait3A_143, %dma_wait3A_144] : memref<10112x64xf32, #tpu.memory_space<vmem_shared>> -> memref<10112x64xf32, #tpu.memory_space<vmem_shared>>
        tpu.wait_indirect_dma semaphore(%run_scoped3A_133 : memref<!tpu.dma_semaphore, #tpu.memory_space<semaphore_mem>>) src(%arg12 : memref<128x64xf32, #tpu.memory_space<vmem>>) dst(%dma_wait3A_145 : memref<10112x64xf32, #tpu.memory_space<vmem_shared>>)
        tpu.yield
      }) : () -> ()
      %add3A_102 = arith.constant 1 : i32
      %add3A_103 = arith.addi %mul3A_78, %add3A_102 : i32
      %add3A_104 = arith.constant 1 : i32
      %add3A_105 = arith.addi %add3A_103, %add3A_104 : i32
      %lt3A_106 = arith.constant 80 : i32
      %lt3A_107 = arith.cmpi slt, %add3A_105, %lt3A_106 : i32
      %convert_element_type3A_108 = arith.extui %lt3A_107 : i1 to i32
      %cond3A_109 = arith.constant 0 : i32
      %cond3A_110 = arith.cmpi ne, %convert_element_type3A_108, %cond3A_109 : i32
      scf.if %cond3A_110 {
        %add3A_133 = arith.constant 1 : i32
        %add3A_134 = arith.addi %add3A_103, %add3A_133 : i32
        %dma_start3A_135 = arith.constant 0 : i32
        %dma_start3A_136 = tpu.memref_slice %arg8[%add3A_134, %dma_start3A_135] : memref<80x128xi32, #tpu.memory_space<vmem>> -> memref<1x128xi32, #tpu.memory_space<vmem>>
        %dma_start3A_137 = tpu.memref_squeeze %dma_start3A_136 : memref<1x128xi32, #tpu.memory_space<vmem>> -> memref<128xi32, #tpu.memory_space<vmem>>
        %dma_start3A_138 = arith.constant 0 : i32
        %dma_start3A_139 = arith.constant 0 : i32
        %dma_start3A_140 = tpu.memref_slice %arg2[%dma_start3A_138, %dma_start3A_139] : memref<10112x16xf32, #tpu.memory_space<hbm>> -> memref<10112x16xf32, #tpu.memory_space<hbm>>
        tpu.enqueue_indirect_dma source(%dma_start3A_140 : memref<10112x16xf32, #tpu.memory_space<hbm>>) target(%arg10 : memref<128x16xf32, #tpu.memory_space<vmem>>) offsets(%dma_start3A_137 : memref<128xi32, #tpu.memory_space<vmem>>) semaphore(%arg21 : memref<!tpu.dma_semaphore, #tpu.memory_space<semaphore_mem>>)
        %dma_start3A_141 = arith.constant 0 : i32
        %dma_start3A_142 = tpu.memref_slice %arg9[%add3A_134, %dma_start3A_141] : memref<80x128xi32, #tpu.memory_space<vmem>> -> memref<1x128xi32, #tpu.memory_space<vmem>>
        %dma_start3A_143 = tpu.memref_squeeze %dma_start3A_142 : memref<1x128xi32, #tpu.memory_space<vmem>> -> memref<128xi32, #tpu.memory_space<vmem>>
        %dma_start3A_144 = arith.constant 0 : i32
        %dma_start3A_145 = arith.constant 0 : i32
        %dma_start3A_146 = tpu.memref_slice %arg2[%dma_start3A_144, %dma_start3A_145] : memref<10112x16xf32, #tpu.memory_space<hbm>> -> memref<10112x16xf32, #tpu.memory_space<hbm>>
        tpu.enqueue_indirect_dma source(%dma_start3A_146 : memref<10112x16xf32, #tpu.memory_space<hbm>>) target(%arg11 : memref<128x16xf32, #tpu.memory_space<vmem>>) offsets(%dma_start3A_143 : memref<128xi32, #tpu.memory_space<vmem>>) semaphore(%arg21 : memref<!tpu.dma_semaphore, #tpu.memory_space<semaphore_mem>>)
        %dma_start3A_147 = arith.constant 0 : i32
        %dma_start3A_148 = tpu.memref_slice %arg8[%add3A_134, %dma_start3A_147] : memref<80x128xi32, #tpu.memory_space<vmem>> -> memref<1x128xi32, #tpu.memory_space<vmem>>
        %dma_start3A_149 = tpu.memref_squeeze %dma_start3A_148 : memref<1x128xi32, #tpu.memory_space<vmem>> -> memref<128xi32, #tpu.memory_space<vmem>>
        %dma_start3A_150 = arith.constant 0 : i32
        %dma_start3A_151 = arith.constant 0 : i32
        %dma_start3A_152 = tpu.memref_slice %arg3[%dma_start3A_150, %dma_start3A_151] : memref<10112x64xf32, #tpu.memory_space<hbm>> -> memref<10112x64xf32, #tpu.memory_space<hbm>>
        tpu.enqueue_indirect_dma source(%dma_start3A_152 : memref<10112x64xf32, #tpu.memory_space<hbm>>) target(%arg12 : memref<128x64xf32, #tpu.memory_space<vmem>>) offsets(%dma_start3A_149 : memref<128xi32, #tpu.memory_space<vmem>>) semaphore(%arg21 : memref<!tpu.dma_semaphore, #tpu.memory_space<semaphore_mem>>)
      } else {
      }
      %dma_wait3A_111 = arith.constant 0 : i32
      %dma_wait3A_112 = arith.constant 0 : i32
      %dma_wait3A_113 = tpu.memref_slice %arg2[%dma_wait3A_111, %dma_wait3A_112] : memref<10112x16xf32, #tpu.memory_space<hbm>> -> memref<128x16xf32, #tpu.memory_space<hbm>>
      %dma_wait3A_114 = arith.constant 0 : i32
      %dma_wait3A_115 = arith.constant 0 : i32
      %dma_wait3A_116 = tpu.memref_slice %arg2[%dma_wait3A_114, %dma_wait3A_115] : memref<10112x16xf32, #tpu.memory_space<hbm>> -> memref<128x16xf32, #tpu.memory_space<hbm>>
      tpu.wait_dma2 semaphore(%arg22 : memref<!tpu.dma_semaphore, #tpu.memory_space<semaphore_mem>>) src(%dma_wait3A_116 : memref<128x16xf32, #tpu.memory_space<hbm>>) dst(%arg14 : memref<128x16xf32, #tpu.memory_space<vmem>>)
      %dma_wait3A_117 = arith.constant 0 : i32
      %dma_wait3A_118 = arith.constant 0 : i32
      %dma_wait3A_119 = tpu.memref_slice %arg2[%dma_wait3A_117, %dma_wait3A_118] : memref<10112x16xf32, #tpu.memory_space<hbm>> -> memref<128x16xf32, #tpu.memory_space<hbm>>
      %dma_wait3A_120 = arith.constant 0 : i32
      %dma_wait3A_121 = arith.constant 0 : i32
      %dma_wait3A_122 = tpu.memref_slice %arg2[%dma_wait3A_120, %dma_wait3A_121] : memref<10112x16xf32, #tpu.memory_space<hbm>> -> memref<128x16xf32, #tpu.memory_space<hbm>>
      tpu.wait_dma2 semaphore(%arg22 : memref<!tpu.dma_semaphore, #tpu.memory_space<semaphore_mem>>) src(%dma_wait3A_122 : memref<128x16xf32, #tpu.memory_space<hbm>>) dst(%arg15 : memref<128x16xf32, #tpu.memory_space<vmem>>)
      %dma_wait3A_123 = arith.constant 0 : i32
      %dma_wait3A_124 = arith.constant 0 : i32
      %dma_wait3A_125 = tpu.memref_slice %arg3[%dma_wait3A_123, %dma_wait3A_124] : memref<10112x64xf32, #tpu.memory_space<hbm>> -> memref<128x64xf32, #tpu.memory_space<hbm>>
      %dma_wait3A_126 = arith.constant 0 : i32
      %dma_wait3A_127 = arith.constant 0 : i32
      %dma_wait3A_128 = tpu.memref_slice %arg3[%dma_wait3A_126, %dma_wait3A_127] : memref<10112x64xf32, #tpu.memory_space<hbm>> -> memref<128x64xf32, #tpu.memory_space<hbm>>
      tpu.wait_dma2 semaphore(%arg22 : memref<!tpu.dma_semaphore, #tpu.memory_space<semaphore_mem>>) src(%dma_wait3A_128 : memref<128x64xf32, #tpu.memory_space<hbm>>) dst(%arg16 : memref<128x64xf32, #tpu.memory_space<vmem>>)
      %parallel_loop3A_129 = arith.constant 0 : i32
      %parallel_loop3A_130 = arith.constant 128 : i32
      %parallel_loop3A_131 = arith.constant 1 : i32
      scf.for %parallel_loop3A_133 = %parallel_loop3A_129 to %parallel_loop3A_130 step %parallel_loop3A_131  : i32 {
        %parallel_loop3A_134 = arith.index_cast %parallel_loop3A_133 : i32 to index
        %parallel_loop3A_135 = arith.constant 0 : index
        %parallel_loop3A_136 = tpu.vector_load %arg14[%parallel_loop3A_134, %parallel_loop3A_135] {strides = array<i32>} : memref<128x16xf32, #tpu.memory_space<vmem>>, vector<16xf32>,
        %parallel_loop3A_137 = arith.index_cast %parallel_loop3A_133 : i32 to index
        %parallel_loop3A_138 = arith.constant 0 : index
        %parallel_loop3A_139 = tpu.vector_load %arg15[%parallel_loop3A_137, %parallel_loop3A_138] {strides = array<i32>} : memref<128x16xf32, #tpu.memory_space<vmem>>, vector<16xf32>,
        %parallel_loop3A_140 = vector.shape_cast %add3A_23 : vector<16xi32> to vector<16x1xi32>
        %parallel_loop3A_141 = vector.shape_cast %parallel_loop3A_140 : vector<16x1xi32> to vector<16xi32>
        %parallel_loop3A_142 = tpu.dynamic_gather %parallel_loop3A_139[%parallel_loop3A_141] in [0] : vector<16xf32>, vector<16xi32> -> vector<16xf32>
        %parallel_loop3A_143 = arith.addf %parallel_loop3A_136, %parallel_loop3A_142 : vector<16xf32>
        %parallel_loop3A_144 = arith.constant 2.000000e-01 : f32
        %parallel_loop3A_145 = vector.broadcast %parallel_loop3A_144 : f32 to vector<16xf32>
        %parallel_loop3A_146 = arith.mulf %parallel_loop3A_145, %parallel_loop3A_143 : vector<16xf32>
        %parallel_loop3A_147 = arith.maximumf %parallel_loop3A_143, %parallel_loop3A_146 : vector<16xf32>
        %parallel_loop3A_148 = math.exp %parallel_loop3A_147 : vector<16xf32>
        %parallel_loop3A_149 = arith.index_cast %parallel_loop3A_133 : i32 to index
        %parallel_loop3A_150 = arith.constant 0 : index
        %parallel_loop3A_151 = tpu.vector_load %arg17[%parallel_loop3A_149, %parallel_loop3A_150] {strides = array<i32>} : memref<128x16xf32, #tpu.memory_space<vmem>>, vector<16xf32>,
        tpu.vector_store %arg17[%parallel_loop3A_149, %parallel_loop3A_150], %parallel_loop3A_148 {strides = array<i32>} : memref<128x16xf32, #tpu.memory_space<vmem>>, vector<16xf32>,
        %parallel_loop3A_152 = vector.shape_cast %add3A_28 : vector<16xi32> to vector<16x1xi32>
        %parallel_loop3A_153 = vector.shape_cast %parallel_loop3A_152 : vector<16x1xi32> to vector<16xi32>
        %parallel_loop3A_154 = tpu.dynamic_gather %parallel_loop3A_148[%parallel_loop3A_153] in [0] : vector<16xf32>, vector<16xi32> -> vector<16xf32>
        %parallel_loop3A_155 = arith.index_cast %parallel_loop3A_133 : i32 to index
        %parallel_loop3A_156 = arith.constant 0 : index
        %parallel_loop3A_157 = tpu.vector_load %arg16[%parallel_loop3A_155, %parallel_loop3A_156] {strides = array<i32>} : memref<128x64xf32, #tpu.memory_space<vmem>>, vector<16xf32>,
        %parallel_loop3A_158 = arith.mulf %parallel_loop3A_157, %parallel_loop3A_154 : vector<16xf32>
        %parallel_loop3A_159 = arith.index_cast %parallel_loop3A_133 : i32 to index
        %parallel_loop3A_160 = arith.constant 0 : index
        %parallel_loop3A_161 = tpu.vector_load %arg16[%parallel_loop3A_159, %parallel_loop3A_160] {strides = array<i32>} : memref<128x64xf32, #tpu.memory_space<vmem>>, vector<16xf32>,
        tpu.vector_store %arg16[%parallel_loop3A_159, %parallel_loop3A_160], %parallel_loop3A_158 {strides = array<i32>} : memref<128x64xf32, #tpu.memory_space<vmem>>, vector<16xf32>,
        %parallel_loop3A_162 = vector.shape_cast %add3A_34 : vector<16xi32> to vector<16x1xi32>
        %parallel_loop3A_163 = vector.shape_cast %parallel_loop3A_162 : vector<16x1xi32> to vector<16xi32>
        %parallel_loop3A_164 = tpu.dynamic_gather %parallel_loop3A_148[%parallel_loop3A_163] in [0] : vector<16xf32>, vector<16xi32> -> vector<16xf32>
        %parallel_loop3A_165 = arith.index_cast %parallel_loop3A_133 : i32 to index
        %parallel_loop3A_166 = arith.constant 16 : index
        %parallel_loop3A_167 = tpu.vector_load %arg16[%parallel_loop3A_165, %parallel_loop3A_166] {strides = array<i32>} : memref<128x64xf32, #tpu.memory_space<vmem>>, vector<16xf32>,
        %parallel_loop3A_168 = arith.mulf %parallel_loop3A_167, %parallel_loop3A_164 : vector<16xf32>
        %parallel_loop3A_169 = arith.index_cast %parallel_loop3A_133 : i32 to index
        %parallel_loop3A_170 = arith.constant 16 : index
        %parallel_loop3A_171 = tpu.vector_load %arg16[%parallel_loop3A_169, %parallel_loop3A_170] {strides = array<i32>} : memref<128x64xf32, #tpu.memory_space<vmem>>, vector<16xf32>,
        tpu.vector_store %arg16[%parallel_loop3A_169, %parallel_loop3A_170], %parallel_loop3A_168 {strides = array<i32>} : memref<128x64xf32, #tpu.memory_space<vmem>>, vector<16xf32>,
        %parallel_loop3A_172 = vector.shape_cast %add3A_40 : vector<16xi32> to vector<16x1xi32>
        %parallel_loop3A_173 = vector.shape_cast %parallel_loop3A_172 : vector<16x1xi32> to vector<16xi32>
        %parallel_loop3A_174 = tpu.dynamic_gather %parallel_loop3A_148[%parallel_loop3A_173] in [0] : vector<16xf32>, vector<16xi32> -> vector<16xf32>
        %parallel_loop3A_175 = arith.index_cast %parallel_loop3A_133 : i32 to index
        %parallel_loop3A_176 = arith.constant 32 : index
        %parallel_loop3A_177 = tpu.vector_load %arg16[%parallel_loop3A_175, %parallel_loop3A_176] {strides = array<i32>} : memref<128x64xf32, #tpu.memory_space<vmem>>, vector<16xf32>,
        %parallel_loop3A_178 = arith.mulf %parallel_loop3A_177, %parallel_loop3A_174 : vector<16xf32>
        %parallel_loop3A_179 = arith.index_cast %parallel_loop3A_133 : i32 to index
        %parallel_loop3A_180 = arith.constant 32 : index
        %parallel_loop3A_181 = tpu.vector_load %arg16[%parallel_loop3A_179, %parallel_loop3A_180] {strides = array<i32>} : memref<128x64xf32, #tpu.memory_space<vmem>>, vector<16xf32>,
        tpu.vector_store %arg16[%parallel_loop3A_179, %parallel_loop3A_180], %parallel_loop3A_178 {strides = array<i32>} : memref<128x64xf32, #tpu.memory_space<vmem>>, vector<16xf32>,
        %parallel_loop3A_182 = vector.shape_cast %add3A_46 : vector<16xi32> to vector<16x1xi32>
        %parallel_loop3A_183 = vector.shape_cast %parallel_loop3A_182 : vector<16x1xi32> to vector<16xi32>
        %parallel_loop3A_184 = tpu.dynamic_gather %parallel_loop3A_148[%parallel_loop3A_183] in [0] : vector<16xf32>, vector<16xi32> -> vector<16xf32>
        %parallel_loop3A_185 = arith.index_cast %parallel_loop3A_133 : i32 to index
        %parallel_loop3A_186 = arith.constant 48 : index
        %parallel_loop3A_187 = tpu.vector_load %arg16[%parallel_loop3A_185, %parallel_loop3A_186] {strides = array<i32>} : memref<128x64xf32, #tpu.memory_space<vmem>>, vector<16xf32>,
        %parallel_loop3A_188 = arith.mulf %parallel_loop3A_187, %parallel_loop3A_184 : vector<16xf32>
        %parallel_loop3A_189 = arith.index_cast %parallel_loop3A_133 : i32 to index
        %parallel_loop3A_190 = arith.constant 48 : index
        %parallel_loop3A_191 = tpu.vector_load %arg16[%parallel_loop3A_189, %parallel_loop3A_190] {strides = array<i32>} : memref<128x64xf32, #tpu.memory_space<vmem>>, vector<16xf32>,
        tpu.vector_store %arg16[%parallel_loop3A_189, %parallel_loop3A_190], %parallel_loop3A_188 {strides = array<i32>} : memref<128x64xf32, #tpu.memory_space<vmem>>, vector<16xf32>,
      } {sc.loop_unroll_factor = 4 : i64, sc.parallel_access}
      "tpu.region"() ({
        %run_scoped3A_133 = tpu.sem_alloc : memref<!tpu.dma_semaphore, #tpu.memory_space<semaphore_mem>>
        %dma_start3A_134 = arith.constant 0 : i32
        %dma_start3A_135 = tpu.memref_slice %arg9[%add3A_103, %dma_start3A_134] : memref<80x128xi32, #tpu.memory_space<vmem>> -> memref<1x128xi32, #tpu.memory_space<vmem>>
        %dma_start3A_136 = tpu.memref_squeeze %dma_start3A_135 : memref<1x128xi32, #tpu.memory_space<vmem>> -> memref<128xi32, #tpu.memory_space<vmem>>
        %dma_start3A_137 = arith.constant 0 : i32
        %dma_start3A_138 = arith.constant 0 : i32
        %dma_start3A_139 = tpu.memref_slice %arg20[%dma_start3A_137, %dma_start3A_138] : memref<10112x16xf32, #tpu.memory_space<vmem_shared>> -> memref<10112x16xf32, #tpu.memory_space<vmem_shared>>
        tpu.enqueue_indirect_dma source(%arg17 : memref<128x16xf32, #tpu.memory_space<vmem>>) target(%dma_start3A_139 : memref<10112x16xf32, #tpu.memory_space<vmem_shared>>) offsets(%dma_start3A_136 : memref<128xi32, #tpu.memory_space<vmem>>) semaphore(%run_scoped3A_133 : memref<!tpu.dma_semaphore, #tpu.memory_space<semaphore_mem>>) {add = true}
        %dma_wait3A_140 = arith.constant 0 : i32
        %dma_wait3A_141 = tpu.memref_slice %arg9[%add3A_103, %dma_wait3A_140] : memref<80x128xi32, #tpu.memory_space<vmem>> -> memref<1x128xi32, #tpu.memory_space<vmem>>
        %dma_wait3A_142 = tpu.memref_squeeze %dma_wait3A_141 : memref<1x128xi32, #tpu.memory_space<vmem>> -> memref<128xi32, #tpu.memory_space<vmem>>
        %dma_wait3A_143 = arith.constant 0 : i32
        %dma_wait3A_144 = arith.constant 0 : i32
        %dma_wait3A_145 = tpu.memref_slice %arg20[%dma_wait3A_143, %dma_wait3A_144] : memref<10112x16xf32, #tpu.memory_space<vmem_shared>> -> memref<10112x16xf32, #tpu.memory_space<vmem_shared>>
        tpu.wait_indirect_dma semaphore(%run_scoped3A_133 : memref<!tpu.dma_semaphore, #tpu.memory_space<semaphore_mem>>) src(%arg17 : memref<128x16xf32, #tpu.memory_space<vmem>>) dst(%dma_wait3A_145 : memref<10112x16xf32, #tpu.memory_space<vmem_shared>>)
        tpu.yield
      }) : () -> ()
      "tpu.region"() ({
        %run_scoped3A_133 = tpu.sem_alloc : memref<!tpu.dma_semaphore, #tpu.memory_space<semaphore_mem>>
        %dma_start3A_134 = arith.constant 0 : i32
        %dma_start3A_135 = tpu.memref_slice %arg9[%add3A_103, %dma_start3A_134] : memref<80x128xi32, #tpu.memory_space<vmem>> -> memref<1x128xi32, #tpu.memory_space<vmem>>
        %dma_start3A_136 = tpu.memref_squeeze %dma_start3A_135 : memref<1x128xi32, #tpu.memory_space<vmem>> -> memref<128xi32, #tpu.memory_space<vmem>>
        %dma_start3A_137 = arith.constant 0 : i32
        %dma_start3A_138 = arith.constant 0 : i32
        %dma_start3A_139 = tpu.memref_slice %arg19[%dma_start3A_137, %dma_start3A_138] : memref<10112x64xf32, #tpu.memory_space<vmem_shared>> -> memref<10112x64xf32, #tpu.memory_space<vmem_shared>>
        tpu.enqueue_indirect_dma source(%arg16 : memref<128x64xf32, #tpu.memory_space<vmem>>) target(%dma_start3A_139 : memref<10112x64xf32, #tpu.memory_space<vmem_shared>>) offsets(%dma_start3A_136 : memref<128xi32, #tpu.memory_space<vmem>>) semaphore(%run_scoped3A_133 : memref<!tpu.dma_semaphore, #tpu.memory_space<semaphore_mem>>) {add = true}
        %dma_wait3A_140 = arith.constant 0 : i32
        %dma_wait3A_141 = tpu.memref_slice %arg9[%add3A_103, %dma_wait3A_140] : memref<80x128xi32, #tpu.memory_space<vmem>> -> memref<1x128xi32, #tpu.memory_space<vmem>>
        %dma_wait3A_142 = tpu.memref_squeeze %dma_wait3A_141 : memref<1x128xi32, #tpu.memory_space<vmem>> -> memref<128xi32, #tpu.memory_space<vmem>>
        %dma_wait3A_143 = arith.constant 0 : i32
        %dma_wait3A_144 = arith.constant 0 : i32
        %dma_wait3A_145 = tpu.memref_slice %arg19[%dma_wait3A_143, %dma_wait3A_144] : memref<10112x64xf32, #tpu.memory_space<vmem_shared>> -> memref<10112x64xf32, #tpu.memory_space<vmem_shared>>
        tpu.wait_indirect_dma semaphore(%run_scoped3A_133 : memref<!tpu.dma_semaphore, #tpu.memory_space<semaphore_mem>>) src(%arg16 : memref<128x64xf32, #tpu.memory_space<vmem>>) dst(%dma_wait3A_145 : memref<10112x64xf32, #tpu.memory_space<vmem_shared>>)
        tpu.yield
      }) : () -> ()
      %scan3A_132 = arith.constant 0 : i32
      scf.yield %scan3A_132 : i32
    }
    %scan3A_73 = arith.constant 40 : i32
    %barrier3A_74 = arith.constant 0 : index
    tpu.barrier barrier_id(%barrier3A_74)
    "tpu.region"() ({
      %run_scoped3A_75 = tpu.sem_alloc : memref<!tpu.dma_semaphore, #tpu.memory_space<semaphore_mem>>
      %dma_start3A_76 = arith.constant 0 : i32
      %dma_start3A_77 = tpu.memref_slice %arg6[%arg0, %mul3A_3, %dma_start3A_76] : memref<2x10112x64xf32, #tpu.memory_space<hbm>> -> memref<1x632x64xf32, #tpu.memory_space<hbm>>
      %dma_start3A_78 = tpu.memref_squeeze %dma_start3A_77 : memref<1x632x64xf32, #tpu.memory_space<hbm>> -> memref<632x64xf32, #tpu.memory_space<hbm>>
      %dma_start3A_79 = arith.constant 0 : i32
      %dma_start3A_80 = tpu.memref_slice %arg19[%mul3A_3, %dma_start3A_79] : memref<10112x64xf32, #tpu.memory_space<vmem_shared>> -> memref<632x64xf32, #tpu.memory_space<vmem_shared>>
      tpu.enqueue_dma source(%dma_start3A_80 : memref<632x64xf32, #tpu.memory_space<vmem_shared>>) target(%dma_start3A_78 : memref<632x64xf32, #tpu.memory_space<hbm>>) target_semaphore(%run_scoped3A_75 : memref<!tpu.dma_semaphore, #tpu.memory_space<semaphore_mem>>)
      %dma_wait3A = arith.constant 0 : i32
      %dma_wait3A_81 = tpu.memref_slice %arg6[%arg0, %mul3A_3, %dma_wait3A] : memref<2x10112x64xf32, #tpu.memory_space<hbm>> -> memref<1x632x64xf32, #tpu.memory_space<hbm>>
      %dma_wait3A_82 = tpu.memref_squeeze %dma_wait3A_81 : memref<1x632x64xf32, #tpu.memory_space<hbm>> -> memref<632x64xf32, #tpu.memory_space<hbm>>
      %dma_wait3A_83 = arith.constant 0 : i32
      %dma_wait3A_84 = tpu.memref_slice %arg19[%mul3A_3, %dma_wait3A_83] : memref<10112x64xf32, #tpu.memory_space<vmem_shared>> -> memref<632x64xf32, #tpu.memory_space<vmem_shared>>
      tpu.wait_dma2 semaphore(%run_scoped3A_75 : memref<!tpu.dma_semaphore, #tpu.memory_space<semaphore_mem>>) src(%dma_wait3A_84 : memref<632x64xf32, #tpu.memory_space<vmem_shared>>) dst(%dma_wait3A_82 : memref<632x64xf32, #tpu.memory_space<hbm>>)
      tpu.yield
    }) : () -> ()
    "tpu.region"() ({
      %run_scoped3A_75 = tpu.sem_alloc : memref<!tpu.dma_semaphore, #tpu.memory_space<semaphore_mem>>
      %dma_start3A_76 = arith.constant 0 : i32
      %dma_start3A_77 = tpu.memref_slice %arg7[%arg0, %mul3A_3, %dma_start3A_76] : memref<2x10112x16xf32, #tpu.memory_space<hbm>> -> memref<1x632x16xf32, #tpu.memory_space<hbm>>
      %dma_start3A_78 = tpu.memref_squeeze %dma_start3A_77 : memref<1x632x16xf32, #tpu.memory_space<hbm>> -> memref<632x16xf32, #tpu.memory_space<hbm>>
      %dma_start3A_79 = arith.constant 0 : i32
      %dma_start3A_80 = tpu.memref_slice %arg20[%mul3A_3, %dma_start3A_79] : memref<10112x16xf32, #tpu.memory_space<vmem_shared>> -> memref<632x16xf32, #tpu.memory_space<vmem_shared>>
      tpu.enqueue_dma source(%dma_start3A_80 : memref<632x16xf32, #tpu.memory_space<vmem_shared>>) target(%dma_start3A_78 : memref<632x16xf32, #tpu.memory_space<hbm>>) target_semaphore(%run_scoped3A_75 : memref<!tpu.dma_semaphore, #tpu.memory_space<semaphore_mem>>)
      %dma_wait3A = arith.constant 0 : i32
      %dma_wait3A_81 = tpu.memref_slice %arg7[%arg0, %mul3A_3, %dma_wait3A] : memref<2x10112x16xf32, #tpu.memory_space<hbm>> -> memref<1x632x16xf32, #tpu.memory_space<hbm>>
      %dma_wait3A_82 = tpu.memref_squeeze %dma_wait3A_81 : memref<1x632x16xf32, #tpu.memory_space<hbm>> -> memref<632x16xf32, #tpu.memory_space<hbm>>
      %dma_wait3A_83 = arith.constant 0 : i32
      %dma_wait3A_84 = tpu.memref_slice %arg20[%mul3A_3, %dma_wait3A_83] : memref<10112x16xf32, #tpu.memory_space<vmem_shared>> -> memref<632x16xf32, #tpu.memory_space<vmem_shared>>
      tpu.wait_dma2 semaphore(%run_scoped3A_75 : memref<!tpu.dma_semaphore, #tpu.memory_space<semaphore_mem>>) src(%dma_wait3A_84 : memref<632x16xf32, #tpu.memory_space<vmem_shared>>) dst(%dma_wait3A_82 : memref<632x16xf32, #tpu.memory_space<hbm>>)
      tpu.yield
    }) : () -> ()
    return
  }
}

module attributes {stable_mosaic.version = 14 : i64} {
  func.func @_tc1_body(%arg0: memref<10000x128xf32, #tpu.memory_space<vmem>>, %arg1: memref<128x64xf32, #tpu.memory_space<vmem>>, %arg2: memref<1x64xf32, #tpu.memory_space<vmem>>, %arg3: memref<1x64xf32, #tpu.memory_space<vmem>>, %arg4: memref<64x16xf32, #tpu.memory_space<vmem>>, %arg5: memref<64x16xf32, #tpu.memory_space<vmem>>, %arg6: memref<10112x64xf32, #tpu.memory_space<vmem>>, %arg7: memref<10112x16xf32, #tpu.memory_space<vmem>>) attributes {dimension_semantics = [], scalar_prefetch = 0 : i64, scratch_operands = 0 : i64, tpu.core_type = #tpu.core_type<tc>} {
    %get3A = arith.constant 0 : index
    %get3A_0 = arith.constant 0 : index
    %get3A_1 = vector.load %arg0[%get3A, %get3A_0] : memref<10000x128xf32, #tpu.memory_space<vmem>>, vector<10000x128xf32>
    %get3A_2 = arith.constant 0 : index
    %get3A_3 = arith.constant 0 : index
    %get3A_4 = vector.load %arg1[%get3A_2, %get3A_3] : memref<128x64xf32, #tpu.memory_space<vmem>>, vector<128x64xf32>
    %dot_general3A = arith.constant dense<0.000000e+00> : vector<10000x64xf32>
    %dot_general3A_5 = tpu.matmul %get3A_1, %get3A_4, %dot_general3A {dimension_numbers = #tpu.dot_dimension_numbers<[1], [0], [0], [1], [0, 0, 1, 1], [], []>, transpose_lhs_hint = false} : vector<10000x128xf32>, vector<128x64xf32>, vector<10000x64xf32> -> vector<10000x64xf32>
    %swap3A = arith.constant 0 : index
    %swap3A_6 = arith.constant 0 : index
    %swap3A_7 = vector.load %arg6[%swap3A, %swap3A_6] : memref<10112x64xf32, #tpu.memory_space<vmem>>, vector<10000x64xf32>
    tpu.vector_store %arg6[%swap3A, %swap3A_6], %dot_general3A_5 {strides = array<i32>} : memref<10112x64xf32, #tpu.memory_space<vmem>>, vector<10000x64xf32>,
    %broadcast_in_dim3A = arith.constant 0.000000e+00 : f32
    %broadcast_in_dim3A_8 = vector.broadcast %broadcast_in_dim3A : f32 to vector<112x64xf32>
    %swap3A_9 = arith.constant 10000 : index
    %swap3A_10 = arith.constant 0 : index
    %swap3A_11 = vector.load %arg6[%swap3A_9, %swap3A_10] : memref<10112x64xf32, #tpu.memory_space<vmem>>, vector<112x64xf32>
    tpu.vector_store %arg6[%swap3A_9, %swap3A_10], %broadcast_in_dim3A_8 {strides = array<i32>} : memref<10112x64xf32, #tpu.memory_space<vmem>>, vector<112x64xf32>,
    %get3A_12 = arith.constant 0 : index
    %get3A_13 = arith.constant 0 : index
    %get3A_14 = vector.load %arg2[%get3A_12, %get3A_13] : memref<1x64xf32, #tpu.memory_space<vmem>>, vector<1x64xf32>
    %mul3A = vector.broadcast %get3A_14 : vector<1x64xf32> to vector<10000x64xf32>
    %mul3A_15 = arith.mulf %dot_general3A_5, %mul3A : vector<10000x64xf32>
    %get3A_16 = arith.constant 0 : index
    %get3A_17 = arith.constant 0 : index
    %get3A_18 = vector.load %arg3[%get3A_16, %get3A_17] : memref<1x64xf32, #tpu.memory_space<vmem>>, vector<1x64xf32>
    %mul3A_19 = vector.broadcast %get3A_18 : vector<1x64xf32> to vector<10000x64xf32>
    %mul3A_20 = arith.mulf %dot_general3A_5, %mul3A_19 : vector<10000x64xf32>
    %get3A_21 = arith.constant 0 : index
    %get3A_22 = arith.constant 0 : index
    %get3A_23 = vector.load %arg4[%get3A_21, %get3A_22] : memref<64x16xf32, #tpu.memory_space<vmem>>, vector<64x16xf32>
    %dot_general3A_24 = arith.constant dense<0.000000e+00> : vector<10000x16xf32>
    %dot_general3A_25 = tpu.matmul %mul3A_15, %get3A_23, %dot_general3A_24 {dimension_numbers = #tpu.dot_dimension_numbers<[1], [0], [0], [1], [0, 0, 1, 1], [], []>, transpose_lhs_hint = false} : vector<10000x64xf32>, vector<64x16xf32>, vector<10000x16xf32> -> vector<10000x16xf32>
    %get3A_26 = arith.constant 0 : index
    %get3A_27 = arith.constant 0 : index
    %get3A_28 = vector.load %arg5[%get3A_26, %get3A_27] : memref<64x16xf32, #tpu.memory_space<vmem>>, vector<64x16xf32>
    %dot_general3A_29 = arith.constant dense<0.000000e+00> : vector<10000x16xf32>
    %dot_general3A_30 = tpu.matmul %mul3A_20, %get3A_28, %dot_general3A_29 {dimension_numbers = #tpu.dot_dimension_numbers<[1], [0], [0], [1], [0, 0, 1, 1], [], []>, transpose_lhs_hint = false} : vector<10000x64xf32>, vector<64x16xf32>, vector<10000x16xf32> -> vector<10000x16xf32>
    %add3A = arith.addf %dot_general3A_25, %dot_general3A_30 : vector<10000x16xf32>
    %swap3A_31 = arith.constant 0 : index
    %swap3A_32 = arith.constant 0 : index
    %swap3A_33 = vector.load %arg7[%swap3A_31, %swap3A_32] : memref<10112x16xf32, #tpu.memory_space<vmem>>, vector<10000x16xf32>
    tpu.vector_store %arg7[%swap3A_31, %swap3A_32], %add3A {strides = array<i32>} : memref<10112x16xf32, #tpu.memory_space<vmem>>, vector<10000x16xf32>,
    %broadcast_in_dim3A_34 = arith.constant 0.000000e+00 : f32
    %broadcast_in_dim3A_35 = vector.broadcast %broadcast_in_dim3A_34 : f32 to vector<112x16xf32>
    %swap3A_36 = arith.constant 10000 : index
    %swap3A_37 = arith.constant 0 : index
    %swap3A_38 = vector.load %arg7[%swap3A_36, %swap3A_37] : memref<10112x16xf32, #tpu.memory_space<vmem>>, vector<112x16xf32>
    tpu.vector_store %arg7[%swap3A_36, %swap3A_37], %broadcast_in_dim3A_35 {strides = array<i32>} : memref<10112x16xf32, #tpu.memory_space<vmem>>, vector<112x16xf32>,
    return
  }
}

module attributes {stable_mosaic.version = 14 : i64} {
  func.func @_tc2_body(%arg0: memref<2x10112x64xf32, #tpu.memory_space<vmem>>, %arg1: memref<2x10112x16xf32, #tpu.memory_space<vmem>>, %arg2: memref<1x64xf32, #tpu.memory_space<vmem>>, %arg3: memref<64x1xf32, #tpu.memory_space<vmem>>, %arg4: memref<16x64xf32, #tpu.memory_space<vmem>>, %arg5: memref<10112x1xf32, #tpu.memory_space<vmem>>) attributes {dimension_semantics = [], scalar_prefetch = 0 : i64, scratch_operands = 0 : i64, tpu.core_type = #tpu.core_type<tc>} {
    %get3A = arith.constant 0 : index
    %get3A_0 = arith.constant 0 : index
    %get3A_1 = arith.constant 0 : index
    %get3A_2 = vector.load %arg0[%get3A, %get3A_0, %get3A_1] : memref<2x10112x64xf32, #tpu.memory_space<vmem>>, vector<1x10112x64xf32>
    %get3A_3 = vector.shape_cast %get3A_2 : vector<1x10112x64xf32> to vector<10112x64xf32>
    %get3A_4 = arith.constant 1 : index
    %get3A_5 = arith.constant 0 : index
    %get3A_6 = arith.constant 0 : index
    %get3A_7 = vector.load %arg0[%get3A_4, %get3A_5, %get3A_6] : memref<2x10112x64xf32, #tpu.memory_space<vmem>>, vector<1x10112x64xf32>
    %get3A_8 = vector.shape_cast %get3A_7 : vector<1x10112x64xf32> to vector<10112x64xf32>
    %add3A = arith.addf %get3A_3, %get3A_8 : vector<10112x64xf32>
    %get3A_9 = arith.constant 0 : index
    %get3A_10 = arith.constant 0 : index
    %get3A_11 = arith.constant 0 : index
    %get3A_12 = vector.load %arg1[%get3A_9, %get3A_10, %get3A_11] : memref<2x10112x16xf32, #tpu.memory_space<vmem>>, vector<1x10112x16xf32>
    %get3A_13 = vector.shape_cast %get3A_12 : vector<1x10112x16xf32> to vector<10112x16xf32>
    %get3A_14 = arith.constant 1 : index
    %get3A_15 = arith.constant 0 : index
    %get3A_16 = arith.constant 0 : index
    %get3A_17 = vector.load %arg1[%get3A_14, %get3A_15, %get3A_16] : memref<2x10112x16xf32, #tpu.memory_space<vmem>>, vector<1x10112x16xf32>
    %get3A_18 = vector.shape_cast %get3A_17 : vector<1x10112x16xf32> to vector<10112x16xf32>
    %add3A_19 = arith.addf %get3A_13, %get3A_18 : vector<10112x16xf32>
    %get3A_20 = arith.constant 0 : index
    %get3A_21 = arith.constant 0 : index
    %get3A_22 = vector.load %arg4[%get3A_20, %get3A_21] : memref<16x64xf32, #tpu.memory_space<vmem>>, vector<16x64xf32>
    %dot_general3A = arith.constant dense<0.000000e+00> : vector<10112x64xf32>
    %dot_general3A_23 = tpu.matmul %add3A_19, %get3A_22, %dot_general3A {dimension_numbers = #tpu.dot_dimension_numbers<[1], [0], [0], [1], [0, 0, 1, 1], [], []>, transpose_lhs_hint = false} : vector<10112x16xf32>, vector<16x64xf32>, vector<10112x64xf32> -> vector<10112x64xf32>
    %add3A_24 = arith.constant 1.000000e-16 : f32
    %add3A_25 = vector.broadcast %add3A_24 : f32 to vector<10112x64xf32>
    %add3A_26 = arith.addf %dot_general3A_23, %add3A_25 : vector<10112x64xf32>
    %div3A = arith.divf %add3A, %add3A_26 : vector<10112x64xf32>
    %get3A_27 = arith.constant 0 : index
    %get3A_28 = arith.constant 0 : index
    %get3A_29 = vector.load %arg2[%get3A_27, %get3A_28] : memref<1x64xf32, #tpu.memory_space<vmem>>, vector<1x64xf32>
    %add3A_30 = vector.broadcast %get3A_29 : vector<1x64xf32> to vector<10112x64xf32>
    %add3A_31 = arith.addf %div3A, %add3A_30 : vector<10112x64xf32>
    %gt3A = arith.constant 0.000000e+00 : f32
    %gt3A_32 = vector.broadcast %gt3A : f32 to vector<10112x64xf32>
    %gt3A_33 = arith.cmpf ogt, %add3A_31, %gt3A_32 : vector<10112x64xf32>
    %exp3A = math.exp %add3A_31 : vector<10112x64xf32>
    %sub3A = arith.constant 1.000000e+00 : f32
    %sub3A_34 = vector.broadcast %sub3A : f32 to vector<10112x64xf32>
    %sub3A_35 = arith.subf %exp3A, %sub3A_34 : vector<10112x64xf32>
    %select_n3A = arith.select %gt3A_33, %add3A_31, %sub3A_35 : vector<10112x64xi1>, vector<10112x64xf32>
    %get3A_36 = arith.constant 0 : index
    %get3A_37 = arith.constant 0 : index
    %get3A_38 = vector.load %arg3[%get3A_36, %get3A_37] : memref<64x1xf32, #tpu.memory_space<vmem>>, vector<64x1xf32>
    %dot_general3A_39 = arith.constant dense<0.000000e+00> : vector<10112x1xf32>
    %dot_general3A_40 = tpu.matmul %select_n3A, %get3A_38, %dot_general3A_39 {dimension_numbers = #tpu.dot_dimension_numbers<[1], [0], [0], [1], [0, 0, 1, 1], [], []>, transpose_lhs_hint = false} : vector<10112x64xf32>, vector<64x1xf32>, vector<10112x1xf32> -> vector<10112x1xf32>
    %swap3A = arith.constant 0 : index
    %swap3A_41 = arith.constant 0 : index
    %swap3A_42 = vector.load %arg5[%swap3A, %swap3A_41] : memref<10112x1xf32, #tpu.memory_space<vmem>>, vector<10112x1xf32>
    tpu.vector_store %arg5[%swap3A, %swap3A_41], %dot_general3A_40 {strides = array<i32>} : memref<10112x1xf32, #tpu.memory_space<vmem>>, vector<10112x1xf32>,
    return
  }
}

module attributes {stable_mosaic.version = 14 : i64} {
  func.func @_tc3_body(%arg0: memref<2x10112x16xf32, #tpu.memory_space<vmem>>, %arg1: memref<1x1xf32, #tpu.memory_space<vmem>>, %arg2: memref<10112x1xf32, #tpu.memory_space<vmem>>) attributes {dimension_semantics = [], scalar_prefetch = 0 : i64, scratch_operands = 0 : i64, tpu.core_type = #tpu.core_type<tc>} {
    %get3A = arith.constant 0 : index
    %get3A_0 = arith.constant 0 : index
    %get3A_1 = arith.constant 0 : index
    %get3A_2 = vector.load %arg0[%get3A, %get3A_0, %get3A_1] : memref<2x10112x16xf32, #tpu.memory_space<vmem>>, vector<1x10112x16xf32>
    %get3A_3 = vector.shape_cast %get3A_2 : vector<1x10112x16xf32> to vector<10112x16xf32>
    %get3A_4 = arith.constant 1 : index
    %get3A_5 = arith.constant 0 : index
    %get3A_6 = arith.constant 0 : index
    %get3A_7 = vector.load %arg0[%get3A_4, %get3A_5, %get3A_6] : memref<2x10112x16xf32, #tpu.memory_space<vmem>>, vector<1x10112x16xf32>
    %get3A_8 = vector.shape_cast %get3A_7 : vector<1x10112x16xf32> to vector<10112x16xf32>
    %add3A = arith.addf %get3A_3, %get3A_8 : vector<10112x16xf32>
    %slice3A = vector.extract_strided_slice %add3A {offsets = [0, 0], sizes = [10112, 1], strides = [1, 1]} : vector<10112x16xf32> to vector<10112x1xf32>
    %slice3A_9 = vector.extract_strided_slice %add3A {offsets = [0, 1], sizes = [10112, 1], strides = [1, 1]} : vector<10112x16xf32> to vector<10112x1xf32>
    %add3A_10 = arith.constant 1.000000e-16 : f32
    %add3A_11 = vector.broadcast %add3A_10 : f32 to vector<10112x1xf32>
    %add3A_12 = arith.addf %slice3A_9, %add3A_11 : vector<10112x1xf32>
    %div3A = arith.divf %slice3A, %add3A_12 : vector<10112x1xf32>
    %get3A_13 = arith.constant 0 : index
    %get3A_14 = arith.constant 0 : index
    %get3A_15 = vector.load %arg1[%get3A_13, %get3A_14] : memref<1x1xf32, #tpu.memory_space<vmem>>, vector<1x1xf32>
    %add3A_16 = vector.broadcast %get3A_15 : vector<1x1xf32> to vector<10112x1xf32>
    %add3A_17 = arith.addf %div3A, %add3A_16 : vector<10112x1xf32>
    %logistic3A = arith.negf %add3A_17 : vector<10112x1xf32>
    %logistic3A_18 = math.exp %logistic3A : vector<10112x1xf32>
    %logistic3A_19 = arith.constant 1.000000e+00 : f32
    %logistic3A_20 = vector.broadcast %logistic3A_19 : f32 to vector<10112x1xf32>
    %logistic3A_21 = arith.addf %logistic3A_20, %logistic3A_18 : vector<10112x1xf32>
    %logistic3A_22 = arith.divf %logistic3A_20, %logistic3A_21 : vector<10112x1xf32>
    %swap3A = arith.constant 0 : index
    %swap3A_23 = arith.constant 0 : index
    %swap3A_24 = vector.load %arg2[%swap3A, %swap3A_23] : memref<10112x1xf32, #tpu.memory_space<vmem>>, vector<10112x1xf32>
    tpu.vector_store %arg2[%swap3A, %swap3A_23], %logistic3A_22 {strides = array<i32>} : memref<10112x1xf32, #tpu.memory_space<vmem>>, vector<10112x1xf32>,
    return
  }
}

</mosaic_0001>

<sc_bundles>
// kernel: kernel.10.cloned.1.call-start
scs
__scs_entry_jumppad:
0x0: {  	(pc) =	sbr.rel $0x88, $3  }
0x1: {  	(tag) =	ssettag $0x0;
	lr =	simm.s32 $0x1  }
0x2: {  	[smem:$0x3F97] =	sst lr;
	_ =	strace $0xD0000000  }
0x3: {  	_ = 	snop  }
0x4: {  	_ = 	snop  }
0x5: {  	_ = 	snop  }
0x6: {  	_ = 	snop  }
0x7: {  	_ = 	snop  }
__scs_overlays_trampoline_lowered:
0x8: {  	[smem:$0x3FA6] =	sst s0  }
0x9: {  	[smem:$0x3FA7] =	sst s1  }
0xa: {  	[smem:$0x3FA8] =	sst s2  }
0xb: {  	[smem:$0x3FA9] =	sst s3  }
0xc: {  	[smem:$0x3FAA] =	sst s4  }
0xd: {  	[smem:$0x3FAB] =	sst s5  }
0xe: {  	[smem:$0x3FAC] =	sst s6  }
0xf: {  	[smem:$0x3FAD] =	sst s7  }
0x10: {  	[smem:$0x3FAE] =	sst s8  }
0x11: {  	[smem:$0x3FAF] =	sst s9;
	s0 =	simm.s32 @!p0 $0x0  }
0x12: {  	s1 =	sld [smem:$0x3F95];
	s0 =	simm.s32 @p0 $0x1  }
0x13: {  	[smem:$0x3FB0] =	sst s0;
	s0 =	simm.s32 @!p1 $0x0  }
0x14: {  	s2 =	sld [smem:$0x3F94];
	s0 =	simm.s32 @p1 $0x1  }
0x15: {  	[smem:$0x3FB1] =	sst s0;
	s0 =	simm.s32 @!p2 $0x0  }
0x16: {  	s3 =	sld [smem:$0x3FDB];
	s0 =	simm.s32 @p2 $0x1  }
0x17: {  	s4 =	simm.s32 $0x1BF5;
	[smem:$0x3FB3] =	sst s0  }
0x18: {  	s0 =	sld [smem:$0x3F96];
	_ =	swait.ge [sflag:s4], $0x0  }
0x19: {  	s7 =	sld [smem:$0x3F97]  }
0x1a: {  	s8 =	sadd.s32 $0xFFFFE003, lr  }
0x1b: {  	s9 =	sadd.s32 $0xFFFFFEF7, lr;
	s5 =	simm.s32 $0xFFFFFFFF;
	p2 =	slt.u32 s8, $0xFFFFF086  }
0x1c: {  	p1 =	slt.u32 s9, $0xF7A;
	s5 =	simm.s32 @!p2 $0x0  }
0x1d: {  	s5 =	simm.s32 @p1 $0x1;
	p0 =	seq.s32 s7, s2  }
0x1e: {  	s7 =	smul.u32 @!p0 $0xF7A, s2;
	p2 =	seq.s32 @!p0 s5, $0x0  }
0x1f: {  	s9 =	smul.u32 $0xF7A, s1;
	s8 =	simm.s32 @!p0 $0x1BF5;
	p2 =	por !p2, p0  }
0x20: {  	[sflag:s8] =	ssyncset.s32 @!p0 $0xFFFFF086;
	s6 =	sadd.s32 @!p0 s3, s7;
	s7 =	simm.s32 @!p0 $0x108  }
0x21: {  	s3 =	sadd.s32 s3, s9;
	s6 =	sadd.s32 @!p0 $0x88, s6;
	s7 =	simm.s32 @p2 $0x1082  }
0x22: {  	[simem:s7], [sflag:s8] =	dma.local @!p0 [hbm:s6], $0xF7A  }
0x23: {  	s9 =	sor.u32 $0xD0000000, s2;
	s6 =	simm.s32 $0x108;
	_ =	swait.ge @!p0 [sflag:s8], $0x0  }
0x24: {  	s3 =	sadd.s32 $0x88, s3;
	s6 =	simm.s32 @!p1 $0x1082;
	[sflag:s4] =	ssyncset.s32 $0xFFFFF086  }
0x25: {  	[simem:s6], [sflag:s4] =	dma.local [hbm:s3], $0xF7A  }
0x26: {  	[smem:$0x3F97] =	sst s1;
	(tag) =	ssettag s2;
	_ =	strace s9  }
0x27: {  	s1 =	sld [smem:$0x3FA7]  }
0x28: {  	s2 =	sld [smem:$0x3FA8]  }
0x29: {  	s4 =	sld [smem:$0x3FAA]  }
0x2a: {  	p0 =	seq.s32 s5, $0x0;
	s5 =	sld [smem:$0x3FAB]  }
0x2b: {  	s6 =	sld [smem:$0x3FAC]  }
0x2c: {  	s7 =	sld [smem:$0x3FAD]  }
0x2d: {  	s3 =	simm.s32 $0x108;
	s8 =	sld [smem:$0x3FAE]  }
0x2e: {  	s3 =	simm.s32 @!p0 $0x1082;
	s9 =	sld [smem:$0x3FAF]  }
0x2f: {  	lr =	sadd.s32 s0, s3;
	s0 =	sld [smem:$0x3FA6]  }
0x30: {  	s3 =	sld [smem:$0x3FA9]  }
0x31: {  	[smem:$0x3FB2] =	sst s10  }
0x32: {  	s10 =	sld [smem:$0x3FB0];
	_ =	sdelay $0x3  }
0x33: {  	p0 =	seq.s32 s10, $0x1;
	s10 =	sld [smem:$0x3FB2];
	_ =	sdelay $0x3  }
0x34: {  	[smem:$0x3FB2] =	sst s10  }
0x35: {  	s10 =	sld [smem:$0x3FB1];
	_ =	sdelay $0x3  }
0x36: {  	p1 =	seq.s32 s10, $0x1;
	s10 =	sld [smem:$0x3FB2];
	_ =	sdelay $0x3  }
0x37: {  	[smem:$0x3FB2] =	sst s10  }
0x38: {  	s10 =	sld [smem:$0x3FB3]  }
0x39: {  	_ = 	snop;
	(pc) =	sbr.ind lr, $3  }
0x3a: {  	_ = 	snop  }
0x3b: {  	_ = 	snop  }
0x3c: {  	p2 =	seq.s32 s10, $0x1;
	s10 =	sld [smem:$0x3FB2]  }
0x3d: {  	_ =	shalt  }
0x3e: {  	_ =	shalt  }
0x3f: {  	_ =	shalt  }
0x40: {  	_ =	shalt  }
0x41: {  	_ =	shalt  }
0x42: {  	_ =	shalt  }
0x43: {  	_ =	shalt  }
0x44: {  	_ =	shalt  }
0x45: {  	_ =	shalt  }
0x46: {  	_ =	shalt  }
0x47: {  	_ =	shalt  }
0x48: {  	_ =	shalt  }
0x49: {  	_ =	shalt  }
0x4a: {  	_ =	shalt  }
0x4b: {  	_ =	shalt  }
0x4c: {  	_ =	shalt  }
0x4d: {  	_ =	shalt  }
0x4e: {  	_ =	shalt  }
0x4f: {  	_ =	shalt  }
0x50: {  	_ =	shalt  }
0x51: {  	_ =	shalt  }
0x52: {  	_ =	shalt  }
0x53: {  	_ =	shalt  }
0x54: {  	_ =	shalt  }
0x55: {  	_ =	shalt  }
0x56: {  	_ =	shalt  }
0x57: {  	_ =	shalt  }
0x58: {  	_ =	shalt  }
0x59: {  	_ =	shalt  }
0x5a: {  	_ =	shalt  }
0x5b: {  	_ =	shalt  }
0x5c: {  	_ =	shalt  }
0x5d: {  	_ =	shalt  }
0x5e: {  	_ =	shalt  }
0x5f: {  	_ =	shalt  }
0x60: {  	_ =	shalt  }
0x61: {  	_ =	shalt  }
0x62: {  	_ =	shalt  }
0x63: {  	_ =	shalt  }
0x64: {  	_ =	shalt  }
0x65: {  	_ =	shalt  }
0x66: {  	_ =	shalt  }
0x67: {  	_ =	shalt  }
0x68: {  	_ =	shalt  }
0x69: {  	_ =	shalt  }
0x6a: {  	_ =	shalt  }
0x6b: {  	_ =	shalt  }
0x6c: {  	_ =	shalt  }
0x6d: {  	_ =	shalt  }
0x6e: {  	_ =	shalt  }
0x6f: {  	_ =	shalt  }
0x70: {  	_ =	shalt  }
0x71: {  	_ =	shalt  }
0x72: {  	_ =	shalt  }
0x73: {  	_ =	shalt  }
0x74: {  	_ =	shalt  }
0x75: {  	_ =	shalt  }
0x76: {  	_ =	shalt  }
0x77: {  	_ =	shalt  }
0x78: {  	_ =	shalt  }
0x79: {  	_ =	shalt  }
0x7a: {  	_ =	shalt  }
0x7b: {  	_ =	shalt  }
0x7c: {  	_ =	shalt  }
0x7d: {  	_ =	shalt  }
0x7e: {  	_ =	shalt  }
0x7f: {  	_ =	shalt  }
0x80: {  	_ =	shalt  }
0x81: {  	_ =	shalt  }
0x82: {  	_ =	shalt  }
0x83: {  	_ =	shalt  }
0x84: {  	_ =	shalt  }
0x85: {  	_ =	shalt  }
0x86: {  	_ =	shalt  }
0x87: {  	_ =	shalt  }
.Lfunc_end0:
.L_simem_size_0:
called_computation.1_lowered:
.L_overlay_start_0:
0x88: {  	s2 =	sld [smem:$0x3FD9]  }
0x89: {  	s3 =	sld [smem:$0x3FFE];
	_ =	sdelay $0x1  }
0x8a: {  	s1 =	srdreg.scid  }
0x8b: {  	s0 =	sand.u32 $0x1, s1  }
0x8c: {  	s16 =	sshll.u32 s0, $0xA;
	s2 =	sadd.s32 s3, s2  }
0x8d: {  	s2 =	sadd.s32 s2, s16  }
0x8e: {  	[smem:$0x3FBE] =	sst s2  }
0x8f: {  	_ = 	snop  }
0x90: {  	(tm) =	ssettm $0x1  }
0x91: {  	s17 =	sld [smem:$0x3FFB];
	_ =	sdelay $0x3  }
0x92: {  	_ =	strace s17  }
0x93: {  	s2 =	sld [smem:$0x3FFC];
	_ =	sdelay $0x3  }
0x94: {  	_ =	strace s2  }
0x95: {  	s2 =	sld [smem:$0x3FFD];
	_ =	sdelay $0x3  }
0x96: {  	_ =	strace s2  }
0x97: {  	_ =	strace $0x8FFFFFFF  }
0x98: {  	s18 =	sld [smem:$0x3FDB];
	_ =	sdelay $0x1  }
0x99: {  	s19 =	simm.s32 $_scs_section_size  }
0x9a: {  	s4 =	simm.s32 $_size__tile_overlayer_lowered;
	s5 =	simm.s32 $_tile_overlayer_lowered  }
0x9b: {  	s22 =	simm.s32 $0x1BFF;
	s21 =	sshll.u32 s5, $0x1;
	s2 =	sadd.s32 s19, s18  }
0x9c: {  	s6 =	simm.s32 $0x0;
	s20 =	sshll.u32 s4, $0x1;
	s4 =	sadd.s32 s21, s2  }
0x9d: {  	[timem:s6], [sflag:s22] =	dma.local [hbm:s4], s20  }
0x9e: {  	_ =	swait.ge [sflag:s22], s20  }
0x9f: {  	s3 =	ssub.s32 $0x0, s20;
	[sflag:s22] =	ssyncset.done $0x0  }
0xa0: {  	[sflag:s22] =	ssyncadd.s32 s3;
	_ =	sdelay $0x1  }
0xa1: {  	s23 =	simm.s32 $0x1B8B  }
0xa2: {  	_ =	swait.ge [sflag:s23], $0x1  }
0xa3: {  	[sflag:s23] =	ssyncset.done $0x0  }
0xa4: {  	s25 =	simm.s32 $0x1B8E;
	s24 =	sld [smem:$0x3FFE];
	[sflag:s23] =	ssyncadd.s32 $0xFFFFFFFF  }
0xa5: {  	s26 =	simm.s32 $execute0_lowered;
	[smem:$0x3FD2] =	sst s25  }
0xa6: {  	s4 =	sshll.u32 s26, $0x1;
	_ =	strace $0x80000049;
	[dreg:$0x1] =	wrdreg $0xFFFFFFFF  }
0xa7: {  	s28 =	simm.s32 $_size_execute0_lowered;
	s2 =	sadd.s32 s2, s4;
	[dreg:$0x0] =	wrdreg $0x0  }
0xa8: {  	s4 =	sshll.u32 s28, $0x1;
	[dreg:$0x2] =	wrdreg s2  }
0xa9: {  	[dreg:$0x3] =	wrdreg s4  }
0xaa: {  	[dreg:$0x4] =	wrdreg $0xC0  }
0xab: {  	_ =	task [dreg:s6], $0x5FFFF  }
0xac: {  	[dreg:$0x1] =	wrdreg $0xFFFFFFFF  }
0xad: {  	[dreg:$0x0] =	wrdreg $0x60  }
0xae: {  	[dreg:$0x2] =	wrdreg s24  }
0xaf: {  	[dreg:$0x3] =	wrdreg $0x82200  }
0xb0: {  	[dreg:$0x4] =	wrdreg $0x9  }
0xb1: {  	_ =	task.clear_ibuf [dreg:s6], $0x5FFFF;
	_ =	strace $0x90000049  }
0xb2: {  	s29 =	simm.s32 $0x9;
	_ =	strace $0x8000004B  }
0xb3: {  	_ =	swait.ge [sflag:s29], $0x1  }
0xb4: {  	[sflag:s29] =	ssyncadd.s32 $0xFFFFFFFF  }
0xb5: {  	_ =	strace $0x9000004B  }
0xb6: {  	_ =	sfence  }
0xb7: {  	s30 =	sld [smem:$0x0];
	_ =	sdelay $0x2  }
0xb8: {  	s31 =	sshll.u32 s1, $0xD;
	s1 =	sshrl.u32 s1, $0x2  }
0xb9: {  	s3 =	sand.u32 $0x4000, s31;
	s1 =	sadd.s32 s1, s30  }
0xba: {  	s0 =	sor.u32 s3, s0;
	s1 =	sshll.u32 s1, $0x11  }
0xbb: {  	s0 =	sor.u32 s1, s0  }
0xbc: {  	s0 =	sadd.s32 $0x8F2B, s0  }
0xbd: {  	[sflag:s0] =	ssyncadd.remote.s32 $0x1  }
0xbe: {  	_ =	sfence.sel $0xFFFF  }
0xbf: {  	[dreg:$0x0] =	wrdreg $0xFFFFFFFF;
	(pc) =	sbr.abs _section_cstart, $3  }
0xc0: {  	[dreg:$0x1] =	wrdreg $0xFFFFFFFF  }
0xc1: {  	_ =	task.clear_ibuf [dreg:s6], $0x2FFFF;
	_ =	strace $0x9FFFFFFF  }
0xc2: {  	(tm) =	ssettm $0x7FFFFFFF  }
0xc3: {  	_ =	shalt  }
tec
execute0_lowered:
.L_overlay_start_1:
0x0: {  	(tag) =	ssettag $0x1  }
0x1: {  	s8 =	rddreg [dreg:$0x0]  }
0x2: {  	s0 =	srdreg.scid;
	s2 =	rddreg [dreg:$0x1];
	s3 =	simm.s32 $0x0  }
0x3: {  	s14 =	simm.s32 $0x7780;
	s15 =	simm.s32 $0x1;
	s16 =	simm.s32 $0x8020  }
0x4: {  	s17 =	simm.s32 $0x80A0;
	s18 =	simm.s32 $0x8120;
	s19 =	simm.s32 $0x81A0  }
0x5: {  	s20 =	simm.s32 $0x7F80;
	s6 =	sand.u32 $0x1, s0;
	s0 =	stileid.u32  }
0x6: {  	s23 =	simm.s32 $0x0;
	[smem:$0x7FF] =	sst s3;
	s7 =	smul.u32 $0x27800, s6  }
0x7: {  	s4 =	sadd.s32 $0xE00, s8;
	s1 =	sshll.u32 s6, $0x4;
	s11 =	smul.u32 $0x2780, s0  }
0x8: {  	s10 =	ssub.s32 $0x2, s6;
	s6 =	smul.u32 $0x278, s0;
	s1 =	sor.u32 s0, s1  }
0x9: {  	s13 =	sshrl.u32 s10, $0x1;
	s5 =	smul.u32 $0x500, s1;
	s1 =	rddreg [dreg:$0x2]  }
0xa: {  	_ =	strace $0x8000004A;
	s7 =	sadd.s32 s11, s7;
	s13 =	ssub.s32 s10, s13  }
0xb: {  	s21 =	sadd.s32 $0x277, s6;
	s22 =	sadd.s32 s11, s2;
	s12 =	sshrl.u32 s7, $0x3  }
0xc: {  	s7 =	sadd.s32 $0x1400, s8;
	s11 =	smax.u32 s13, $0x1;
	s13 =	simm.s32 $0x7FA0  }
0xd: {  	v1 =	vmov s21;
	s21 =	simm.s32 $0x7F90;
	s22 =	sshrl.u32 s22, $0x3;
	s9 =	sadd.s32 s5, s8  }
0xe: {  	v0 =	vlaneseq.u32;
	s5 =	sadd.s32 $0x1600, s8;
	s12 =	sadd.s32 s12, s8;
	s8 =	sadd.s32 $0x23A00, s9  }
0xf: {  	v2 =	vimm.f32 $0.0e+00;
	v3 =	vmul.u32 $0x10, v0;
	s9 =	sadd.s32 $0x19A00, s9;
	s10 =	sadd.s32 $0x1800, s12;
	s12 =	simm.s32 $0x80  }
.LBB2_1:
0x10: {  	s24 =	sand.u32 $0x780, s3  }
0x11: {  	s26 =	sand.u32 $0x70, s3;
	s25 =	sadd.s32 s6, s24  }
0x12: {  	s25 =	sadd.s32 s26, s25  }
0x13: {  	v4 =	vadd.s32 s25, v0  }
0x14: {  	[tilespmem:s14+$0x0] =	vst v2;
	s31 =	sor.u32 s26, s24;
	v4 =	vmin.u32 v4, v1  }
0x15: {  	s24 =	simm.s32 $0x10;
	s25 =	simm.s32 $0x7780;
	[tilespmem:s31+$0x7FA0] =	vst v4  }
.LBB2_2:
0x16: {  	s26 =	sand.u32 $0x780, s24  }
0x17: {  	p0 =	sne.s32 s24, $0x7F0;
	s28 =	smov.u32 s24;
	s24 =	sadd.s32 $0x10, s24  }
.Ltmp0:
0x18: {  	s29 =	sadd.s32 s6, s26;
	s28 =	sand.u32 $0x70, s28;
	(pc) =	sbr.rel @p0 .LBB2_2-.Ltmp0, $4  }
0x19: {  	s29 =	sadd.s32 s28, s29  }
0x1a: {  	s25 =	sadd.s32 $0x10, s25;
	v4 =	vadd.s32 s29, v0  }
0x1b: {  	s26 =	sor.u32 s28, s26;
	[tilespmem:s25+$0x0] =	vst v2;
	v4 =	vmin.u32 v4, v1  }
0x1c: {  	[tilespmem:s26+$0x7FA0] =	vst v4  }
0x1d: {  	[spmem:s2] =	stream.indirect.scatter [tilespmem:s14], [sflag:$0x1], $0x10, s13, s12, $0xb8;
	[tilespmem:$0xA9A0] =	vst v63  }
0x1e: {  	_ =	swait.ge [sflag:s15], $0x800  }
0x1f: {  	[sflag:s15] =	ssyncset.done $0x0  }
0x20: {  	[sflag:s15] =	ssyncadd.s32 $0xFFFFF800  }
0x21: {  	[spmem:s2] =	stream.indirect.scatter [tilespmem:s14], [sflag:$0x1], $0x10, s16, s12, $0xb8;
	[tilespmem:$0xA9A0] =	vst v63  }
0x22: {  	_ =	swait.ge [sflag:s15], $0x800  }
0x23: {  	[sflag:s15] =	ssyncset.done $0x0  }
0x24: {  	[sflag:s15] =	ssyncadd.s32 $0xFFFFF800  }
0x25: {  	[spmem:s2] =	stream.indirect.scatter [tilespmem:s14], [sflag:$0x1], $0x10, s17, s12, $0xb8;
	[tilespmem:$0xA9A0] =	vst v63  }
0x26: {  	_ =	swait.ge [sflag:s15], $0x800  }
0x27: {  	[sflag:s15] =	ssyncset.done $0x0  }
0x28: {  	[sflag:s15] =	ssyncadd.s32 $0xFFFFF800  }
0x29: {  	[spmem:s2] =	stream.indirect.scatter [tilespmem:s14], [sflag:$0x1], $0x10, s18, s12, $0xb8;
	[tilespmem:$0xA9A0] =	vst v63  }
0x2a: {  	_ =	swait.ge [sflag:s15], $0x800  }
0x2b: {  	[sflag:s15] =	ssyncset.done $0x0  }
0x2c: {  	[sflag:s15] =	ssyncadd.s32 $0xFFFFF800  }
0x2d: {  	[spmem:s2] =	stream.indirect.scatter [tilespmem:s14], [sflag:$0x1], $0x10, s19, s12, $0xb8;
	[tilespmem:$0xA9A0] =	vst v63  }
0x2e: {  	_ =	swait.ge [sflag:s15], $0x800  }
0x2f: {  	[sflag:s15] =	ssyncset.done $0x0  }
0x30: {  	[sflag:s15] =	ssyncadd.s32 $0xFFFFF800  }
0x31: {  	s24 =	simm.s32 $0x0;
	[bflag:$0x0] =	sbarrier.arrive $0xFFFF  }
0x32: {  	[tilespmem:s24], [sflag:$0x1] =	stream.linear.gather [hbm4b:s4+s24], $0x2780, $0x38;
	[tilespmem:$0xA9A0] =	vst v63  }
0x33: {  	_ =	swait.ge [sflag:s15], $0x2780  }
0x34: {  	[sflag:s15] =	ssyncset.done $0x0  }
0x35: {  	s25 =	simm.s32 $0x2780;
	[sflag:s15] =	ssyncadd.s32 $0xFFFFD880  }
0x36: {  	[tilespmem:s25], [sflag:$0x1] =	stream.linear.gather [hbm4b:s8+s24], $0x2800, $0x38;
	[tilespmem:$0xA9A0] =	vst v63  }
0x37: {  	_ =	swait.ge [sflag:s15], $0x2800  }
0x38: {  	[sflag:s15] =	ssyncset.done $0x0  }
0x39: {  	s26 =	simm.s32 $0x4F80;
	[sflag:s15] =	ssyncadd.s32 $0xFFFFD800  }
0x3a: {  	[tilespmem:s26], [sflag:$0x1] =	stream.linear.gather [hbm4b:s9+s24], $0x2800, $0x38;
	[tilespmem:$0xA9A0] =	vst v63  }
0x3b: {  	_ =	swait.ge [sflag:s15], $0x2800  }
0x3c: {  	[sflag:s15] =	ssyncset.done $0x0  }
0x3d: {  	[sflag:s15] =	ssyncadd.s32 $0xFFFFD800  }
0x3e: {  	[tilespmem:s20], [sflag:$0x1] =	stream.linear.gather [hbm4b:s5+s24], $0x10, $0x38;
	[tilespmem:$0xA9A0] =	vst v63  }
0x3f: {  	_ =	swait.ge [sflag:s15], $0x10  }
0x40: {  	[sflag:s15] =	ssyncset.done $0x0  }
0x41: {  	[sflag:s15] =	ssyncadd.s32 $0xFFFFFFF0  }
0x42: {  	[tilespmem:s21], [sflag:$0x1] =	stream.linear.gather [hbm4b:s7+s24], $0x10, $0x38;
	[tilespmem:$0xA9A0] =	vst v63  }
0x43: {  	_ =	swait.ge [sflag:s15], $0x10  }
0x44: {  	[sflag:s15] =	ssyncset.done $0x0  }
0x45: {  	[sflag:s15] =	ssyncadd.s32 $0xFFFFFFF0  }
0x46: {  	v4 =	vld [tilespmem:$0x7F80]  }
0x47: {  	v5 =	vld [tilespmem:$0x7F90]  }
.LBB2_4:
0x48: {  	v6 =	vld [tilespmem:s26+$0x0]  }
0x49: {  	v7 =	vld [tilespmem:s25+$0x0];
	s29 =	simm.s32 $0x10  }
0x4a: {  	s28 =	simm.s32 $0x0;
	s30 =	smov.u32 s26;
	s31 =	smov.u32 s25  }
.LBB2_5:
0x4b: {  	p0 =	sne.s32 s29, $0x70;
	_ =	sdelay $0x4  }
0x4c: {  	v6 =	vld.idx.msk [tilespmem:v6+s3+$0x0], $0xffff  }
0x4d: {  	v7 =	vld.idx.msk [tilespmem:v7+s3+$0x0], $0xffff;
	_ =	sdelay $0x5  }
0x4e: {  	v6 =	vmul.f32 v6, v5;
	v8 =	vmul.f32 v7, v4;
	_ =	sdelay $0x1  }
0x4f: {  	v6 =	vadd.f32 v6, v8;
	_ =	sdelay $0x1  }
0x50: {  	v8 =	vmul.f32 $2.000000030e-01, v6  }
0x51: {  	vm0 =	vgt.f32 v6, $0.0e+00  }
0x52: {  	v6 =	vsel vm0, v6, v8  }
0x53: {  	v6 =	vmul.f32 $1.442695020e+00, v6;
	_ =	sdelay $0x1  }
0x54: {  	(erf) = vpow2.f32 v6;
	_ =	sdelay $0x4  }
0x55: {  	v6 =	vmov s28;
	s28 =	smov.u32 s29  }
0x56: {  	v6 =	vshll.u32 v6, $0x4  }
0x57: {  	v6 =	vor.u32 v3, v6  }
0x58: {  	v8 =	vor.u32 $0x1, v6  }
0x59: {  	v9 =	vpop (erf)  }
0x5a: {  	v7 =	vmul.f32 v9, v7;
	_ =	sdelay $0x1  }
.Ltmp1:
0x5b: {  	[tilespmem:v6+s14+$0x0] =	vst.idx.msk $0xffff, v7;
	(pc) =	sbr.rel @p0 .LBB2_5-.Ltmp1, $4  }
0x5c: {  	s30 =	sadd.s32 $0x10, s30;
	[tilespmem:v8+s14+$0x0] =	vst.idx.msk $0xffff, v9  }
0x5d: {  	s31 =	sadd.s32 $0x10, s31;
	v6 =	vld [tilespmem:s30+$0x0]  }
0x5e: {  	v7 =	vld [tilespmem:s31+$0x0]  }
0x5f: {  	s29 =	sadd.s32 $0x10, s29  }
0x60: {  	_ =	sdelay $0x5  }
0x61: {  	v6 =	vld.idx.msk [tilespmem:v6+s3+$0x0], $0xffff  }
0x62: {  	v7 =	vld.idx.msk [tilespmem:v7+s3+$0x0], $0xffff;
	_ =	sdelay $0x4  }
0x63: {  	v6 =	vmul.f32 v6, v5;
	v8 =	vmul.f32 v7, v4;
	_ =	sdelay $0x1  }
0x64: {  	v6 =	vadd.f32 v6, v8;
	_ =	sdelay $0x1  }
0x65: {  	v8 =	vmul.f32 $2.000000030e-01, v6  }
0x66: {  	vm0 =	vgt.f32 v6, $0.0e+00  }
0x67: {  	v6 =	vsel vm0, v6, v8  }
0x68: {  	v6 =	vmul.f32 $1.442695020e+00, v6;
	_ =	sdelay $0x1  }
0x69: {  	(erf) = vpow2.f32 v6;
	_ =	sdelay $0x4  }
0x6a: {  	v6 =	vmov s28  }
0x6b: {  	v6 =	vshll.u32 v6, $0x4  }
0x6c: {  	v6 =	vor.u32 v3, v6  }
0x6d: {  	v63 =	vor.u32 $0x1, v6  }
0x6e: {  	v9 =	vpop (erf)  }
0x6f: {  	v7 =	vmul.f32 v9, v7  }
0x70: {  	s31 =	sshll.u32 s24, $0x7;
	s24 =	sadd.s32 $0x1, s24  }
0x71: {  	p0 =	sne.s32 s24, $0x50;
	s28 =	sand.u32 $0x3FFFFF80, s31;
	[tilespmem:v6+s14+$0x0] =	vst.idx.msk $0xffff, v7  }
.Ltmp2:
0x72: {  	s28 =	sadd.s32 $0x4F80, s28;
	[tilespmem:v63+s14+$0x0] =	vst.idx.msk $0xffff, v9;
	(pc) =	sbr.rel @p0 .LBB2_4-.Ltmp2, $4  }
0x73: {  	[spmem:s2] =	stream.indirect.scatter.add.f32 [tilespmem:s14], [sflag:$0x1], $0x10, s28, s12, $0xb8;
	[tilespmem:$0xA9A0] =	vst v63  }
0x74: {  	_ =	swait.ge [sflag:s15], $0x800  }
0x75: {  	[sflag:s15] =	ssyncset.done $0x0  }
0x76: {  	s25 =	sadd.s32 $0x80, s25;
	s26 =	sadd.s32 $0x80, s26;
	[sflag:s15] =	ssyncadd.s32 $0xFFFFF800  }
0x77: {  	s23 =	sadd.s32 $0x1, s23  }
0x78: {  	s24 =	sshll.u32 s0, $0x6;
	p0 =	sne.s32 s23, s11  }
.Ltmp3:
0x79: {  	[bflag:$0x0] =	sbarrier.arrive $0xFFFF;
	s24 =	sor.u32 $0x1C01, s24;
	(pc) =	sbr.rel @p0 .LBB2_1-.Ltmp3, $4  }
0x7a: {  	[hbm:s10], [sflag:s24] =	dma.local [spmem:s22], $0x4F0  }
0x7b: {  	_ =	swait.ge [sflag:s15], $0x4F0  }
0x7c: {  	[sflag:s15] =	ssyncset.done $0x0  }
0x7d: {  	[sflag:s15] =	ssyncadd.s32 $0xFFFFFB10  }
0x7e: {  	_ =	sfence.sel $0x180000  }
0x7f: {  	[bflag:$0x0] =	sbarrier.arrive $0xFFFF  }
0x80: {  	p0 =	sne.s32 s0, $0x0;
	_ =	strace $0x9000004A  }
0x81: {  	s0 =	sadd.s32 @!p0 $0x100000, s1;
	[bflag:$0x2] =	sbarrier.arrive $0xFFFF  }
0x82: {  	[sflag:s0] =	ssyncadd.tile.s32 @!p0 $0x1;
	_ =	shalt  }
.Lfunc_end2:
_tile_overlayer_lowered:
.L_overlay_start_2:
0x83: {  	(tag) =	ssettag $0x2  }
0x84: {  	s0 =	rddreg [dreg:$0x0];
	s2 =	stileid.u32  }
0x85: {  	s1 =	rddreg [dreg:$0x1];
	p0 =	sne.s32 s2, $0x0  }
0x86: {  	s3 =	rddreg [dreg:$0x2];
	[bflag:$0x3] =	sbarrier.arrive $0xFFFF;
	s2 =	simm.s32 @!p0 $0x1C01  }
0x87: {  	[timem:s3], [sflag:s2] =	dma.local @!p0 [hbm:s0], s1  }
0x88: {  	s0 =	simm.s32 @!p0 $0x1  }
0x89: {  	_ =	swait.ge @!p0 [sflag:s0], s1  }
0x8a: {  	s1 =	ssub.s32 @!p0 $0x0, s1;
	[sflag:s0] =	ssyncset.done @!p0 $0x0  }
0x8b: {  	[sflag:s0] =	ssyncadd.s32 @!p0 s1  }
0x8c: {  	[bflag:$0x3] =	sbarrier.arrive $0xFFFF  }
0x8d: {  	_ =	shalt  }

// kernel: kernel.7.cloned.1.call-start
scs
__scs_entry_jumppad:
0x0: {  	(pc) =	sbr.rel $0x88, $3  }
0x1: {  	(tag) =	ssettag $0x0;
	lr =	simm.s32 $0x1  }
0x2: {  	[smem:$0x3F97] =	sst lr;
	_ =	strace $0xD0000000  }
0x3: {  	_ = 	snop  }
0x4: {  	_ = 	snop  }
0x5: {  	_ = 	snop  }
0x6: {  	_ = 	snop  }
0x7: {  	_ = 	snop  }
__scs_overlays_trampoline_lowered:
0x8: {  	[smem:$0x3FA6] =	sst s0  }
0x9: {  	[smem:$0x3FA7] =	sst s1  }
0xa: {  	[smem:$0x3FA8] =	sst s2  }
0xb: {  	[smem:$0x3FA9] =	sst s3  }
0xc: {  	[smem:$0x3FAA] =	sst s4  }
0xd: {  	[smem:$0x3FAB] =	sst s5  }
0xe: {  	[smem:$0x3FAC] =	sst s6  }
0xf: {  	[smem:$0x3FAD] =	sst s7  }
0x10: {  	[smem:$0x3FAE] =	sst s8  }
0x11: {  	[smem:$0x3FAF] =	sst s9;
	s0 =	simm.s32 @!p0 $0x0  }
0x12: {  	s1 =	sld [smem:$0x3F95];
	s0 =	simm.s32 @p0 $0x1  }
0x13: {  	[smem:$0x3FB0] =	sst s0;
	s0 =	simm.s32 @!p1 $0x0  }
0x14: {  	s2 =	sld [smem:$0x3F94];
	s0 =	simm.s32 @p1 $0x1  }
0x15: {  	[smem:$0x3FB1] =	sst s0;
	s0 =	simm.s32 @!p2 $0x0  }
0x16: {  	s3 =	sld [smem:$0x3FDB];
	s0 =	simm.s32 @p2 $0x1  }
0x17: {  	s4 =	simm.s32 $0x1BF5;
	[smem:$0x3FB3] =	sst s0  }
0x18: {  	s0 =	sld [smem:$0x3F96];
	_ =	swait.ge [sflag:s4], $0x0  }
0x19: {  	s7 =	sld [smem:$0x3F97]  }
0x1a: {  	s8 =	sadd.s32 $0xFFFFE003, lr  }
0x1b: {  	s9 =	sadd.s32 $0xFFFFFEF7, lr;
	s5 =	simm.s32 $0xFFFFFFFF;
	p2 =	slt.u32 s8, $0xFFFFF086  }
0x1c: {  	p1 =	slt.u32 s9, $0xF7A;
	s5 =	simm.s32 @!p2 $0x0  }
0x1d: {  	s5 =	simm.s32 @p1 $0x1;
	p0 =	seq.s32 s7, s2  }
0x1e: {  	s7 =	smul.u32 @!p0 $0xF7A, s2;
	p2 =	seq.s32 @!p0 s5, $0x0  }
0x1f: {  	s9 =	smul.u32 $0xF7A, s1;
	s8 =	simm.s32 @!p0 $0x1BF5;
	p2 =	por !p2, p0  }
0x20: {  	[sflag:s8] =	ssyncset.s32 @!p0 $0xFFFFF086;
	s6 =	sadd.s32 @!p0 s3, s7;
	s7 =	simm.s32 @!p0 $0x108  }
0x21: {  	s3 =	sadd.s32 s3, s9;
	s6 =	sadd.s32 @!p0 $0x88, s6;
	s7 =	simm.s32 @p2 $0x1082  }
0x22: {  	[simem:s7], [sflag:s8] =	dma.local @!p0 [hbm:s6], $0xF7A  }
0x23: {  	s9 =	sor.u32 $0xD0000000, s2;
	s6 =	simm.s32 $0x108;
	_ =	swait.ge @!p0 [sflag:s8], $0x0  }
0x24: {  	s3 =	sadd.s32 $0x88, s3;
	s6 =	simm.s32 @!p1 $0x1082;
	[sflag:s4] =	ssyncset.s32 $0xFFFFF086  }
0x25: {  	[simem:s6], [sflag:s4] =	dma.local [hbm:s3], $0xF7A  }
0x26: {  	[smem:$0x3F97] =	sst s1;
	(tag) =	ssettag s2;
	_ =	strace s9  }
0x27: {  	s1 =	sld [smem:$0x3FA7]  }
0x28: {  	s2 =	sld [smem:$0x3FA8]  }
0x29: {  	s4 =	sld [smem:$0x3FAA]  }
0x2a: {  	p0 =	seq.s32 s5, $0x0;
	s5 =	sld [smem:$0x3FAB]  }
0x2b: {  	s6 =	sld [smem:$0x3FAC]  }
0x2c: {  	s7 =	sld [smem:$0x3FAD]  }
0x2d: {  	s3 =	simm.s32 $0x108;
	s8 =	sld [smem:$0x3FAE]  }
0x2e: {  	s3 =	simm.s32 @!p0 $0x1082;
	s9 =	sld [smem:$0x3FAF]  }
0x2f: {  	lr =	sadd.s32 s0, s3;
	s0 =	sld [smem:$0x3FA6]  }
0x30: {  	s3 =	sld [smem:$0x3FA9]  }
0x31: {  	[smem:$0x3FB2] =	sst s10  }
0x32: {  	s10 =	sld [smem:$0x3FB0];
	_ =	sdelay $0x3  }
0x33: {  	p0 =	seq.s32 s10, $0x1;
	s10 =	sld [smem:$0x3FB2];
	_ =	sdelay $0x3  }
0x34: {  	[smem:$0x3FB2] =	sst s10  }
0x35: {  	s10 =	sld [smem:$0x3FB1];
	_ =	sdelay $0x3  }
0x36: {  	p1 =	seq.s32 s10, $0x1;
	s10 =	sld [smem:$0x3FB2];
	_ =	sdelay $0x3  }
0x37: {  	[smem:$0x3FB2] =	sst s10  }
0x38: {  	s10 =	sld [smem:$0x3FB3]  }
0x39: {  	_ = 	snop;
	(pc) =	sbr.ind lr, $3  }
0x3a: {  	_ = 	snop  }
0x3b: {  	_ = 	snop  }
0x3c: {  	p2 =	seq.s32 s10, $0x1;
	s10 =	sld [smem:$0x3FB2]  }
0x3d: {  	_ =	shalt  }
0x3e: {  	_ =	shalt  }
0x3f: {  	_ =	shalt  }
0x40: {  	_ =	shalt  }
0x41: {  	_ =	shalt  }
0x42: {  	_ =	shalt  }
0x43: {  	_ =	shalt  }
0x44: {  	_ =	shalt  }
0x45: {  	_ =	shalt  }
0x46: {  	_ =	shalt  }
0x47: {  	_ =	shalt  }
0x48: {  	_ =	shalt  }
0x49: {  	_ =	shalt  }
0x4a: {  	_ =	shalt  }
0x4b: {  	_ =	shalt  }
0x4c: {  	_ =	shalt  }
0x4d: {  	_ =	shalt  }
0x4e: {  	_ =	shalt  }
0x4f: {  	_ =	shalt  }
0x50: {  	_ =	shalt  }
0x51: {  	_ =	shalt  }
0x52: {  	_ =	shalt  }
0x53: {  	_ =	shalt  }
0x54: {  	_ =	shalt  }
0x55: {  	_ =	shalt  }
0x56: {  	_ =	shalt  }
0x57: {  	_ =	shalt  }
0x58: {  	_ =	shalt  }
0x59: {  	_ =	shalt  }
0x5a: {  	_ =	shalt  }
0x5b: {  	_ =	shalt  }
0x5c: {  	_ =	shalt  }
0x5d: {  	_ =	shalt  }
0x5e: {  	_ =	shalt  }
0x5f: {  	_ =	shalt  }
0x60: {  	_ =	shalt  }
0x61: {  	_ =	shalt  }
0x62: {  	_ =	shalt  }
0x63: {  	_ =	shalt  }
0x64: {  	_ =	shalt  }
0x65: {  	_ =	shalt  }
0x66: {  	_ =	shalt  }
0x67: {  	_ =	shalt  }
0x68: {  	_ =	shalt  }
0x69: {  	_ =	shalt  }
0x6a: {  	_ =	shalt  }
0x6b: {  	_ =	shalt  }
0x6c: {  	_ =	shalt  }
0x6d: {  	_ =	shalt  }
0x6e: {  	_ =	shalt  }
0x6f: {  	_ =	shalt  }
0x70: {  	_ =	shalt  }
0x71: {  	_ =	shalt  }
0x72: {  	_ =	shalt  }
0x73: {  	_ =	shalt  }
0x74: {  	_ =	shalt  }
0x75: {  	_ =	shalt  }
0x76: {  	_ =	shalt  }
0x77: {  	_ =	shalt  }
0x78: {  	_ =	shalt  }
0x79: {  	_ =	shalt  }
0x7a: {  	_ =	shalt  }
0x7b: {  	_ =	shalt  }
0x7c: {  	_ =	shalt  }
0x7d: {  	_ =	shalt  }
0x7e: {  	_ =	shalt  }
0x7f: {  	_ =	shalt  }
0x80: {  	_ =	shalt  }
0x81: {  	_ =	shalt  }
0x82: {  	_ =	shalt  }
0x83: {  	_ =	shalt  }
0x84: {  	_ =	shalt  }
0x85: {  	_ =	shalt  }
0x86: {  	_ =	shalt  }
0x87: {  	_ =	shalt  }
.Lfunc_end0:
.L_simem_size_0:
called_computation_lowered:
.L_overlay_start_0:
0x88: {  	s2 =	sld [smem:$0x3FD9]  }
0x89: {  	s3 =	sld [smem:$0x3FFE];
	_ =	sdelay $0x1  }
0x8a: {  	s1 =	srdreg.scid  }
0x8b: {  	s0 =	sand.u32 $0x1, s1  }
0x8c: {  	s16 =	sshll.u32 s0, $0xA;
	s2 =	sadd.s32 s3, s2  }
0x8d: {  	s2 =	sadd.s32 s2, s16  }
0x8e: {  	[smem:$0x3FBE] =	sst s2  }
0x8f: {  	_ = 	snop  }
0x90: {  	(tm) =	ssettm $0x1  }
0x91: {  	s17 =	sld [smem:$0x3FFB];
	_ =	sdelay $0x3  }
0x92: {  	_ =	strace s17  }
0x93: {  	s2 =	sld [smem:$0x3FFC];
	_ =	sdelay $0x3  }
0x94: {  	_ =	strace s2  }
0x95: {  	s2 =	sld [smem:$0x3FFD];
	_ =	sdelay $0x3  }
0x96: {  	_ =	strace s2  }
0x97: {  	_ =	strace $0x8FFFFFFF  }
0x98: {  	s18 =	sld [smem:$0x3FDB];
	_ =	sdelay $0x1  }
0x99: {  	s19 =	simm.s32 $_scs_section_size  }
0x9a: {  	s4 =	simm.s32 $_size__tile_overlayer_lowered;
	s5 =	simm.s32 $_tile_overlayer_lowered  }
0x9b: {  	s22 =	simm.s32 $0x1BFF;
	s21 =	sshll.u32 s5, $0x1;
	s2 =	sadd.s32 s19, s18  }
0x9c: {  	s6 =	simm.s32 $0x0;
	s20 =	sshll.u32 s4, $0x1;
	s4 =	sadd.s32 s21, s2  }
0x9d: {  	[timem:s6], [sflag:s22] =	dma.local [hbm:s4], s20  }
0x9e: {  	_ =	swait.ge [sflag:s22], s20  }
0x9f: {  	s3 =	ssub.s32 $0x0, s20;
	[sflag:s22] =	ssyncset.done $0x0  }
0xa0: {  	[sflag:s22] =	ssyncadd.s32 s3;
	_ =	sdelay $0x1  }
0xa1: {  	s23 =	simm.s32 $0x1B8B  }
0xa2: {  	_ =	swait.ge [sflag:s23], $0x1  }
0xa3: {  	[sflag:s23] =	ssyncset.done $0x0  }
0xa4: {  	s25 =	simm.s32 $0x1B8E;
	s24 =	sld [smem:$0x3FFE];
	[sflag:s23] =	ssyncadd.s32 $0xFFFFFFFF  }
0xa5: {  	s26 =	simm.s32 $execute0_lowered;
	[smem:$0x3FD2] =	sst s25  }
0xa6: {  	s4 =	sshll.u32 s26, $0x1;
	_ =	strace $0x80000046;
	[dreg:$0x1] =	wrdreg $0xFFFFFFFF  }
0xa7: {  	s28 =	simm.s32 $_size_execute0_lowered;
	s2 =	sadd.s32 s2, s4;
	[dreg:$0x0] =	wrdreg $0x0  }
0xa8: {  	s4 =	sshll.u32 s28, $0x1;
	[dreg:$0x2] =	wrdreg s2  }
0xa9: {  	[dreg:$0x3] =	wrdreg s4  }
0xaa: {  	[dreg:$0x4] =	wrdreg $0xC0  }
0xab: {  	_ =	task [dreg:s6], $0x5FFFF  }
0xac: {  	[dreg:$0x1] =	wrdreg $0xFFFFFFFF  }
0xad: {  	[dreg:$0x0] =	wrdreg $0x60  }
0xae: {  	[dreg:$0x2] =	wrdreg s24  }
0xaf: {  	[dreg:$0x3] =	wrdreg $0x160800  }
0xb0: {  	[dreg:$0x4] =	wrdreg $0xC2800  }
0xb1: {  	[dreg:$0x5] =	wrdreg $0x9  }
0xb2: {  	_ =	task.clear_ibuf [dreg:s6], $0x6FFFF;
	_ =	strace $0x90000046  }
0xb3: {  	s29 =	simm.s32 $0x9;
	_ =	strace $0x80000048  }
0xb4: {  	_ =	swait.ge [sflag:s29], $0x1  }
0xb5: {  	[sflag:s29] =	ssyncadd.s32 $0xFFFFFFFF  }
0xb6: {  	_ =	strace $0x90000048  }
0xb7: {  	_ =	sfence  }
0xb8: {  	s30 =	sld [smem:$0x0];
	_ =	sdelay $0x2  }
0xb9: {  	s31 =	sshll.u32 s1, $0xD;
	s1 =	sshrl.u32 s1, $0x2  }
0xba: {  	s3 =	sand.u32 $0x4000, s31;
	s1 =	sadd.s32 s1, s30  }
0xbb: {  	s0 =	sor.u32 s3, s0;
	s1 =	sshll.u32 s1, $0x11  }
0xbc: {  	s0 =	sor.u32 s1, s0  }
0xbd: {  	s0 =	sadd.s32 $0x8F2B, s0  }
0xbe: {  	[sflag:s0] =	ssyncadd.remote.s32 $0x1  }
0xbf: {  	_ =	sfence.sel $0xFFFF  }
0xc0: {  	[dreg:$0x0] =	wrdreg $0xFFFFFFFF;
	(pc) =	sbr.abs _section_cstart, $3  }
0xc1: {  	[dreg:$0x1] =	wrdreg $0xFFFFFFFF  }
0xc2: {  	_ =	task.clear_ibuf [dreg:s6], $0x2FFFF;
	_ =	strace $0x9FFFFFFF  }
0xc3: {  	(tm) =	ssettm $0x7FFFFFFF  }
tec
execute0_lowered:
.L_overlay_start_1:
0x0: {  	(tag) =	ssettag $0x1  }
0x1: {  	s4 =	rddreg [dreg:$0x0]  }
0x2: {  	s0 =	srdreg.scid;
	s2 =	rddreg [dreg:$0x1]  }
0x3: {  	s11 =	stileid.u32;
	s3 =	rddreg [dreg:$0x2];
	s5 =	simm.s32 $0x0  }
0x4: {  	s13 =	simm.s32 $0x80;
	s15 =	simm.s32 $0x8000;
	s16 =	simm.s32 $0x3  }
0x5: {  	s17 =	simm.s32 $0x6000;
	s28 =	simm.s32 $0x8800;
	s29 =	simm.s32 $0x9000  }
0x6: {  	s30 =	simm.s32 $0x9800;
	s31 =	simm.s32 $0x1;
	s8 =	smul.u32 $0x9E00, s11  }
0x7: {  	s0 =	sand.u32 $0x1, s0;
	[smem:$0x7FF] =	sst s5;
	s12 =	smul.u32 $0x2780, s11  }
0x8: {  	s5 =	sadd.s32 $0x14A00, s4;
	s6 =	sadd.s32 $0xE00, s4;
	s7 =	smul.u32 $0x9E000, s0  }
0x9: {  	s1 =	sshll.u32 s0, $0x4;
	s9 =	smul.u32 $0x27800, s0;
	s0 =	ssub.s32 $0x2, s0  }
0xa: {  	_ =	strace $0x80000047;
	s1 =	sor.u32 s11, s1;
	s23 =	sshrl.u32 s0, $0x1  }
0xb: {  	s25 =	sadd.s32 s8, s3;
	s26 =	sadd.s32 s12, s2;
	s1 =	smul.u32 $0x500, s1  }
0xc: {  	s7 =	sadd.s32 s8, s7;
	s22 =	sadd.s32 s12, s9;
	s0 =	ssub.s32 s0, s23  }
0xd: {  	s23 =	sshrl.u32 s25, $0x3;
	s25 =	sshrl.u32 s26, $0x3;
	s26 =	simm.s32 $0x0  }
0xe: {  	s10 =	sshrl.u32 s7, $0x3;
	s9 =	sshrl.u32 s22, $0x3;
	s7 =	smul.u32 $0x278, s11  }
0xf: {  	v1 =	vlaneseq.u32;
	s12 =	smax.u32 s0, $0x1;
	s1 =	sadd.s32 s1, s4;
	s10 =	sadd.s32 s10, s4  }
0x10: {  	v4 =	vshrl.u32 v1, $0x3;
	s4 =	sadd.s32 s9, s4;
	s14 =	sadd.s32 $0x277, s7;
	s24 =	sadd.s32 $0x23A00, s1  }
0x11: {  	v2 =	vimm.f32 $0.0e+00;
	v3 =	vor.u32 $0x8, v1;
	v5 =	vor.u32 $0x2, v4;
	s9 =	sadd.s32 $0x19A00, s1;
	s10 =	sadd.s32 $0x37800, s10;
	s11 =	sadd.s32 $0x2DA00, s4  }
0x12: {  	v6 =	vor.u32 $0x4, v4;
	v7 =	vor.u32 $0x6, v4;
	s1 =	simm.s32 $0x2;
	[dreg:$0x4] =	wrdreg s24;
	v0 =	vmov s14;
	s24 =	simm.s32 $0xB800  }
.LBB2_1:
0x13: {  	s4 =	simm.s32 $0x0  }
0x14: {  	s0 =	sand.u32 $0x780, s4  }
0x15: {  	s14 =	sand.u32 $0x70, s4;
	s8 =	sadd.s32 s7, s0  }
0x16: {  	[tilespmem:s15+$0x0] =	vst v2;
	s4 =	simm.s32 $0x6020;
	s8 =	sadd.s32 s14, s8  }
0x17: {  	s18 =	simm.s32 $0x10;
	[tilespmem:s4+$0x10] =	vst v2;
	v8 =	vadd.s32 s8, v1  }
0x18: {  	s0 =	sor.u32 s14, s0;
	[tilespmem:s4+$0x0] =	vst v2;
	s14 =	simm.s32 $0x8000;
	s8 =	simm.s32 $0x6060;
	v8 =	vmin.u32 v8, v0  }
.LBB2_2:
0x19: {  	s19 =	sand.u32 $0x780, s18;
	s14 =	sadd.s32 $0x10, s14  }
0x1a: {  	[tilespmem:s4+$0xFFFFFFE0] =	vst v2;
	s20 =	smov.u32 s18;
	s21 =	sadd.s32 $0x10, s18;
	p0 =	sne.s32 s18, $0x7F0  }
.Ltmp0:
0x1b: {  	s22 =	sadd.s32 s7, s19;
	s20 =	sand.u32 $0x70, s20;
	[tilespmem:s4+$0xFFFFFFF0] =	vst v2;
	(pc) =	sbr.rel @p0 .LBB2_2-.Ltmp0, $4  }
0x1c: {  	s4 =	sadd.s32 s20, s22;
	[tilespmem:s0+$0xC000] =	vst v8;
	s0 =	sor.u32 s20, s19  }
0x1d: {  	[tilespmem:s14+$0x0] =	vst v2;
	v8 =	vadd.s32 s4, v1;
	s4 =	smov.u32 s8  }
0x1e: {  	[tilespmem:s8+$0x10] =	vst v2;
	v8 =	vmin.u32 v8, v0  }
0x1f: {  	s18 =	smov.u32 s21;
	s8 =	sadd.s32 $0x40, s8;
	[tilespmem:s4+$0x0] =	vst v2  }
0x20: {  	[tilespmem:s4+$0xFFFFFFE0] =	vst v2  }
0x21: {  	[tilespmem:s4+$0xFFFFFFF0] =	vst v2  }
0x22: {  	s4 =	simm.s32 $0xC000;
	[tilespmem:s0+$0xC000] =	vst v8  }
0x23: {  	[spmem:s2] =	stream.indirect.scatter [tilespmem:s15], [sflag:$0x3], $0x10, s4, s13, $0xb8;
	[tilespmem:$0x18800] =	vst v63  }
0x24: {  	_ =	swait.ge [sflag:s16], $0x800  }
0x25: {  	[sflag:s16] =	ssyncset.done $0x0  }
0x26: {  	[sflag:s16] =	ssyncadd.s32 $0xFFFFF800  }
0x27: {  	[spmem:s3] =	stream.indirect.scatter [tilespmem:s17], [sflag:$0x3], $0x40, s4, s13, $0xb8;
	[tilespmem:$0x18800] =	vst v63  }
0x28: {  	_ =	swait.ge [sflag:s16], $0x2000  }
0x29: {  	[sflag:s16] =	ssyncset.done $0x0  }
0x2a: {  	s8 =	simm.s32 $0xC080;
	[sflag:s16] =	ssyncadd.s32 $0xFFFFE000  }
0x2b: {  	[spmem:s2] =	stream.indirect.scatter [tilespmem:s15], [sflag:$0x3], $0x10, s8, s13, $0xb8;
	[tilespmem:$0x18800] =	vst v63  }
0x2c: {  	_ =	swait.ge [sflag:s16], $0x800  }
0x2d: {  	[sflag:s16] =	ssyncset.done $0x0  }
0x2e: {  	[sflag:s16] =	ssyncadd.s32 $0xFFFFF800  }
0x2f: {  	[spmem:s3] =	stream.indirect.scatter [tilespmem:s17], [sflag:$0x3], $0x40, s8, s13, $0xb8;
	[tilespmem:$0x18800] =	vst v63  }
0x30: {  	_ =	swait.ge [sflag:s16], $0x2000  }
0x31: {  	[sflag:s16] =	ssyncset.done $0x0  }
0x32: {  	s14 =	simm.s32 $0xC100;
	[sflag:s16] =	ssyncadd.s32 $0xFFFFE000  }
0x33: {  	[spmem:s2] =	stream.indirect.scatter [tilespmem:s15], [sflag:$0x3], $0x10, s14, s13, $0xb8;
	[tilespmem:$0x18800] =	vst v63  }
0x34: {  	_ =	swait.ge [sflag:s16], $0x800  }
0x35: {  	[sflag:s16] =	ssyncset.done $0x0  }
0x36: {  	[sflag:s16] =	ssyncadd.s32 $0xFFFFF800  }
0x37: {  	[spmem:s3] =	stream.indirect.scatter [tilespmem:s17], [sflag:$0x3], $0x40, s14, s13, $0xb8;
	[tilespmem:$0x18800] =	vst v63  }
0x38: {  	_ =	swait.ge [sflag:s16], $0x2000  }
0x39: {  	[sflag:s16] =	ssyncset.done $0x0  }
0x3a: {  	s18 =	simm.s32 $0xC180;
	[sflag:s16] =	ssyncadd.s32 $0xFFFFE000  }
0x3b: {  	[spmem:s2] =	stream.indirect.scatter [tilespmem:s15], [sflag:$0x3], $0x10, s18, s13, $0xb8;
	[tilespmem:$0x18800] =	vst v63  }
0x3c: {  	_ =	swait.ge [sflag:s16], $0x800  }
0x3d: {  	[sflag:s16] =	ssyncset.done $0x0  }
0x3e: {  	[sflag:s16] =	ssyncadd.s32 $0xFFFFF800  }
0x3f: {  	[spmem:s3] =	stream.indirect.scatter [tilespmem:s17], [sflag:$0x3], $0x40, s18, s13, $0xb8;
	[tilespmem:$0x18800] =	vst v63  }
0x40: {  	_ =	swait.ge [sflag:s16], $0x2000  }
0x41: {  	[sflag:s16] =	ssyncset.done $0x0  }
0x42: {  	s19 =	simm.s32 $0xC200;
	[sflag:s16] =	ssyncadd.s32 $0xFFFFE000  }
0x43: {  	[spmem:s2] =	stream.indirect.scatter [tilespmem:s15], [sflag:$0x3], $0x10, s19, s13, $0xb8;
	[tilespmem:$0x18800] =	vst v63  }
0x44: {  	_ =	swait.ge [sflag:s16], $0x800  }
0x45: {  	[sflag:s16] =	ssyncset.done $0x0  }
0x46: {  	[sflag:s16] =	ssyncadd.s32 $0xFFFFF800  }
0x47: {  	[spmem:s3] =	stream.indirect.scatter [tilespmem:s17], [sflag:$0x3], $0x40, s19, s13, $0xb8;
	[tilespmem:$0x18800] =	vst v63  }
0x48: {  	_ =	swait.ge [sflag:s16], $0x2000  }
0x49: {  	[sflag:s16] =	ssyncset.done $0x0  }
0x4a: {  	[sflag:s16] =	ssyncadd.s32 $0xFFFFE000  }
0x4b: {  	[bflag:$0x0] =	sbarrier.arrive $0xFFFF  }
0x4c: {  	s0 =	simm.s32 $0x0;
	s20 =	rddreg [dreg:$0x4]  }
0x4d: {  	[tilespmem:s0], [sflag:$0x3] =	stream.linear.gather [hbm4b:s20+s0], $0x2800, $0x38;
	[tilespmem:$0x18800] =	vst v63  }
0x4e: {  	_ =	swait.ge [sflag:s16], $0x2800  }
0x4f: {  	[sflag:s16] =	ssyncset.done $0x0  }
0x50: {  	s21 =	simm.s32 $0x2800;
	[sflag:s16] =	ssyncadd.s32 $0xFFFFD800  }
0x51: {  	[tilespmem:s21], [sflag:$0x3] =	stream.linear.gather [hbm4b:s9+s0], $0x2800, $0x38;
	[tilespmem:$0x18800] =	vst v63  }
0x52: {  	_ =	swait.ge [sflag:s16], $0x2800  }
0x53: {  	[sflag:s16] =	ssyncset.done $0x0  }
0x54: {  	s8 =	simm.s32 $0x5000;
	[sflag:s16] =	ssyncadd.s32 $0xFFFFD800  }
0x55: {  	[tilespmem:s8], [sflag:$0x1] =	stream.indirect.gather [hbm4b:s5+s13], $0x10, s0, s13, $0xb8;
	[tilespmem:$0x18800] =	vst v63  }
0x56: {  	s22 =	simm.s32 $0x5800  }
0x57: {  	[tilespmem:s22], [sflag:$0x1] =	stream.indirect.gather [hbm4b:s5+s13], $0x10, s21, s13, $0xb8;
	[tilespmem:$0x18800] =	vst v63  }
0x58: {  	_ = 	snop  }
0x59: {  	[tilespmem:s17], [sflag:$0x1] =	stream.indirect.gather [hbm4b:s6+s13], $0x40, s0, s13, $0xb8;
	[tilespmem:$0x18800] =	vst v63  }
.LBB2_4:
0x5a: {  	s4 =	sshllo.u32 s0, $0x1  }
0x5b: {  	s4 =	sshll.u32 s4, $0x7  }
0x5c: {  	[tilespmem:s28], [sflag:$0x2] =	stream.indirect.gather [hbm4b:s5+s13], $0x10, s4, s13, $0xb8;
	[tilespmem:$0x18800] =	vst v63  }
0x5d: {  	s8 =	sadd.s32 $0x2800, s4  }
0x5e: {  	[tilespmem:s29], [sflag:$0x2] =	stream.indirect.gather [hbm4b:s5+s13], $0x10, s8, s13, $0xb8;
	[tilespmem:$0x18800] =	vst v63  }
0x5f: {  	_ = 	snop  }
0x60: {  	[tilespmem:s30], [sflag:$0x2] =	stream.indirect.gather [hbm4b:s6+s13], $0x40, s4, s13, $0xb8;
	[tilespmem:$0x18800] =	vst v63  }
0x61: {  	_ =	swait.ge [sflag:s31], $0x800  }
0x62: {  	[sflag:s31] =	ssyncset.done $0x0  }
0x63: {  	[sflag:s31] =	ssyncadd.s32 $0xFFFFF800  }
0x64: {  	_ =	swait.ge [sflag:s31], $0x800  }
0x65: {  	[sflag:s31] =	ssyncset.done $0x0  }
0x66: {  	[sflag:s31] =	ssyncadd.s32 $0xFFFFF800  }
0x67: {  	_ =	swait.ge [sflag:s31], $0x2000  }
0x68: {  	[sflag:s31] =	ssyncset.done $0x0  }
0x69: {  	s20 =	simm.s32 $0x5820;
	[sflag:s31] =	ssyncadd.s32 $0xFFFFE000  }
0x6a: {  	v8 =	vld [tilespmem:s20+$0x10]  }
0x6b: {  	s14 =	simm.s32 $0x5020  }
0x6c: {  	v9 =	vld [tilespmem:s14+$0x10]  }
0x6d: {  	v10 =	vld [tilespmem:s20+$0xFFFFFFF0]  }
0x6e: {  	v11 =	vld [tilespmem:s20+$0x0]  }
0x6f: {  	v12 =	vld [tilespmem:s14+$0xFFFFFFF0];
	v8 =	vperm.xlane v8, v3  }
0x70: {  	v13 =	vld [tilespmem:s20+$0xFFFFFFE0]  }
0x71: {  	v8 =	vadd.f32 v8, v9;
	v9 =	vld [tilespmem:s14+$0x0]  }
0x72: {  	v14 =	vld [tilespmem:s14+$0xFFFFFFE0];
	v10 =	vperm.xlane v10, v3  }
0x73: {  	v15 =	vmul.f32 $2.000000030e-01, v8  }
0x74: {  	s18 =	simm.s32 $0x5860;
	v11 =	vperm.xlane v11, v3;
	v10 =	vadd.f32 v10, v12  }
0x75: {  	v22 =	vld [tilespmem:s18+$0x0];
	v12 =	vperm.xlane v13, v3;
	v8 =	vmax.f32 v8, v15  }
0x76: {  	v8 =	vmul.f32 $1.442695020e+00, v8;
	v9 =	vadd.f32 v11, v9;
	v11 =	vmul.f32 $2.000000030e-01, v10  }
0x77: {  	s19 =	simm.s32 $0x5060;
	v12 =	vadd.f32 v12, v14  }
0x78: {  	v27 =	vld [tilespmem:s19+$0x0];
	(erf) = vpow2.f32 v8;
	v8 =	vmul.f32 $2.000000030e-01, v9;
	v10 =	vmax.f32 v10, v11  }
0x79: {  	v11 =	vmul.f32 $2.000000030e-01, v12;
	v10 =	vmul.f32 $1.442695020e+00, v10  }
0x7a: {  	v22 =	vperm.xlane v22, v3;
	v8 =	vmax.f32 v9, v8  }
0x7b: {  	v9 =	vmax.f32 v12, v11;
	v8 =	vmul.f32 $1.442695020e+00, v8;
	(erf) = vpow2.f32 v10  }
0x7c: {  	v9 =	vmul.f32 $1.442695020e+00, v9  }
0x7d: {  	v18 =	vld [tilespmem:s18+$0xFFFFFFF0];
	v22 =	vadd.f32 v22, v27;
	(erf) = vpow2.f32 v8  }
0x7e: {  	(erf) = vpow2.f32 v9;
	v9 =	vld [tilespmem:s18+$0x10]  }
0x7f: {  	v16 =	vld [tilespmem:s19+$0x10];
	v33 =	vmul.f32 $2.000000030e-01, v22  }
0x80: {  	v24 =	vld [tilespmem:s19+$0xFFFFFFF0];
	s20 =	simm.s32 $0x58A0  }
0x81: {  	s21 =	simm.s32 $0x8020;
	v46 =	vld [tilespmem:s20+$0x10];
	v22 =	vmax.f32 v22, v33;
	v8 =	vpop (erf)  }
0x82: {  	v18 =	vperm.xlane v18, v3;
	s14 =	simm.s32 $0x6080;
	v22 =	vmul.f32 $1.442695020e+00, v22;
	v11 =	vld [tilespmem:s18+$0xFFFFFFE0];
	[tilespmem:s21+$0x10] =	vst v8  }
0x83: {  	v13 =	vperm.xlane v8, v4;
	v10 =	vld [tilespmem:s14+$0x70];
	v9 =	vperm.xlane v9, v3  }
0x84: {  	v14 =	vperm.xlane v8, v5;
	v12 =	vperm.xlane v8, v6;
	v41 =	vld [tilespmem:s14+$0x40];
	v15 =	vpop (erf)  }
0x85: {  	v8 =	vperm.xlane v8, v7;
	v42 =	vld [tilespmem:s14+$0x50];
	v17 =	vperm.xlane v15, v4;
	v9 =	vadd.f32 v9, v16  }
0x86: {  	v44 =	vld [tilespmem:s14+$0x60];
	v19 =	vperm.xlane v15, v5;
	v21 =	vperm.xlane v15, v6;
	[tilespmem:s21+$0xFFFFFFF0] =	vst v15  }
0x87: {  	v30 =	vperm.xlane v15, v7;
	v36 =	vld [tilespmem:s14+$0xFFFFFFC0];
	v29 =	vmul.f32 $2.000000030e-01, v9  }
0x88: {  	v20 =	vpop (erf);
	v8 =	vmul.f32 v10, v8;
	v10 =	vperm.xlane v11, v3;
	v11 =	vld [tilespmem:s19+$0xFFFFFFE0]  }
0x89: {  	v34 =	vld [tilespmem:s14+$0xFFFFFFD0];
	v23 =	vpop (erf);
	v62 =	vperm.xlane v20, v4;
	v63 =	vperm.xlane v20, v5  }
0x8a: {  	v37 =	vld [tilespmem:s14+$0xFFFFFFF0];
	[tilespmem:s21+$0x0] =	vst v20;
	v25 =	vperm.xlane v23, v4;
	v26 =	vperm.xlane v23, v5  }
0x8b: {  	v18 =	vadd.f32 v18, v24;
	[tilespmem:s21+$0xFFFFFFE0] =	vst v23;
	v16 =	vperm.xlane v23, v6;
	v23 =	vperm.xlane v23, v7;
	v39 =	vld [tilespmem:s14+$0x10]  }
0x8c: {  	v13 =	vmul.f32 v41, v13;
	v14 =	vmul.f32 v42, v14;
	v9 =	vmax.f32 v9, v29;
	v15 =	vld [tilespmem:s14+$0xFFFFFFB0]  }
0x8d: {  	v28 =	vld [tilespmem:s14+$0xFFFFFF80];
	v9 =	vmul.f32 $1.442695020e+00, v9;
	v10 =	vadd.f32 v10, v11;
	v11 =	vmul.f32 $2.000000030e-01, v18  }
0x8e: {  	v12 =	vmul.f32 v44, v12;
	v31 =	vld [tilespmem:s14+$0xFFFFFF90];
	v17 =	vmul.f32 v36, v17  }
0x8f: {  	v32 =	vld [tilespmem:s14+$0xFFFFFFA0];
	v19 =	vmul.f32 v34, v19;
	(erf) = vpow2.f32 v9;
	v11 =	vmax.f32 v18, v11  }
0x90: {  	[tilespmem:s14+$0xFFFFFFC0] =	vst v17;
	v17 =	vld [tilespmem:s20+$0xFFFFFFF0];
	v35 =	vmul.f32 $2.000000030e-01, v10;
	v11 =	vmul.f32 $1.442695020e+00, v11  }
0x91: {  	v9 =	vperm.xlane v20, v6;
	v15 =	vmul.f32 v15, v23;
	v23 =	vld [tilespmem:s14+$0x30]  }
0x92: {  	v20 =	vperm.xlane v20, v7;
	v18 =	vld [tilespmem:s14+$0xFFFFFFE0];
	v10 =	vmax.f32 v10, v35;
	(erf) = vpow2.f32 v11  }
0x93: {  	v38 =	vld [tilespmem:s14+$0x0];
	v43 =	vmul.f32 v39, v63;
	v10 =	vmul.f32 $1.442695020e+00, v10  }
0x94: {  	v40 =	vld [tilespmem:s14+$0x20];
	s19 =	simm.s32 $0x50A0;
	v16 =	vmul.f32 v32, v16;
	(erf) = vpow2.f32 v22  }
0x95: {  	[tilespmem:s14+$0xFFFFFFB0] =	vst v15;
	v15 =	vld [tilespmem:s19+$0x10];
	v11 =	vmul.f32 v28, v25;
	(erf) = vpow2.f32 v10  }
0x96: {  	[tilespmem:s14+$0xFFFFFFA0] =	vst v16;
	v17 =	vperm.xlane v17, v3;
	v16 =	vmul.f32 v23, v20;
	v20 =	vld [tilespmem:s20+$0xFFFFFFE0]  }
0x97: {  	[tilespmem:s14+$0xFFFFFFD0] =	vst v19;
	v22 =	vmul.f32 v31, v26;
	v18 =	vmul.f32 v18, v21  }
0x98: {  	s22 =	simm.s32 $0x8060;
	v52 =	vld [tilespmem:s20+$0x0];
	v21 =	vmul.f32 v37, v30;
	[tilespmem:s14+$0xFFFFFF80] =	vst v11;
	v30 =	vperm.xlane v46, v3;
	v45 =	vpop (erf)  }
0x99: {  	s18 =	simm.s32 $0x6180;
	v54 =	vld [tilespmem:s19+$0xFFFFFFF0];
	v26 =	vmul.f32 v40, v9;
	v11 =	vmul.f32 v38, v62;
	[tilespmem:s22+$0x10] =	vst v45  }
0x9a: {  	[tilespmem:s14+$0xFFFFFF90] =	vst v22;
	v9 =	vperm.xlane v45, v4;
	v10 =	vperm.xlane v45, v5;
	v15 =	vadd.f32 v30, v15;
	v22 =	vld [tilespmem:s18+$0x70]  }
0x9b: {  	v19 =	vperm.xlane v45, v7;
	[tilespmem:s14+$0xFFFFFFF0] =	vst v21;
	v21 =	vld [tilespmem:s19+$0x0];
	v20 =	vperm.xlane v20, v3;
	v23 =	vpop (erf)  }
0x9c: {  	[tilespmem:s14+$0x70] =	vst v8;
	v36 =	vld [tilespmem:s19+$0xFFFFFFE0];
	v57 =	vmul.f32 $2.000000030e-01, v15;
	v47 =	vperm.xlane v23, v4  }
0x9d: {  	[tilespmem:s14+$0x0] =	vst v11;
	v48 =	vpop (erf);
	v49 =	vperm.xlane v23, v5;
	v50 =	vperm.xlane v23, v6  }
0x9e: {  	v15 =	vmax.f32 v15, v57;
	v11 =	vperm.xlane v23, v7;
	[tilespmem:s22+$0xFFFFFFF0] =	vst v23;
	v23 =	vperm.xlane v52, v3;
	v51 =	vpop (erf)  }
0x9f: {  	v17 =	vadd.f32 v17, v54;
	v15 =	vmul.f32 $1.442695020e+00, v15;
	v19 =	vmul.f32 v22, v19;
	v61 =	vld [tilespmem:s18+$0xFFFFFFC0];
	[tilespmem:s22+$0xFFFFFFE0] =	vst v51  }
0xa0: {  	[tilespmem:s14+$0x40] =	vst v13;
	v8 =	vperm.xlane v45, v6;
	v58 =	vperm.xlane v48, v4;
	v21 =	vadd.f32 v23, v21;
	v56 =	vld [tilespmem:s18+$0xFFFFFF80]  }
0xa1: {  	(erf) = vpow2.f32 v15;
	[tilespmem:s18+$0x70] =	vst v19;
	v19 =	vadd.f32 v20, v36;
	v20 =	vmul.f32 $2.000000030e-01, v17;
	v37 =	vld [tilespmem:s18+$0xFFFFFF90]  }
0xa2: {  	[tilespmem:s14+$0x30] =	vst v16;
	v53 =	vperm.xlane v51, v4;
	v59 =	vld [tilespmem:s18+$0xFFFFFFA0];
	v16 =	vmul.f32 $2.000000030e-01, v21  }
0xa3: {  	[tilespmem:s14+$0xFFFFFFE0] =	vst v18;
	v18 =	vperm.xlane v51, v5;
	v22 =	vperm.xlane v51, v6;
	v60 =	vld [tilespmem:s18+$0xFFFFFFB0];
	v17 =	vmax.f32 v17, v20  }
0xa4: {  	[tilespmem:s14+$0x50] =	vst v14;
	v62 =	vld [tilespmem:s18+$0xFFFFFFD0];
	v55 =	vperm.xlane v51, v7;
	v17 =	vmul.f32 $1.442695020e+00, v17;
	v16 =	vmax.f32 v21, v16  }
0xa5: {  	v15 =	vld [tilespmem:s18+$0xFFFFFFE0];
	[tilespmem:s22+$0x0] =	vst v48;
	v20 =	vmul.f32 $2.000000030e-01, v19;
	v16 =	vmul.f32 $1.442695020e+00, v16  }
0xa6: {  	[tilespmem:s14+$0x10] =	vst v43;
	v63 =	vld [tilespmem:s18+$0x20];
	(erf) = vpow2.f32 v17;
	v14 =	vmul.f32 v37, v18  }
0xa7: {  	[tilespmem:s14+$0x20] =	vst v26;
	v33 =	vmul.f32 v56, v53;
	v18 =	vmax.f32 v19, v20;
	v19 =	vld [tilespmem:s18+$0x0];
	v20 =	vmul.f32 v59, v22  }
0xa8: {  	v21 =	vld [tilespmem:s18+$0xFFFFFFF0];
	v18 =	vmul.f32 $1.442695020e+00, v18;
	[tilespmem:s18+$0xFFFFFF90] =	vst v14;
	v14 =	vmul.f32 v60, v55  }
0xa9: {  	v22 =	vld [tilespmem:s18+$0x10];
	(erf) = vpow2.f32 v16;
	[tilespmem:s18+$0xFFFFFFA0] =	vst v20;
	v20 =	vmul.f32 v61, v47  }
0xaa: {  	v17 =	vld [tilespmem:s18+$0x30];
	(erf) = vpow2.f32 v18;
	[tilespmem:s18+$0xFFFFFFB0] =	vst v14;
	v14 =	vmul.f32 v62, v49  }
0xab: {  	v38 =	vperm.xlane v48, v5;
	v16 =	vld [tilespmem:s18+$0x40];
	[tilespmem:s18+$0xFFFFFF80] =	vst v33;
	v18 =	vmul.f32 v15, v50  }
0xac: {  	v23 =	vperm.xlane v48, v6;
	[tilespmem:s18+$0xFFFFFFC0] =	vst v20;
	v20 =	vmul.f32 v19, v58;
	v19 =	vld [tilespmem:s18+$0x50]  }
0xad: {  	s8 =	simm.s32 $0x58E0;
	v13 =	vperm.xlane v48, v7;
	v21 =	vmul.f32 v21, v11;
	[tilespmem:s18+$0xFFFFFFE0] =	vst v18  }
0xae: {  	s21 =	simm.s32 $0x80A0;
	s20 =	simm.s32 $0x6180;
	s22 =	simm.s32 $0x8;
	v11 =	vld [tilespmem:s18+$0x60];
	v15 =	vmul.f32 v22, v38;
	v18 =	vmul.f32 v63, v23;
	[tilespmem:s18+$0xFFFFFFD0] =	vst v14;
	v14 =	vpop (erf)  }
.LBB2_5:
0xaf: {  	v22 =	vld [tilespmem:s8+$0x10];
	[tilespmem:s21+$0x10] =	vst v14;
	v23 =	vperm.xlane v14, v4;
	v24 =	vperm.xlane v14, v5;
	s18 =	sadd.s32 $0x100, s18  }
0xb0: {  	s22 =	sadd.s32 $0x4, s22;
	v25 =	vperm.xlane v14, v6;
	v13 =	vmul.f32 v17, v13;
	v26 =	vld [tilespmem:s18+$0x70];
	[tilespmem:s20+$0xFFFFFFF0] =	vst v21  }
0xb1: {  	s19 =	sadd.s32 $0x40, s19;
	p0 =	slt.u32 s22, $0x7C;
	v16 =	vmul.f32 v16, v9;
	v17 =	vld [tilespmem:s8+$0xFFFFFFE0];
	v21 =	vpop (erf);
	[tilespmem:s20+$0x0] =	vst v20;
	v19 =	vmul.f32 v19, v10;
	v9 =	vmov v23  }
0xb2: {  	v10 =	vmov v24;
	v20 =	vld [tilespmem:s19+$0x10];
	[tilespmem:s21+$0xFFFFFFF0] =	vst v21;
	v23 =	vperm.xlane v21, v4;
	v27 =	vperm.xlane v21, v5;
	v28 =	vpop (erf)  }
0xb3: {  	v14 =	vperm.xlane v14, v7;
	v29 =	vperm.xlane v21, v6;
	v24 =	vld [tilespmem:s8+$0xFFFFFFF0];
	[tilespmem:s21+$0x0] =	vst v28;
	v30 =	vpop (erf)  }
0xb4: {  	v31 =	vld [tilespmem:s8+$0x0];
	[tilespmem:s21+$0xFFFFFFE0] =	vst v30;
	v32 =	vperm.xlane v30, v4;
	v33 =	vperm.xlane v30, v5  }
0xb5: {  	v22 =	vperm.xlane v22, v3;
	v34 =	vld [tilespmem:s19+$0xFFFFFFF0];
	v14 =	vmul.f32 v26, v14;
	[tilespmem:s20+$0x10] =	vst v15  }
0xb6: {  	v26 =	vperm.xlane v30, v6;
	v15 =	vperm.xlane v17, v3;
	v17 =	vld [tilespmem:s19+$0x0];
	[tilespmem:s20+$0x20] =	vst v18  }
0xb7: {  	v21 =	vperm.xlane v21, v7;
	v18 =	vld [tilespmem:s19+$0xFFFFFFE0];
	v20 =	vadd.f32 v22, v20;
	v22 =	vperm.xlane v30, v7;
	[tilespmem:s18+$0x70] =	vst v14  }
0xb8: {  	v30 =	vperm.xlane v28, v4;
	v14 =	vperm.xlane v24, v3;
	v24 =	vld [tilespmem:s18+$0xFFFFFF80];
	[tilespmem:s20+$0x30] =	vst v13  }
0xb9: {  	v13 =	vperm.xlane v31, v3;
	v31 =	vmul.f32 $2.000000030e-01, v20;
	v35 =	vld [tilespmem:s18+$0xFFFFFF90];
	[tilespmem:s20+$0x40] =	vst v16  }
0xba: {  	v36 =	vperm.xlane v28, v6;
	v14 =	vadd.f32 v14, v34;
	v16 =	vld [tilespmem:s18+$0xFFFFFFA0];
	v34 =	vperm.xlane v28, v5;
	[tilespmem:s20+$0x50] =	vst v19  }
0xbb: {  	v17 =	vadd.f32 v13, v17;
	v19 =	vmax.f32 v20, v31;
	v20 =	vld [tilespmem:s18+$0xFFFFFFB0];
	v13 =	vperm.xlane v28, v7;
	[tilespmem:s14+$0x60] =	vst v12;
	s14 =	smov.u32 s20;
	s20 =	smov.u32 s18  }
0xbc: {  	v12 =	vadd.f32 v15, v18;
	v15 =	vmul.f32 $2.000000030e-01, v14;
	v18 =	vmul.f32 $1.442695020e+00, v19;
	v19 =	vld [tilespmem:s18+$0xFFFFFFC0]  }
0xbd: {  	v28 =	vmul.f32 $2.000000030e-01, v17;
	v24 =	vmul.f32 v24, v32;
	v31 =	vld [tilespmem:s18+$0xFFFFFFD0]  }
0xbe: {  	v32 =	vmul.f32 $2.000000030e-01, v12;
	v14 =	vmax.f32 v14, v15;
	(erf) = vpow2.f32 v18;
	v15 =	vld [tilespmem:s18+$0xFFFFFFE0]  }
0xbf: {  	v18 =	vmul.f32 v35, v33;
	v14 =	vmul.f32 $1.442695020e+00, v14;
	v17 =	vmax.f32 v17, v28;
	[tilespmem:s18+$0xFFFFFF80] =	vst v24;
	v24 =	vld [tilespmem:s18+$0xFFFFFFF0]  }
0xc0: {  	v16 =	vmul.f32 v16, v26;
	v12 =	vmax.f32 v12, v32;
	v17 =	vmul.f32 $1.442695020e+00, v17;
	v26 =	vld [tilespmem:s18+$0x0]  }
0xc1: {  	v12 =	vmul.f32 $1.442695020e+00, v12;
	(erf) = vpow2.f32 v14;
	[tilespmem:s18+$0xFFFFFF90] =	vst v18;
	v14 =	vld [tilespmem:s18+$0x10]  }
0xc2: {  	(erf) = vpow2.f32 v17;
	[tilespmem:s18+$0xFFFFFFA0] =	vst v16;
	v16 =	vmul.f32 v20, v22;
	v18 =	vld [tilespmem:s18+$0x20]  }
.Ltmp1:
0xc3: {  	(erf) = vpow2.f32 v12;
	v12 =	vmul.f32 v19, v23;
	v17 =	vld [tilespmem:s18+$0x30];
	(pc) =	sbr.rel @p0 .LBB2_5-.Ltmp1, $4  }
0xc4: {  	v22 =	vmul.f32 v31, v27;
	v23 =	vmul.f32 v15, v29;
	[tilespmem:s18+$0xFFFFFFB0] =	vst v16;
	v16 =	vld [tilespmem:s18+$0x40]  }
0xc5: {  	v21 =	vmul.f32 v24, v21;
	[tilespmem:s18+$0xFFFFFFC0] =	vst v12;
	v20 =	vmul.f32 v26, v30;
	v19 =	vld [tilespmem:s18+$0x50]  }
0xc6: {  	v12 =	vmul.f32 v11, v8;
	v8 =	vmov v25;
	[tilespmem:s18+$0xFFFFFFD0] =	vst v22;
	v15 =	vmul.f32 v14, v34;
	v11 =	vld [tilespmem:s18+$0x60]  }
0xc7: {  	s8 =	sadd.s32 $0x40, s8;
	s21 =	sadd.s32 $0x40, s21;
	v14 =	vpop (erf);
	[tilespmem:s18+$0xFFFFFFE0] =	vst v23;
	v18 =	vmul.f32 v18, v36  }
0xc8: {  	[tilespmem:s21+$0x10] =	vst v14  }
0xc9: {  	[tilespmem:s20+$0xFFFFFFF0] =	vst v21  }
0xca: {  	[tilespmem:s20+$0x0] =	vst v20  }
0xcb: {  	[tilespmem:s20+$0x10] =	vst v15;
	v21 =	vpop (erf)  }
0xcc: {  	s8 =	sadd.s32 $0x100, s18;
	[tilespmem:s14+$0x60] =	vst v12;
	v20 =	vpop (erf)  }
0xcd: {  	v13 =	vmul.f32 v17, v13;
	v22 =	vld [tilespmem:s8+$0x70];
	[tilespmem:s20+$0x20] =	vst v18;
	v24 =	vpop (erf)  }
0xce: {  	[tilespmem:s21+$0xFFFFFFE0] =	vst v24  }
0xcf: {  	v9 =	vmul.f32 v16, v9;
	[tilespmem:s20+$0x30] =	vst v13;
	v15 =	vld [tilespmem:s8+$0xFFFFFF80]  }
0xd0: {  	v23 =	vperm.xlane v14, v7;
	[tilespmem:s21+$0xFFFFFFF0] =	vst v21;
	v17 =	vld [tilespmem:s8+$0xFFFFFF90]  }
0xd1: {  	v10 =	vmul.f32 v19, v10;
	[tilespmem:s20+$0x40] =	vst v9;
	v16 =	vld [tilespmem:s8+$0xFFFFFFA0]  }
0xd2: {  	[tilespmem:s21+$0x0] =	vst v20;
	v18 =	vperm.xlane v24, v4;
	v22 =	vmul.f32 v22, v23;
	v13 =	vld [tilespmem:s8+$0xFFFFFFB0]  }
0xd3: {  	v8 =	vmul.f32 v11, v8;
	v9 =	vld [tilespmem:s8+$0xFFFFFFC0];
	[tilespmem:s20+$0x50] =	vst v10;
	v19 =	vperm.xlane v24, v5  }
0xd4: {  	v12 =	vld [tilespmem:s8+$0xFFFFFFE0];
	[tilespmem:s8+$0x70] =	vst v22;
	v22 =	vperm.xlane v24, v6;
	v10 =	vmul.f32 v15, v18  }
0xd5: {  	[tilespmem:s20+$0x60] =	vst v8;
	v15 =	vld [tilespmem:s8+$0xFFFFFFD0];
	v18 =	vperm.xlane v24, v7;
	v17 =	vmul.f32 v17, v19  }
0xd6: {  	v19 =	vperm.xlane v21, v4;
	v16 =	vmul.f32 v16, v22;
	[tilespmem:s8+$0xFFFFFF80] =	vst v10;
	v10 =	vld [tilespmem:s8+$0xFFFFFFF0]  }
0xd7: {  	v23 =	vld [tilespmem:s8+$0x0];
	[tilespmem:s8+$0xFFFFFF90] =	vst v17;
	v13 =	vmul.f32 v13, v18;
	v17 =	vperm.xlane v21, v6  }
0xd8: {  	v22 =	vperm.xlane v21, v5;
	v18 =	vld [tilespmem:s8+$0x10];
	[tilespmem:s8+$0xFFFFFFA0] =	vst v16;
	v9 =	vmul.f32 v9, v19  }
0xd9: {  	v16 =	vperm.xlane v21, v7;
	v21 =	vld [tilespmem:s8+$0x30];
	[tilespmem:s8+$0xFFFFFFB0] =	vst v13;
	v12 =	vmul.f32 v12, v17  }
0xda: {  	v19 =	vld [tilespmem:s8+$0x20];
	[tilespmem:s8+$0xFFFFFFC0] =	vst v9;
	v13 =	vmul.f32 v15, v22;
	v15 =	vperm.xlane v20, v4  }
0xdb: {  	v9 =	vperm.xlane v20, v5;
	v17 =	vld [tilespmem:s8+$0x40];
	[tilespmem:s8+$0xFFFFFFE0] =	vst v12;
	v10 =	vmul.f32 v10, v16  }
0xdc: {  	v12 =	vperm.xlane v20, v7;
	[tilespmem:s8+$0xFFFFFFD0] =	vst v13;
	v15 =	vmul.f32 v23, v15;
	v16 =	vld [tilespmem:s8+$0x50]  }
0xdd: {  	v13 =	vperm.xlane v20, v6;
	v9 =	vmul.f32 v18, v9;
	v18 =	vld [tilespmem:s8+$0x60];
	[tilespmem:s8+$0xFFFFFFF0] =	vst v10  }
0xde: {  	v12 =	vmul.f32 v21, v12;
	v10 =	vperm.xlane v14, v4;
	[tilespmem:s8+$0x0] =	vst v15  }
0xdf: {  	v13 =	vmul.f32 v19, v13;
	v15 =	vperm.xlane v14, v5;
	[tilespmem:s8+$0x10] =	vst v9  }
0xe0: {  	[tilespmem:s8+$0x30] =	vst v12;
	v9 =	vmul.f32 v17, v10;
	v10 =	vperm.xlane v14, v6  }
0xe1: {  	[tilespmem:s8+$0x20] =	vst v13;
	v13 =	vmul.f32 v16, v15  }
0xe2: {  	s18 =	sshll.u32 s0, $0x8;
	[tilespmem:s8+$0x40] =	vst v9;
	v9 =	vmul.f32 v18, v10  }
0xe3: {  	s14 =	sand.u32 $0x3FFFFF00, s18;
	[tilespmem:s8+$0x50] =	vst v13  }
0xe4: {  	s19 =	sadd.s32 $0x2800, s14;
	[tilespmem:s8+$0x60] =	vst v9  }
0xe5: {  	[spmem:s2] =	stream.indirect.scatter.add.f32 [tilespmem:s15], [sflag:$0x3], $0x10, s19, s13, $0xb8;
	[tilespmem:$0x18800] =	vst v63  }
0xe6: {  	_ =	swait.ge [sflag:s16], $0x800  }
0xe7: {  	[sflag:s16] =	ssyncset.done $0x0  }
0xe8: {  	[sflag:s16] =	ssyncadd.s32 $0xFFFFF800  }
0xe9: {  	[spmem:s3] =	stream.indirect.scatter.add.f32 [tilespmem:s17], [sflag:$0x3], $0x40, s19, s13, $0xb8;
	[tilespmem:$0x18800] =	vst v63  }
0xea: {  	p0 =	seq.s32 s0, $0x27;
	_ =	swait.ge [sflag:s16], $0x2000  }
0xeb: {  	s18 =	simm.s32 @!p0 $0x80;
	s8 =	sshll.u32 @!p0 s0, $0x8;
	[sflag:s16] =	ssyncset.done $0x0  }
0xec: {  	s14 =	sadd.s32 @!p0 $0x100, s8;
	s19 =	simm.s32 @!p0 $0x5000;
	[sflag:s16] =	ssyncadd.s32 $0xFFFFE000  }
0xed: {  	[tilespmem:s19], [sflag:$0x1] =	stream.indirect.gather @!p0 [hbm4b:s5+s18], $0x10, s14, s18, $0xb8;
	[tilespmem:$0x18800] =	vst v63  }
0xee: {  	s8 =	sadd.s32 @!p0 $0x2900, s8;
	s19 =	simm.s32 @!p0 $0x5800  }
0xef: {  	[tilespmem:s19], [sflag:$0x1] =	stream.indirect.gather @!p0 [hbm4b:s5+s18], $0x10, s8, s18, $0xb8;
	[tilespmem:$0x18800] =	vst v63  }
0xf0: {  	s8 =	simm.s32 @!p0 $0x6000  }
0xf1: {  	[tilespmem:s8], [sflag:$0x1] =	stream.indirect.gather @!p0 [hbm4b:s6+s18], $0x40, s14, s18, $0xb8;
	[tilespmem:$0x18800] =	vst v63  }
0xf2: {  	_ =	swait.ge [sflag:s1], $0x800  }
0xf3: {  	[sflag:s1] =	ssyncset.done $0x0  }
0xf4: {  	[sflag:s1] =	ssyncadd.s32 $0xFFFFF800  }
0xf5: {  	_ =	swait.ge [sflag:s1], $0x800  }
0xf6: {  	[sflag:s1] =	ssyncset.done $0x0  }
0xf7: {  	[sflag:s1] =	ssyncadd.s32 $0xFFFFF800  }
0xf8: {  	_ =	swait.ge [sflag:s1], $0x2000  }
0xf9: {  	[sflag:s1] =	ssyncset.done $0x0  }
0xfa: {  	s20 =	simm.s32 $0x9020;
	[sflag:s1] =	ssyncadd.s32 $0xFFFFE000  }
0xfb: {  	v8 =	vld [tilespmem:s20+$0x10]  }
0xfc: {  	s21 =	simm.s32 $0x8820  }
0xfd: {  	v9 =	vld [tilespmem:s21+$0x10]  }
0xfe: {  	v10 =	vld [tilespmem:s20+$0xFFFFFFF0]  }
0xff: {  	v11 =	vld [tilespmem:s20+$0x0]  }
0x100: {  	v12 =	vld [tilespmem:s21+$0xFFFFFFF0];
	v8 =	vperm.xlane v8, v3  }
0x101: {  	v13 =	vld [tilespmem:s20+$0xFFFFFFE0]  }
0x102: {  	v8 =	vadd.f32 v8, v9;
	v9 =	vld [tilespmem:s21+$0x0]  }
0x103: {  	v14 =	vld [tilespmem:s21+$0xFFFFFFE0];
	v10 =	vperm.xlane v10, v3  }
0x104: {  	v15 =	vmul.f32 $2.000000030e-01, v8  }
0x105: {  	s19 =	simm.s32 $0x9060;
	v11 =	vperm.xlane v11, v3;
	v10 =	vadd.f32 v10, v12  }
0x106: {  	v22 =	vld [tilespmem:s19+$0x0];
	v12 =	vperm.xlane v13, v3;
	v8 =	vmax.f32 v8, v15  }
0x107: {  	v8 =	vmul.f32 $1.442695020e+00, v8;
	v9 =	vadd.f32 v11, v9;
	v11 =	vmul.f32 $2.000000030e-01, v10  }
0x108: {  	s20 =	simm.s32 $0x8860;
	v12 =	vadd.f32 v12, v14  }
0x109: {  	v27 =	vld [tilespmem:s20+$0x0];
	(erf) = vpow2.f32 v8;
	v8 =	vmul.f32 $2.000000030e-01, v9;
	v10 =	vmax.f32 v10, v11  }
0x10a: {  	v11 =	vmul.f32 $2.000000030e-01, v12;
	v10 =	vmul.f32 $1.442695020e+00, v10  }
0x10b: {  	v22 =	vperm.xlane v22, v3;
	v8 =	vmax.f32 v9, v8  }
0x10c: {  	v9 =	vmax.f32 v12, v11;
	v8 =	vmul.f32 $1.442695020e+00, v8;
	(erf) = vpow2.f32 v10  }
0x10d: {  	v9 =	vmul.f32 $1.442695020e+00, v9  }
0x10e: {  	v18 =	vld [tilespmem:s19+$0xFFFFFFF0];
	v22 =	vadd.f32 v22, v27;
	(erf) = vpow2.f32 v8  }
0x10f: {  	(erf) = vpow2.f32 v9;
	v9 =	vld [tilespmem:s19+$0x10]  }
0x110: {  	v16 =	vld [tilespmem:s20+$0x10];
	v33 =	vmul.f32 $2.000000030e-01, v22  }
0x111: {  	v61 =	vld [tilespmem:s20+$0xFFFFFFF0];
	s21 =	simm.s32 $0x90A0  }
0x112: {  	s22 =	simm.s32 $0xB820;
	v46 =	vld [tilespmem:s21+$0x10];
	v22 =	vmax.f32 v22, v33;
	v8 =	vpop (erf)  }
0x113: {  	s14 =	simm.s32 $0x9880;
	v18 =	vperm.xlane v18, v3;
	v22 =	vmul.f32 $1.442695020e+00, v22;
	v11 =	vld [tilespmem:s19+$0xFFFFFFE0];
	[tilespmem:s22+$0x10] =	vst v8  }
0x114: {  	v13 =	vperm.xlane v8, v4;
	v10 =	vld [tilespmem:s14+$0x70];
	v9 =	vperm.xlane v9, v3  }
0x115: {  	v14 =	vperm.xlane v8, v5;
	v12 =	vperm.xlane v8, v6;
	v41 =	vld [tilespmem:s14+$0x40];
	v15 =	vpop (erf)  }
0x116: {  	v8 =	vperm.xlane v8, v7;
	v42 =	vld [tilespmem:s14+$0x50];
	v17 =	vperm.xlane v15, v4;
	v9 =	vadd.f32 v9, v16  }
0x117: {  	v44 =	vld [tilespmem:s14+$0x60];
	v19 =	vperm.xlane v15, v5;
	v21 =	vperm.xlane v15, v6;
	[tilespmem:s22+$0xFFFFFFF0] =	vst v15  }
0x118: {  	v30 =	vperm.xlane v15, v7;
	v36 =	vld [tilespmem:s14+$0xFFFFFFC0];
	v29 =	vmul.f32 $2.000000030e-01, v9  }
0x119: {  	v20 =	vpop (erf);
	v8 =	vmul.f32 v10, v8;
	v10 =	vperm.xlane v11, v3;
	v11 =	vld [tilespmem:s20+$0xFFFFFFE0]  }
0x11a: {  	v34 =	vld [tilespmem:s14+$0xFFFFFFD0];
	v23 =	vpop (erf);
	v62 =	vperm.xlane v20, v4;
	v63 =	vperm.xlane v20, v5  }
0x11b: {  	v37 =	vld [tilespmem:s14+$0xFFFFFFF0];
	[tilespmem:s22+$0x0] =	vst v20;
	v25 =	vperm.xlane v23, v4;
	v26 =	vperm.xlane v23, v5  }
0x11c: {  	v18 =	vadd.f32 v18, v61;
	[tilespmem:s22+$0xFFFFFFE0] =	vst v23;
	v16 =	vperm.xlane v23, v6;
	v23 =	vperm.xlane v23, v7;
	v39 =	vld [tilespmem:s14+$0x10]  }
0x11d: {  	v13 =	vmul.f32 v41, v13;
	v14 =	vmul.f32 v42, v14;
	v9 =	vmax.f32 v9, v29;
	v15 =	vld [tilespmem:s14+$0xFFFFFFB0]  }
0x11e: {  	v28 =	vld [tilespmem:s14+$0xFFFFFF80];
	v9 =	vmul.f32 $1.442695020e+00, v9;
	v10 =	vadd.f32 v10, v11;
	v11 =	vmul.f32 $2.000000030e-01, v18  }
0x11f: {  	v12 =	vmul.f32 v44, v12;
	v31 =	vld [tilespmem:s14+$0xFFFFFF90];
	v17 =	vmul.f32 v36, v17  }
0x120: {  	v32 =	vld [tilespmem:s14+$0xFFFFFFA0];
	v19 =	vmul.f32 v34, v19;
	(erf) = vpow2.f32 v9;
	v11 =	vmax.f32 v18, v11  }
0x121: {  	[tilespmem:s14+$0xFFFFFFC0] =	vst v17;
	v17 =	vld [tilespmem:s21+$0xFFFFFFF0];
	v35 =	vmul.f32 $2.000000030e-01, v10;
	v11 =	vmul.f32 $1.442695020e+00, v11  }
0x122: {  	v9 =	vperm.xlane v20, v6;
	v15 =	vmul.f32 v15, v23;
	v23 =	vld [tilespmem:s14+$0x30]  }
0x123: {  	v20 =	vperm.xlane v20, v7;
	v18 =	vld [tilespmem:s14+$0xFFFFFFE0];
	v10 =	vmax.f32 v10, v35;
	(erf) = vpow2.f32 v11  }
0x124: {  	v38 =	vld [tilespmem:s14+$0x0];
	v43 =	vmul.f32 v39, v63;
	v10 =	vmul.f32 $1.442695020e+00, v10  }
0x125: {  	s19 =	simm.s32 $0x88A0;
	v40 =	vld [tilespmem:s14+$0x20];
	v16 =	vmul.f32 v32, v16;
	(erf) = vpow2.f32 v22  }
0x126: {  	[tilespmem:s14+$0xFFFFFFB0] =	vst v15;
	v15 =	vld [tilespmem:s19+$0x10];
	v11 =	vmul.f32 v28, v25;
	(erf) = vpow2.f32 v10  }
0x127: {  	[tilespmem:s14+$0xFFFFFFA0] =	vst v16;
	v17 =	vperm.xlane v17, v3;
	v16 =	vmul.f32 v23, v20;
	v20 =	vld [tilespmem:s21+$0xFFFFFFE0]  }
0x128: {  	[tilespmem:s14+$0xFFFFFFD0] =	vst v19;
	v22 =	vmul.f32 v31, v26;
	v18 =	vmul.f32 v18, v21  }
0x129: {  	v52 =	vld [tilespmem:s21+$0x0];
	s22 =	simm.s32 $0xB860;
	v21 =	vmul.f32 v37, v30;
	[tilespmem:s14+$0xFFFFFF80] =	vst v11;
	v30 =	vperm.xlane v46, v3;
	v45 =	vpop (erf)  }
0x12a: {  	s18 =	simm.s32 $0x9980;
	v54 =	vld [tilespmem:s19+$0xFFFFFFF0];
	v26 =	vmul.f32 v40, v9;
	v11 =	vmul.f32 v38, v62;
	[tilespmem:s22+$0x10] =	vst v45  }
0x12b: {  	[tilespmem:s14+$0xFFFFFF90] =	vst v22;
	v9 =	vperm.xlane v45, v4;
	v10 =	vperm.xlane v45, v5;
	v15 =	vadd.f32 v30, v15;
	v22 =	vld [tilespmem:s18+$0x70]  }
0x12c: {  	v19 =	vperm.xlane v45, v7;
	[tilespmem:s14+$0xFFFFFFF0] =	vst v21;
	v21 =	vld [tilespmem:s19+$0x0];
	v20 =	vperm.xlane v20, v3;
	v23 =	vpop (erf)  }
0x12d: {  	[tilespmem:s14+$0x70] =	vst v8;
	v36 =	vld [tilespmem:s19+$0xFFFFFFE0];
	v57 =	vmul.f32 $2.000000030e-01, v15;
	v47 =	vperm.xlane v23, v4  }
0x12e: {  	[tilespmem:s14+$0x0] =	vst v11;
	v48 =	vpop (erf);
	v49 =	vperm.xlane v23, v5;
	v50 =	vperm.xlane v23, v6  }
0x12f: {  	v15 =	vmax.f32 v15, v57;
	v11 =	vperm.xlane v23, v7;
	[tilespmem:s22+$0xFFFFFFF0] =	vst v23;
	v23 =	vperm.xlane v52, v3;
	v51 =	vpop (erf)  }
0x130: {  	v17 =	vadd.f32 v17, v54;
	v15 =	vmul.f32 $1.442695020e+00, v15;
	v19 =	vmul.f32 v22, v19;
	v61 =	vld [tilespmem:s18+$0xFFFFFFC0];
	[tilespmem:s22+$0xFFFFFFE0] =	vst v51  }
0x131: {  	[tilespmem:s14+$0x40] =	vst v13;
	v8 =	vperm.xlane v45, v6;
	v58 =	vperm.xlane v48, v4;
	v21 =	vadd.f32 v23, v21;
	v56 =	vld [tilespmem:s18+$0xFFFFFF80]  }
0x132: {  	(erf) = vpow2.f32 v15;
	[tilespmem:s18+$0x70] =	vst v19;
	v19 =	vadd.f32 v20, v36;
	v20 =	vmul.f32 $2.000000030e-01, v17;
	v37 =	vld [tilespmem:s18+$0xFFFFFF90]  }
0x133: {  	[tilespmem:s14+$0x30] =	vst v16;
	v53 =	vperm.xlane v51, v4;
	v59 =	vld [tilespmem:s18+$0xFFFFFFA0];
	v16 =	vmul.f32 $2.000000030e-01, v21  }
0x134: {  	[tilespmem:s14+$0xFFFFFFE0] =	vst v18;
	v18 =	vperm.xlane v51, v5;
	v22 =	vperm.xlane v51, v6;
	v60 =	vld [tilespmem:s18+$0xFFFFFFB0];
	v17 =	vmax.f32 v17, v20  }
0x135: {  	[tilespmem:s14+$0x50] =	vst v14;
	v62 =	vld [tilespmem:s18+$0xFFFFFFD0];
	v55 =	vperm.xlane v51, v7;
	v17 =	vmul.f32 $1.442695020e+00, v17;
	v16 =	vmax.f32 v21, v16  }
0x136: {  	v15 =	vld [tilespmem:s18+$0xFFFFFFE0];
	[tilespmem:s22+$0x0] =	vst v48;
	v20 =	vmul.f32 $2.000000030e-01, v19;
	v16 =	vmul.f32 $1.442695020e+00, v16  }
0x137: {  	[tilespmem:s14+$0x10] =	vst v43;
	v63 =	vld [tilespmem:s18+$0x20];
	(erf) = vpow2.f32 v17;
	v14 =	vmul.f32 v37, v18  }
0x138: {  	[tilespmem:s14+$0x20] =	vst v26;
	v33 =	vmul.f32 v56, v53;
	v18 =	vmax.f32 v19, v20;
	v19 =	vld [tilespmem:s18+$0x0];
	v20 =	vmul.f32 v59, v22  }
0x139: {  	v21 =	vld [tilespmem:s18+$0xFFFFFFF0];
	v18 =	vmul.f32 $1.442695020e+00, v18;
	[tilespmem:s18+$0xFFFFFF90] =	vst v14;
	v14 =	vmul.f32 v60, v55  }
0x13a: {  	v22 =	vld [tilespmem:s18+$0x10];
	(erf) = vpow2.f32 v16;
	[tilespmem:s18+$0xFFFFFFA0] =	vst v20;
	v20 =	vmul.f32 v61, v47  }
0x13b: {  	v17 =	vld [tilespmem:s18+$0x30];
	(erf) = vpow2.f32 v18;
	[tilespmem:s18+$0xFFFFFFB0] =	vst v14;
	v14 =	vmul.f32 v62, v49  }
0x13c: {  	v38 =	vperm.xlane v48, v5;
	v16 =	vld [tilespmem:s18+$0x40];
	[tilespmem:s18+$0xFFFFFF80] =	vst v33;
	v18 =	vmul.f32 v15, v50  }
0x13d: {  	v23 =	vperm.xlane v48, v6;
	[tilespmem:s18+$0xFFFFFFC0] =	vst v20;
	v20 =	vmul.f32 v19, v58;
	v19 =	vld [tilespmem:s18+$0x50]  }
0x13e: {  	s8 =	simm.s32 $0x90E0;
	v13 =	vperm.xlane v48, v7;
	v21 =	vmul.f32 v21, v11;
	[tilespmem:s18+$0xFFFFFFE0] =	vst v18  }
0x13f: {  	s20 =	simm.s32 $0x9980;
	s21 =	simm.s32 $0xB8A0;
	s22 =	simm.s32 $0x8;
	v11 =	vld [tilespmem:s18+$0x60];
	v15 =	vmul.f32 v22, v38;
	v18 =	vmul.f32 v63, v23;
	[tilespmem:s18+$0xFFFFFFD0] =	vst v14;
	v14 =	vpop (erf)  }
.LBB2_7:
0x140: {  	v22 =	vld [tilespmem:s8+$0x10];
	[tilespmem:s21+$0x10] =	vst v14;
	v23 =	vperm.xlane v14, v4;
	v24 =	vperm.xlane v14, v5;
	s18 =	sadd.s32 $0x100, s18  }
0x141: {  	s22 =	sadd.s32 $0x4, s22;
	v25 =	vperm.xlane v14, v6;
	v13 =	vmul.f32 v17, v13;
	v26 =	vld [tilespmem:s18+$0x70];
	[tilespmem:s20+$0xFFFFFFF0] =	vst v21  }
0x142: {  	s19 =	sadd.s32 $0x40, s19;
	p0 =	slt.u32 s22, $0x7C;
	v16 =	vmul.f32 v16, v9;
	v17 =	vld [tilespmem:s8+$0xFFFFFFE0];
	v21 =	vpop (erf);
	[tilespmem:s20+$0x0] =	vst v20;
	v19 =	vmul.f32 v19, v10;
	v9 =	vmov v23  }
0x143: {  	v10 =	vmov v24;
	v20 =	vld [tilespmem:s19+$0x10];
	[tilespmem:s21+$0xFFFFFFF0] =	vst v21;
	v23 =	vperm.xlane v21, v4;
	v27 =	vperm.xlane v21, v5;
	v28 =	vpop (erf)  }
0x144: {  	v14 =	vperm.xlane v14, v7;
	v29 =	vperm.xlane v21, v6;
	v24 =	vld [tilespmem:s8+$0xFFFFFFF0];
	[tilespmem:s21+$0x0] =	vst v28;
	v30 =	vpop (erf)  }
0x145: {  	v31 =	vld [tilespmem:s8+$0x0];
	[tilespmem:s21+$0xFFFFFFE0] =	vst v30;
	v32 =	vperm.xlane v30, v4;
	v33 =	vperm.xlane v30, v5  }
0x146: {  	v22 =	vperm.xlane v22, v3;
	v34 =	vld [tilespmem:s19+$0xFFFFFFF0];
	v14 =	vmul.f32 v26, v14;
	[tilespmem:s20+$0x10] =	vst v15  }
0x147: {  	v26 =	vperm.xlane v30, v6;
	v15 =	vperm.xlane v17, v3;
	v17 =	vld [tilespmem:s19+$0x0];
	[tilespmem:s20+$0x20] =	vst v18  }
0x148: {  	v21 =	vperm.xlane v21, v7;
	v18 =	vld [tilespmem:s19+$0xFFFFFFE0];
	v20 =	vadd.f32 v22, v20;
	v22 =	vperm.xlane v30, v7;
	[tilespmem:s18+$0x70] =	vst v14  }
0x149: {  	v30 =	vperm.xlane v28, v4;
	v14 =	vperm.xlane v24, v3;
	v24 =	vld [tilespmem:s18+$0xFFFFFF80];
	[tilespmem:s20+$0x30] =	vst v13  }
0x14a: {  	v13 =	vperm.xlane v31, v3;
	v31 =	vmul.f32 $2.000000030e-01, v20;
	v35 =	vld [tilespmem:s18+$0xFFFFFF90];
	[tilespmem:s20+$0x40] =	vst v16  }
0x14b: {  	v36 =	vperm.xlane v28, v6;
	v14 =	vadd.f32 v14, v34;
	v16 =	vld [tilespmem:s18+$0xFFFFFFA0];
	v34 =	vperm.xlane v28, v5;
	[tilespmem:s20+$0x50] =	vst v19  }
0x14c: {  	v17 =	vadd.f32 v13, v17;
	v19 =	vmax.f32 v20, v31;
	v20 =	vld [tilespmem:s18+$0xFFFFFFB0];
	v13 =	vperm.xlane v28, v7;
	[tilespmem:s14+$0x60] =	vst v12;
	s14 =	smov.u32 s20;
	s20 =	smov.u32 s18  }
0x14d: {  	v12 =	vadd.f32 v15, v18;
	v15 =	vmul.f32 $2.000000030e-01, v14;
	v18 =	vmul.f32 $1.442695020e+00, v19;
	v19 =	vld [tilespmem:s18+$0xFFFFFFC0]  }
0x14e: {  	v28 =	vmul.f32 $2.000000030e-01, v17;
	v24 =	vmul.f32 v24, v32;
	v31 =	vld [tilespmem:s18+$0xFFFFFFD0]  }
0x14f: {  	v32 =	vmul.f32 $2.000000030e-01, v12;
	v14 =	vmax.f32 v14, v15;
	(erf) = vpow2.f32 v18;
	v15 =	vld [tilespmem:s18+$0xFFFFFFE0]  }
0x150: {  	v18 =	vmul.f32 v35, v33;
	v14 =	vmul.f32 $1.442695020e+00, v14;
	v17 =	vmax.f32 v17, v28;
	[tilespmem:s18+$0xFFFFFF80] =	vst v24;
	v24 =	vld [tilespmem:s18+$0xFFFFFFF0]  }
0x151: {  	v16 =	vmul.f32 v16, v26;
	v12 =	vmax.f32 v12, v32;
	v17 =	vmul.f32 $1.442695020e+00, v17;
	v26 =	vld [tilespmem:s18+$0x0]  }
0x152: {  	v12 =	vmul.f32 $1.442695020e+00, v12;
	(erf) = vpow2.f32 v14;
	[tilespmem:s18+$0xFFFFFF90] =	vst v18;
	v14 =	vld [tilespmem:s18+$0x10]  }
0x153: {  	(erf) = vpow2.f32 v17;
	[tilespmem:s18+$0xFFFFFFA0] =	vst v16;
	v16 =	vmul.f32 v20, v22;
	v18 =	vld [tilespmem:s18+$0x20]  }
.Ltmp2:
0x154: {  	(erf) = vpow2.f32 v12;
	v12 =	vmul.f32 v19, v23;
	v17 =	vld [tilespmem:s18+$0x30];
	(pc) =	sbr.rel @p0 .LBB2_7-.Ltmp2, $4  }
0x155: {  	v22 =	vmul.f32 v31, v27;
	v23 =	vmul.f32 v15, v29;
	[tilespmem:s18+$0xFFFFFFB0] =	vst v16;
	v16 =	vld [tilespmem:s18+$0x40]  }
0x156: {  	v21 =	vmul.f32 v24, v21;
	[tilespmem:s18+$0xFFFFFFC0] =	vst v12;
	v20 =	vmul.f32 v26, v30;
	v19 =	vld [tilespmem:s18+$0x50]  }
0x157: {  	v12 =	vmul.f32 v11, v8;
	v8 =	vmov v25;
	[tilespmem:s18+$0xFFFFFFD0] =	vst v22;
	v15 =	vmul.f32 v14, v34;
	v11 =	vld [tilespmem:s18+$0x60]  }
0x158: {  	s8 =	sadd.s32 $0x40, s8;
	s21 =	sadd.s32 $0x40, s21;
	v14 =	vpop (erf);
	[tilespmem:s18+$0xFFFFFFE0] =	vst v23;
	v18 =	vmul.f32 v18, v36  }
0x159: {  	[tilespmem:s21+$0x10] =	vst v14  }
0x15a: {  	[tilespmem:s20+$0xFFFFFFF0] =	vst v21  }
0x15b: {  	[tilespmem:s20+$0x0] =	vst v20  }
0x15c: {  	[tilespmem:s20+$0x10] =	vst v15  }
0x15d: {  	v13 =	vmul.f32 v17, v13;
	[tilespmem:s14+$0x60] =	vst v12  }
0x15e: {  	s8 =	sadd.s32 $0x100, s18;
	[tilespmem:s20+$0x20] =	vst v18  }
0x15f: {  	v22 =	vld [tilespmem:s8+$0x70];
	v9 =	vmul.f32 v16, v9;
	v63 =	vpop (erf);
	[tilespmem:s20+$0x30] =	vst v13  }
0x160: {  	v53 =	vld [tilespmem:s8+$0x40];
	[tilespmem:s21+$0xFFFFFFF0] =	vst v63  }
0x161: {  	v23 =	vperm.xlane v14, v7;
	v55 =	vld [tilespmem:s8+$0x50];
	v10 =	vmul.f32 v19, v10;
	v28 =	vpop (erf);
	[tilespmem:s20+$0x40] =	vst v9  }
0x162: {  	v57 =	vperm.xlane v14, v4;
	v59 =	vperm.xlane v14, v5;
	v58 =	vld [tilespmem:s8+$0x60];
	[tilespmem:s21+$0x0] =	vst v28  }
0x163: {  	v61 =	vperm.xlane v14, v6;
	v8 =	vmul.f32 v11, v8;
	v24 =	vpop (erf);
	v35 =	vld [tilespmem:s8+$0xFFFFFFC0];
	[tilespmem:s20+$0x50] =	vst v10  }
0x164: {  	v41 =	vperm.xlane v63, v4;
	v38 =	vld [tilespmem:s8+$0xFFFFFFD0];
	[tilespmem:s21+$0xFFFFFFE0] =	vst v24;
	v22 =	vmul.f32 v22, v23  }
0x165: {  	v43 =	vperm.xlane v63, v5;
	v40 =	vld [tilespmem:s8+$0xFFFFFFE0];
	[tilespmem:s20+$0x60] =	vst v8;
	v60 =	vmul.f32 v53, v57  }
0x166: {  	v45 =	vperm.xlane v63, v6;
	v42 =	vld [tilespmem:s8+$0xFFFFFFF0];
	v62 =	vmul.f32 v55, v59;
	[tilespmem:s8+$0x70] =	vst v22  }
0x167: {  	v47 =	vperm.xlane v63, v7;
	v44 =	vld [tilespmem:s8+$0x0];
	v63 =	vmul.f32 v58, v61;
	[tilespmem:s8+$0x40] =	vst v60  }
0x168: {  	v29 =	vld [tilespmem:s8+$0xFFFFFF80];
	[tilespmem:s8+$0x50] =	vst v62;
	v9 =	vmul.f32 v35, v41  }
0x169: {  	v30 =	vld [tilespmem:s8+$0xFFFFFF90];
	[tilespmem:s8+$0x60] =	vst v63;
	v49 =	vmul.f32 v38, v43  }
0x16a: {  	v50 =	vperm.xlane v28, v4;
	v31 =	vld [tilespmem:s8+$0xFFFFFFA0];
	v12 =	vmul.f32 v40, v45;
	[tilespmem:s8+$0xFFFFFFC0] =	vst v9  }
0x16b: {  	v32 =	vperm.xlane v24, v4;
	v33 =	vld [tilespmem:s8+$0xFFFFFFB0];
	v10 =	vmul.f32 v42, v47;
	[tilespmem:s8+$0xFFFFFFD0] =	vst v49  }
0x16c: {  	v34 =	vperm.xlane v24, v5;
	v46 =	vld [tilespmem:s8+$0x10];
	v15 =	vmul.f32 v44, v50;
	[tilespmem:s8+$0xFFFFFFE0] =	vst v12  }
0x16d: {  	v36 =	vperm.xlane v24, v6;
	v51 =	vld [tilespmem:s8+$0x30];
	v37 =	vmul.f32 v29, v32;
	[tilespmem:s8+$0xFFFFFFF0] =	vst v10  }
0x16e: {  	v39 =	vperm.xlane v24, v7;
	v48 =	vld [tilespmem:s8+$0x20];
	v17 =	vmul.f32 v30, v34;
	[tilespmem:s8+$0x0] =	vst v15  }
0x16f: {  	v52 =	vperm.xlane v28, v5;
	v16 =	vmul.f32 v31, v36;
	[tilespmem:s8+$0xFFFFFF80] =	vst v37  }
0x170: {  	v56 =	vperm.xlane v28, v7;
	v13 =	vmul.f32 v33, v39;
	[tilespmem:s8+$0xFFFFFF90] =	vst v17  }
0x171: {  	v54 =	vperm.xlane v28, v6;
	v9 =	vmul.f32 v46, v52;
	[tilespmem:s8+$0xFFFFFFA0] =	vst v16  }
0x172: {  	v12 =	vmul.f32 v51, v56;
	[tilespmem:s8+$0xFFFFFFB0] =	vst v13  }
0x173: {  	v13 =	vmul.f32 v48, v54;
	[tilespmem:s8+$0x10] =	vst v9  }
0x174: {  	s4 =	sand.u32 $0x3FFFFF80, s4;
	[tilespmem:s8+$0x30] =	vst v12  }
0x175: {  	s4 =	sadd.s32 $0x2800, s4;
	[tilespmem:s8+$0x20] =	vst v13  }
0x176: {  	[spmem:s2] =	stream.indirect.scatter.add.f32 [tilespmem:s24], [sflag:$0x3], $0x10, s4, s13, $0xb8;
	[tilespmem:$0x18800] =	vst v63  }
0x177: {  	s0 =	sadd.s32 $0x1, s0;
	_ =	swait.ge [sflag:s16], $0x800  }
0x178: {  	p0 =	sne.s32 s0, $0x28;
	[sflag:s16] =	ssyncset.done $0x0  }
.Ltmp3:
0x179: {  	[sflag:s16] =	ssyncadd.s32 $0xFFFFF800;
	(pc) =	sbr.rel @p0 .LBB2_4-.Ltmp3, $4  }
0x17a: {  	[spmem:s3] =	stream.indirect.scatter.add.f32 [tilespmem:s30], [sflag:$0x3], $0x40, s4, s13, $0xb8;
	[tilespmem:$0x18800] =	vst v63  }
0x17b: {  	_ =	swait.ge [sflag:s16], $0x2000  }
0x17c: {  	[sflag:s16] =	ssyncset.done $0x0  }
0x17d: {  	[sflag:s16] =	ssyncadd.s32 $0xFFFFE000  }
0x17e: {  	s0 =	stileid.u32  }
0x17f: {  	s0 =	sshll.u32 s0, $0x6  }
0x180: {  	[bflag:$0x0] =	sbarrier.arrive $0xFFFF;
	s0 =	sor.u32 $0x1C03, s0  }
0x181: {  	[hbm:s10], [sflag:s0] =	dma.local [spmem:s23], $0x13C0  }
0x182: {  	s26 =	sadd.s32 $0x1, s26;
	_ =	swait.ge [sflag:s16], $0x13C0  }
0x183: {  	p0 =	sne.s32 s26, s12;
	[sflag:s16] =	ssyncset.done $0x0  }
.Ltmp4:
0x184: {  	[sflag:s16] =	ssyncadd.s32 $0xFFFFEC40;
	(pc) =	sbr.rel @p0 .LBB2_1-.Ltmp4, $4  }
0x185: {  	[hbm:s11], [sflag:s0] =	dma.local [spmem:s25], $0x4F0  }
0x186: {  	_ =	swait.ge [sflag:s16], $0x4F0  }
0x187: {  	[sflag:s16] =	ssyncset.done $0x0  }
0x188: {  	[sflag:s16] =	ssyncadd.s32 $0xFFFFFB10  }
0x189: {  	_ =	sfence.sel $0x180000  }
0x18a: {  	[bflag:$0x0] =	sbarrier.arrive $0xFFFF  }
0x18b: {  	_ =	strace $0x90000047  }
0x18c: {  	s0 =	stileid.u32;
	[bflag:$0x2] =	sbarrier.arrive $0xFFFF  }
0x18d: {  	p0 =	sne.s32 s0, $0x0;
	s0 =	rddreg [dreg:$0x3]  }
0x18e: {  	s0 =	sadd.s32 @!p0 $0x100000, s0  }
0x18f: {  	[sflag:s0] =	ssyncadd.tile.s32 @!p0 $0x1;
	_ =	shalt  }
.Lfunc_end2:
_tile_overlayer_lowered:
.L_overlay_start_2:
0x190: {  	(tag) =	ssettag $0x2  }
0x191: {  	s0 =	rddreg [dreg:$0x0];
	s2 =	stileid.u32  }
0x192: {  	s1 =	rddreg [dreg:$0x1];
	p0 =	sne.s32 s2, $0x0  }
0x193: {  	s3 =	rddreg [dreg:$0x2];
	[bflag:$0x3] =	sbarrier.arrive $0xFFFF;
	s2 =	simm.s32 @!p0 $0x1C03  }
0x194: {  	[timem:s3], [sflag:s2] =	dma.local @!p0 [hbm:s0], s1  }
0x195: {  	s0 =	simm.s32 @!p0 $0x3  }
0x196: {  	_ =	swait.ge @!p0 [sflag:s0], s1  }
0x197: {  	s1 =	ssub.s32 @!p0 $0x0, s1;
	[sflag:s0] =	ssyncset.done @!p0 $0x0  }
0x198: {  	[sflag:s0] =	ssyncadd.s32 @!p0 s1  }
0x199: {  	[bflag:$0x3] =	sbarrier.arrive $0xFFFF  }
0x19a: {  	_ =	shalt  }

</sc_bundles>
